<compile_context>
chip_gen: v7x
topology: tpu7x:2x2x1
jax: 0.10.2.dev20260603
libtpu: 0.0.44.dev20260713+nightly
codegen_flags: <defaults>
</compile_context>

<pallas_src>
import functools

import jax
import jax.numpy as jnp
from jax import lax
from jax.experimental import pallas as pl
from jax.experimental.pallas import tpu as pltpu
from jax.experimental.pallas import tpu_sc as plsc

N = 10000
D = 128
NPAD = 10240
NBLK = NPAD // 128
NC = 2
NS = 16
NW = NC * NS
LK = 128
GRP = 2
CHUNKS = 82
GROUPS = CHUNKS // GRP
EPAD = NW * CHUNKS * LK
ROWS_PER_TILE = NPAD // NS


def _mesh():
    return plsc.VectorSubcoreMesh(core_axis_name="c", subcore_axis_name="s")


def _split_packed(pk, k, ri, ci):
    for m in range(LK // 16):
        sl = pl.ds(m * 16, 16)
        p = pk[k, sl]
        ri[sl] = p & 0x7FFF
        ci[sl] = lax.shift_right_logical(p, 15)


@functools.partial(
    pl.kernel,
    out_type=jax.ShapeDtypeStruct((NC * NPAD,), jnp.float32),
    mesh=_mesh(),
    scratch_types=[
        pltpu.VMEM((GRP, LK), jnp.int32),
        pltpu.VMEM((LK,), jnp.int32),
        pltpu.VMEM((LK,), jnp.int32),
        pltpu.VMEM((LK,), jnp.float32),
        pltpu.VMEM((ROWS_PER_TILE,), jnp.float32),
        pltpu.VMEM_SHARED((NPAD,), jnp.float32),
    ],
)
def _deg(pkb_hbm, zeros1_hbm, out_hbm, pk_v, ri_v, ci_v, ones_v, rb_v, deg_sh):
    c = lax.axis_index("c")
    s = lax.axis_index("s")
    wid = c * NS + s
    base = s * ROWS_PER_TILE
    pltpu.sync_copy(zeros1_hbm.at[pl.ds(base, ROWS_PER_TILE)],
                    deg_sh.at[pl.ds(base, ROWS_PER_TILE)])
    for i in range(LK // 16):
        ones_v[pl.ds(i * 16, 16)] = jnp.full((16,), 1.0, jnp.float32)
    plsc.subcore_barrier()

    def body(jj, carry):
        pltpu.sync_copy(pkb_hbm.at[pl.ds((jj * NW + wid) * GRP, GRP)], pk_v)
        for k in range(GRP):
            _split_packed(pk_v, k, ri_v, ci_v)
            pltpu.sync_copy(ones_v, deg_sh.at[ci_v], add=True)
        return carry

    lax.fori_loop(0, GROUPS, body, 0)
    plsc.subcore_barrier()
    pltpu.sync_copy(deg_sh.at[pl.ds(base, ROWS_PER_TILE)], rb_v)
    pltpu.sync_copy(rb_v, out_hbm.at[pl.ds(c * NPAD + base, ROWS_PER_TILE)])


@functools.partial(
    pl.kernel,
    out_type=jax.ShapeDtypeStruct((NC * NPAD, D), jnp.float32),
    mesh=_mesh(),
    scratch_types=[
        pltpu.VMEM((GRP, LK), jnp.int32),
        [pltpu.VMEM((LK,), jnp.int32) for _ in range(GRP)],
        [pltpu.VMEM((LK,), jnp.int32) for _ in range(GRP)],
        [pltpu.VMEM((LK, D), jnp.float32) for _ in range(GRP)],
        [pltpu.SemaphoreType.DMA for _ in range(GRP)],
        [pltpu.SemaphoreType.DMA for _ in range(GRP)],
        pltpu.VMEM_SHARED((NPAD, D), jnp.float32),
    ],
)
def _agg(y_hbm, pkb_hbm, zeros2_hbm, out_hbm,
         pk_v, ri, ci, buf, sg, ss, acc_sh):
    c = lax.axis_index("c")
    s = lax.axis_index("s")
    wid = c * NS + s
    base = s * ROWS_PER_TILE
    pltpu.sync_copy(zeros2_hbm.at[pl.ds(base, ROWS_PER_TILE)],
                    acc_sh.at[pl.ds(base, ROWS_PER_TILE)])
    plsc.subcore_barrier()

    def body(jj, carry):
        @pl.when(jj > 0)
        def _():
            for k in range(GRP):
                pltpu.make_async_copy(y_hbm.at[pl.ds(0, LK)], buf[k],
                                      ss[k]).wait()
        pltpu.sync_copy(pkb_hbm.at[pl.ds((jj * NW + wid) * GRP, GRP)], pk_v)
        cps = []
        for k in range(GRP):
            _split_packed(pk_v, k, ri[k], ci[k])
            cps.append(pltpu.async_copy(y_hbm.at[ri[k]], buf[k], sg[k]))
        for k in range(GRP):
            cps[k].wait()
            pltpu.async_copy(buf[k], acc_sh.at[ci[k]], ss[k], add=True)
        return carry

    lax.fori_loop(0, GROUPS, body, 0)
    for k in range(GRP):
        pltpu.make_async_copy(y_hbm.at[pl.ds(0, LK)], buf[k], ss[k]).wait()
    plsc.subcore_barrier()
    for k in range(ROWS_PER_TILE // LK):
        off = base + k * LK
        pltpu.sync_copy(acc_sh.at[pl.ds(off, LK)], buf[k % GRP])
        pltpu.sync_copy(buf[k % GRP], out_hbm.at[pl.ds(c * NPAD + off, LK)])


RB = 512
SUB = RB // 128
NGRID = NPAD // RB


def _dinv_diag(d0_b, d1_b, k):
    dinv = lax.rsqrt(d0_b[0, k] + d1_b[0, k]).reshape(1, 128)
    ir = lax.broadcasted_iota(jnp.int32, (128, 128), 0)
    ic = lax.broadcasted_iota(jnp.int32, (128, 128), 1)
    return jnp.where(ir == ic, jnp.broadcast_to(dinv, (128, 128)), 0.0)


def _mm_body(x_b, w_b, y_b):
    y_b[...] = jnp.dot(x_b[...], w_b[...], preferred_element_type=jnp.float32)


def _scale_body(xw_b, d0_b, d1_b, y_b):
    for k in range(SUB):
        dm = _dinv_diag(d0_b, d1_b, k)
        sl = pl.ds(k * 128, 128)
        y_b[sl, :] = jnp.dot(dm, xw_b[sl, :], preferred_element_type=jnp.float32)


def _tc2_body(a0_b, a1_b, d0_b, d1_b, b1_b, w_b, y_b, h_ref):
    for k in range(SUB):
        dm = _dinv_diag(d0_b, d1_b, k)
        sl = pl.ds(k * 128, 128)
        agg = a0_b[sl, :] + a1_b[sl, :]
        h = jnp.dot(dm, agg, preferred_element_type=jnp.float32) + b1_b[...]
        h_ref[sl, :] = jnp.maximum(h, 0.0)
    hw = jnp.dot(h_ref[...], w_b[...], preferred_element_type=jnp.float32)
    for k in range(SUB):
        dm = _dinv_diag(d0_b, d1_b, k)
        hwk = hw[k * 128:(k + 1) * 128, :]
        y_b[pl.ds(k * 128, 128), :] = jnp.dot(
            dm, hwk, preferred_element_type=jnp.float32)


def _tc3_body(a0_b, a1_b, d0_b, d1_b, b2_b, y_b):
    for k in range(SUB):
        dm = _dinv_diag(d0_b, d1_b, k)
        sl = pl.ds(k * 128, 128)
        agg = a0_b[sl, :] + a1_b[sl, :]
        y_b[sl, :] = (jnp.dot(dm, agg, preferred_element_type=jnp.float32)
                      + b2_b[...])


_ROWBLK = pl.BlockSpec((RB, D), lambda i: (i, 0))
_FULLW = pl.BlockSpec((D, D), lambda i: (0, 0))
_DEGBLK = pl.BlockSpec((1, SUB, 128), lambda i: (i, 0, 0))
_BIAS = pl.BlockSpec((1, D), lambda i: (0, 0))
_OUTBLK = jax.ShapeDtypeStruct((NPAD, D), jnp.float32)

_mm = pl.pallas_call(
    _mm_body, grid=(NGRID,),
    in_specs=[_ROWBLK, _FULLW],
    out_specs=_ROWBLK, out_shape=_OUTBLK)

_scale = pl.pallas_call(
    _scale_body, grid=(NGRID,),
    in_specs=[_ROWBLK, _DEGBLK, _DEGBLK],
    out_specs=_ROWBLK, out_shape=_OUTBLK)

_tc2 = pl.pallas_call(
    _tc2_body, grid=(NGRID,),
    in_specs=[_ROWBLK, _ROWBLK, _DEGBLK, _DEGBLK, _BIAS, _FULLW],
    out_specs=_ROWBLK, out_shape=_OUTBLK,
    scratch_shapes=[pltpu.VMEM((RB, D), jnp.float32)])

_tc3 = pl.pallas_call(
    _tc3_body, grid=(NGRID,),
    in_specs=[_ROWBLK, _ROWBLK, _DEGBLK, _DEGBLK, _BIAS],
    out_specs=_ROWBLK, out_shape=_OUTBLK)


@jax.jit
def _run(x, edge_index, W1, b1, W2, b2):
    row = edge_index[0].astype(jnp.int32)
    col = edge_index[1].astype(jnp.int32)
    loop = jnp.arange(N, dtype=jnp.int32)
    npad_e = EPAD - (row.shape[0] + N)
    row = jnp.concatenate([row, loop, jnp.zeros((npad_e,), jnp.int32)])
    pad_col = N + (jnp.arange(npad_e, dtype=jnp.int32) % (NPAD - N))
    col = jnp.concatenate([col, loop, pad_col])
    packed = (row | (col << 15)).reshape(NW * CHUNKS, LK)

    xp = jnp.zeros((NPAD, D), x.dtype).at[:N].set(x)
    z1 = jnp.zeros((NPAD,), jnp.float32)
    z2 = jnp.zeros((NPAD, D), jnp.float32)

    xw1 = _mm(xp, W1)
    deg = _deg(packed, z1).reshape(NC, NGRID, SUB, 128)
    d0, d1 = deg[0], deg[1]

    y1 = _scale(xw1, d0, d1)
    a = _agg(y1, packed, z2).reshape(NC, NPAD, D)
    y2 = _tc2(a[0], a[1], d0, d1, b1.reshape(1, D), W2)
    a = _agg(y2, packed, z2).reshape(NC, NPAD, D)
    out = _tc3(a[0], a[1], d0, d1, b2.reshape(1, D))
    return out[:N]


def kernel(x, edge_index, W1, b1, W2, b2):
    return _run(x, edge_index, W1, b1, W2, b2)

# --- scband reference (transcript-rebuilt; emitter-appended) ---
"""Pipeline reference for scband-gcn-66795331387932 (READ-ONLY COPY).

The authoritative reference and input builder live on the scoring server;
editing this copy changes nothing except your own understanding.
"""

import jax, jax.numpy as jnp
import numpy as np

N_NODES = 10000
N_EDGES = 320000
D_IN = 128
D_HID = 128
D_OUT = 128


def gcn_conv(x, edge_index, W, b):
    num_nodes = x.shape[0]
    row = edge_index[0]
    col = edge_index[1]
    # add self-loops (PyG GCNConv default add_self_loops=True, fill_value=1.0)
    loop = jnp.arange(num_nodes, dtype=row.dtype)
    row = jnp.concatenate([row, loop])
    col = jnp.concatenate([col, loop])
    ew = jnp.ones(row.shape[0], dtype=x.dtype)
    # symmetric normalization: D^{-1/2} (A+I) D^{-1/2}
    deg = jnp.zeros(num_nodes, dtype=x.dtype).at[col].add(ew)
    deg_inv_sqrt = jnp.where(deg > 0, jax.lax.rsqrt(jnp.maximum(deg, 1e-12)), 0.0)
    norm = deg_inv_sqrt[row] * ew * deg_inv_sqrt[col]
    # linear transform then propagate
    xw = x @ W
    msg = norm[:, None] * xw[row]
    out = jnp.zeros((num_nodes, xw.shape[1]), dtype=xw.dtype).at[col].add(msg)
    return out + b


def setup_inputs(seed: int = 0) -> dict:
    key = jax.random.key(seed)
    k1, k2, k3, k4, k5, k6 = jax.random.split(key, 6)
    x = jax.random.normal(k1, (N_NODES, D_IN), dtype=jnp.float32)
    edge_index = jax.random.randint(k2, (2, N_EDGES), 0, N_NODES, dtype=jnp.int64)
    s1 = 1.0 / np.sqrt(D_IN)
    s2 = 1.0 / np.sqrt(D_HID)
    W1 = jax.random.uniform(k3, (D_IN, D_HID), dtype=jnp.float32, minval=-s1, maxval=s1)
    b1 = jnp.zeros((D_HID,), dtype=jnp.float32)
    W2 = jax.random.uniform(k4, (D_HID, D_OUT), dtype=jnp.float32, minval=-s2, maxval=s2)
    b2 = jnp.zeros((D_OUT,), dtype=jnp.float32)
    return {"x": x, "edge_index": edge_index, "W1": W1, "b1": b1, "W2": W2, "b2": b2}


def reference(x, edge_index, W1, b1, W2, b2):
    h = gcn_conv(x, edge_index, W1, b1)
    h = jax.nn.relu(h)
    # dropout is identity in eval mode
    out = gcn_conv(h, edge_index, W2, b2)
    return out

if __name__ == "__main__":
    import jax
    _d = setup_inputs()
    print(jax.jit(kernel)(*tuple(_d.values())))

</pallas_src>

<mosaic_0001>
#map = affine_map<(d0, d1) -> (0, 0)>
module attributes {stable_mosaic.version = 14 : i64} {
  func.func @_agg(%arg0: i32, %arg1: i32, %arg2: memref<10240x128xf32, #tpu.memory_space<hbm>>, %arg3: memref<2624x128xi32, #tpu.memory_space<hbm>>, %arg4: memref<10240x128xf32, #tpu.memory_space<hbm>>, %arg5: memref<20480x128xf32, #tpu.memory_space<hbm>>, %arg6: memref<2x128xi32, #tpu.memory_space<vmem>>, %arg7: memref<128xi32, #tpu.memory_space<vmem>>, %arg8: memref<128xi32, #tpu.memory_space<vmem>>, %arg9: memref<128xi32, #tpu.memory_space<vmem>>, %arg10: memref<128xi32, #tpu.memory_space<vmem>>, %arg11: memref<128x128xf32, #tpu.memory_space<vmem>>, %arg12: memref<128x128xf32, #tpu.memory_space<vmem>>, %arg13: memref<!tpu.dma_semaphore, #tpu.memory_space<semaphore_mem>>, %arg14: memref<!tpu.dma_semaphore, #tpu.memory_space<semaphore_mem>>, %arg15: memref<!tpu.dma_semaphore, #tpu.memory_space<semaphore_mem>>, %arg16: memref<!tpu.dma_semaphore, #tpu.memory_space<semaphore_mem>>, %arg17: memref<10240x128xf32, #tpu.memory_space<vmem_shared>>) attributes {dimension_semantics = [#tpu.dimension_semantics<core_parallel>, #tpu.dimension_semantics<subcore_parallel>], iteration_bounds = array<i64: 2, 16>, scalar_prefetch = 0 : i64, scratch_operands = 12 : i64, tpu.core_type = #tpu.core_type<sc_vector_subcore>, window_params = [{transform_indices = #map}, {transform_indices = #map}, {transform_indices = #map}, {transform_indices = #map}]} {
    %mul3A = arith.constant 16 : i32
    %mul3A_0 = arith.muli %arg0, %mul3A : i32
    %add3A = arith.addi %mul3A_0, %arg1 : i32
    %mul3A_1 = arith.constant 640 : i32
    %mul3A_2 = arith.muli %arg1, %mul3A_1 : i32
    "tpu.region"() ({
      %run_scoped3A = tpu.sem_alloc : memref<!tpu.dma_semaphore, #tpu.memory_space<semaphore_mem>>
      %dma_start3A = arith.constant 0 : i32
      %dma_start3A_45 = tpu.memref_slice %arg17[%mul3A_2, %dma_start3A] : memref<10240x128xf32, #tpu.memory_space<vmem_shared>> -> memref<640x128xf32, #tpu.memory_space<vmem_shared>>
      %dma_start3A_46 = arith.constant 0 : i32
      %dma_start3A_47 = tpu.memref_slice %arg4[%mul3A_2, %dma_start3A_46] : memref<10240x128xf32, #tpu.memory_space<hbm>> -> memref<640x128xf32, #tpu.memory_space<hbm>>
      tpu.enqueue_dma source(%dma_start3A_47 : memref<640x128xf32, #tpu.memory_space<hbm>>) target(%dma_start3A_45 : memref<640x128xf32, #tpu.memory_space<vmem_shared>>) target_semaphore(%run_scoped3A : memref<!tpu.dma_semaphore, #tpu.memory_space<semaphore_mem>>)
      %dma_wait3A_48 = arith.constant 0 : i32
      %dma_wait3A_49 = tpu.memref_slice %arg17[%mul3A_2, %dma_wait3A_48] : memref<10240x128xf32, #tpu.memory_space<vmem_shared>> -> memref<640x128xf32, #tpu.memory_space<vmem_shared>>
      %dma_wait3A_50 = arith.constant 0 : i32
      %dma_wait3A_51 = tpu.memref_slice %arg4[%mul3A_2, %dma_wait3A_50] : memref<10240x128xf32, #tpu.memory_space<hbm>> -> memref<640x128xf32, #tpu.memory_space<hbm>>
      tpu.wait_dma2 semaphore(%run_scoped3A : memref<!tpu.dma_semaphore, #tpu.memory_space<semaphore_mem>>) src(%dma_wait3A_51 : memref<640x128xf32, #tpu.memory_space<hbm>>) dst(%dma_wait3A_49 : memref<640x128xf32, #tpu.memory_space<vmem_shared>>)
      tpu.yield
    }) : () -> ()
    %barrier3A = arith.constant 0 : index
    tpu.barrier barrier_id(%barrier3A)
    %scan3A = arith.constant 0 : i32
    %scan3A_3 = arith.constant 0 : i32
    %scan3A_4 = arith.constant 41 : i32
    %scan3A_5 = arith.addi %scan3A_3, %scan3A_4 : i32
    %scan3A_6 = arith.constant 1 : i32
    scf.for %scan3A_45 = %scan3A_3 to %scan3A_5 step %scan3A_6  : i32 {
      %gt3A = arith.constant 0 : i32
      %gt3A_46 = arith.cmpi sgt, %scan3A_45, %gt3A : i32
      %convert_element_type3A = arith.extui %gt3A_46 : i1 to i32
      %cond3A = arith.constant 0 : i32
      %cond3A_47 = arith.cmpi ne, %convert_element_type3A, %cond3A : i32
      scf.if %cond3A_47 {
        %dma_wait3A_370 = arith.constant 0 : i32
        %dma_wait3A_371 = arith.constant 0 : i32
        %dma_wait3A_372 = tpu.memref_slice %arg2[%dma_wait3A_370, %dma_wait3A_371] : memref<10240x128xf32, #tpu.memory_space<hbm>> -> memref<128x128xf32, #tpu.memory_space<hbm>>
        %dma_wait3A_373 = arith.constant 0 : i32
        %dma_wait3A_374 = arith.constant 0 : i32
        %dma_wait3A_375 = tpu.memref_slice %arg2[%dma_wait3A_373, %dma_wait3A_374] : memref<10240x128xf32, #tpu.memory_space<hbm>> -> memref<128x128xf32, #tpu.memory_space<hbm>>
        tpu.wait_dma2 semaphore(%arg15 : memref<!tpu.dma_semaphore, #tpu.memory_space<semaphore_mem>>) src(%dma_wait3A_375 : memref<128x128xf32, #tpu.memory_space<hbm>>) dst(%arg11 : memref<128x128xf32, #tpu.memory_space<vmem>>)
        %dma_wait3A_376 = arith.constant 0 : i32
        %dma_wait3A_377 = arith.constant 0 : i32
        %dma_wait3A_378 = tpu.memref_slice %arg2[%dma_wait3A_376, %dma_wait3A_377] : memref<10240x128xf32, #tpu.memory_space<hbm>> -> memref<128x128xf32, #tpu.memory_space<hbm>>
        %dma_wait3A_379 = arith.constant 0 : i32
        %dma_wait3A_380 = arith.constant 0 : i32
        %dma_wait3A_381 = tpu.memref_slice %arg2[%dma_wait3A_379, %dma_wait3A_380] : memref<10240x128xf32, #tpu.memory_space<hbm>> -> memref<128x128xf32, #tpu.memory_space<hbm>>
        tpu.wait_dma2 semaphore(%arg16 : memref<!tpu.dma_semaphore, #tpu.memory_space<semaphore_mem>>) src(%dma_wait3A_381 : memref<128x128xf32, #tpu.memory_space<hbm>>) dst(%arg12 : memref<128x128xf32, #tpu.memory_space<vmem>>)
      } else {
      }
      %mul3A_48 = arith.constant 32 : i32
      %mul3A_49 = arith.muli %scan3A_45, %mul3A_48 : i32
      %add3A_50 = arith.addi %mul3A_49, %add3A : i32
      %mul3A_51 = arith.constant 2 : i32
      %mul3A_52 = arith.muli %add3A_50, %mul3A_51 : i32
      "tpu.region"() ({
        %run_scoped3A = tpu.sem_alloc : memref<!tpu.dma_semaphore, #tpu.memory_space<semaphore_mem>>
        %dma_start3A_370 = arith.constant 0 : i32
        %dma_start3A_371 = tpu.memref_slice %arg3[%mul3A_52, %dma_start3A_370] : memref<2624x128xi32, #tpu.memory_space<hbm>> -> memref<2x128xi32, #tpu.memory_space<hbm>>
        %dma_start3A_372 = arith.constant 0 : i32
        %dma_start3A_373 = tpu.memref_slice %arg3[%mul3A_52, %dma_start3A_372] : memref<2624x128xi32, #tpu.memory_space<hbm>> -> memref<2x128xi32, #tpu.memory_space<hbm>>
        tpu.enqueue_dma source(%dma_start3A_373 : memref<2x128xi32, #tpu.memory_space<hbm>>) target(%arg6 : memref<2x128xi32, #tpu.memory_space<vmem>>) target_semaphore(%run_scoped3A : memref<!tpu.dma_semaphore, #tpu.memory_space<semaphore_mem>>)
        %dma_wait3A_374 = arith.constant 0 : i32
        %dma_wait3A_375 = tpu.memref_slice %arg3[%mul3A_52, %dma_wait3A_374] : memref<2624x128xi32, #tpu.memory_space<hbm>> -> memref<2x128xi32, #tpu.memory_space<hbm>>
        %dma_wait3A_376 = arith.constant 0 : i32
        %dma_wait3A_377 = tpu.memref_slice %arg3[%mul3A_52, %dma_wait3A_376] : memref<2624x128xi32, #tpu.memory_space<hbm>> -> memref<2x128xi32, #tpu.memory_space<hbm>>
        tpu.wait_dma2 semaphore(%run_scoped3A : memref<!tpu.dma_semaphore, #tpu.memory_space<semaphore_mem>>) src(%dma_wait3A_377 : memref<2x128xi32, #tpu.memory_space<hbm>>) dst(%arg6 : memref<2x128xi32, #tpu.memory_space<vmem>>)
        tpu.yield
      }) : () -> ()
      %get3A = arith.constant 0 : i32
      %get3A_53 = arith.index_cast %get3A : i32 to index
      %get3A_54 = arith.constant 0 : index
      %get3A_55 = tpu.vector_load %arg6[%get3A_53, %get3A_54] {strides = array<i32>} : memref<2x128xi32, #tpu.memory_space<vmem>>, vector<1x16xi32>,
      %get3A_56 = vector.shape_cast %get3A_55 : vector<1x16xi32> to vector<16xi32>
      %and3A = arith.constant 32767 : i32
      %and3A_57 = vector.broadcast %and3A : i32 to vector<16xi32>
      %and3A_58 = arith.andi %get3A_56, %and3A_57 : vector<16xi32>
      %swap3A = arith.constant 0 : index
      %swap3A_59 = tpu.vector_load %arg7[%swap3A] {strides = array<i32>} : memref<128xi32, #tpu.memory_space<vmem>>, vector<16xi32>,
      %swap3A_60 = vector.shape_cast %swap3A_59 : vector<16xi32> to vector<16xi32>
      %swap3A_61 = vector.shape_cast %and3A_58 : vector<16xi32> to vector<16xi32>
      tpu.vector_store %arg7[%swap3A], %swap3A_61 {strides = array<i32>} : memref<128xi32, #tpu.memory_space<vmem>>, vector<16xi32>,
      %shift_right_logical3A = arith.constant 15 : i32
      %shift_right_logical3A_62 = vector.broadcast %shift_right_logical3A : i32 to vector<16xi32>
      %shift_right_logical3A_63 = arith.shrui %get3A_56, %shift_right_logical3A_62 : vector<16xi32>
      %swap3A_64 = arith.constant 0 : index
      %swap3A_65 = tpu.vector_load %arg9[%swap3A_64] {strides = array<i32>} : memref<128xi32, #tpu.memory_space<vmem>>, vector<16xi32>,
      %swap3A_66 = vector.shape_cast %swap3A_65 : vector<16xi32> to vector<16xi32>
      %swap3A_67 = vector.shape_cast %shift_right_logical3A_63 : vector<16xi32> to vector<16xi32>
      tpu.vector_store %arg9[%swap3A_64], %swap3A_67 {strides = array<i32>} : memref<128xi32, #tpu.memory_space<vmem>>, vector<16xi32>,
      %get3A_68 = arith.constant 0 : i32
      %get3A_69 = arith.index_cast %get3A_68 : i32 to index
      %get3A_70 = arith.constant 16 : index
      %get3A_71 = tpu.vector_load %arg6[%get3A_69, %get3A_70] {strides = array<i32>} : memref<2x128xi32, #tpu.memory_space<vmem>>, vector<1x16xi32>,
      %get3A_72 = vector.shape_cast %get3A_71 : vector<1x16xi32> to vector<16xi32>
      %and3A_73 = arith.constant 32767 : i32
      %and3A_74 = vector.broadcast %and3A_73 : i32 to vector<16xi32>
      %and3A_75 = arith.andi %get3A_72, %and3A_74 : vector<16xi32>
      %swap3A_76 = arith.constant 16 : index
      %swap3A_77 = tpu.vector_load %arg7[%swap3A_76] {strides = array<i32>} : memref<128xi32, #tpu.memory_space<vmem>>, vector<16xi32>,
      %swap3A_78 = vector.shape_cast %swap3A_77 : vector<16xi32> to vector<16xi32>
      %swap3A_79 = vector.shape_cast %and3A_75 : vector<16xi32> to vector<16xi32>
      tpu.vector_store %arg7[%swap3A_76], %swap3A_79 {strides = array<i32>} : memref<128xi32, #tpu.memory_space<vmem>>, vector<16xi32>,
      %shift_right_logical3A_80 = arith.constant 15 : i32
      %shift_right_logical3A_81 = vector.broadcast %shift_right_logical3A_80 : i32 to vector<16xi32>
      %shift_right_logical3A_82 = arith.shrui %get3A_72, %shift_right_logical3A_81 : vector<16xi32>
      %swap3A_83 = arith.constant 16 : index
      %swap3A_84 = tpu.vector_load %arg9[%swap3A_83] {strides = array<i32>} : memref<128xi32, #tpu.memory_space<vmem>>, vector<16xi32>,
      %swap3A_85 = vector.shape_cast %swap3A_84 : vector<16xi32> to vector<16xi32>
      %swap3A_86 = vector.shape_cast %shift_right_logical3A_82 : vector<16xi32> to vector<16xi32>
      tpu.vector_store %arg9[%swap3A_83], %swap3A_86 {strides = array<i32>} : memref<128xi32, #tpu.memory_space<vmem>>, vector<16xi32>,
      %get3A_87 = arith.constant 0 : i32
      %get3A_88 = arith.index_cast %get3A_87 : i32 to index
      %get3A_89 = arith.constant 32 : index
      %get3A_90 = tpu.vector_load %arg6[%get3A_88, %get3A_89] {strides = array<i32>} : memref<2x128xi32, #tpu.memory_space<vmem>>, vector<1x16xi32>,
      %get3A_91 = vector.shape_cast %get3A_90 : vector<1x16xi32> to vector<16xi32>
      %and3A_92 = arith.constant 32767 : i32
      %and3A_93 = vector.broadcast %and3A_92 : i32 to vector<16xi32>
      %and3A_94 = arith.andi %get3A_91, %and3A_93 : vector<16xi32>
      %swap3A_95 = arith.constant 32 : index
      %swap3A_96 = tpu.vector_load %arg7[%swap3A_95] {strides = array<i32>} : memref<128xi32, #tpu.memory_space<vmem>>, vector<16xi32>,
      %swap3A_97 = vector.shape_cast %swap3A_96 : vector<16xi32> to vector<16xi32>
      %swap3A_98 = vector.shape_cast %and3A_94 : vector<16xi32> to vector<16xi32>
      tpu.vector_store %arg7[%swap3A_95], %swap3A_98 {strides = array<i32>} : memref<128xi32, #tpu.memory_space<vmem>>, vector<16xi32>,
      %shift_right_logical3A_99 = arith.constant 15 : i32
      %shift_right_logical3A_100 = vector.broadcast %shift_right_logical3A_99 : i32 to vector<16xi32>
      %shift_right_logical3A_101 = arith.shrui %get3A_91, %shift_right_logical3A_100 : vector<16xi32>
      %swap3A_102 = arith.constant 32 : index
      %swap3A_103 = tpu.vector_load %arg9[%swap3A_102] {strides = array<i32>} : memref<128xi32, #tpu.memory_space<vmem>>, vector<16xi32>,
      %swap3A_104 = vector.shape_cast %swap3A_103 : vector<16xi32> to vector<16xi32>
      %swap3A_105 = vector.shape_cast %shift_right_logical3A_101 : vector<16xi32> to vector<16xi32>
      tpu.vector_store %arg9[%swap3A_102], %swap3A_105 {strides = array<i32>} : memref<128xi32, #tpu.memory_space<vmem>>, vector<16xi32>,
      %get3A_106 = arith.constant 0 : i32
      %get3A_107 = arith.index_cast %get3A_106 : i32 to index
      %get3A_108 = arith.constant 48 : index
      %get3A_109 = tpu.vector_load %arg6[%get3A_107, %get3A_108] {strides = array<i32>} : memref<2x128xi32, #tpu.memory_space<vmem>>, vector<1x16xi32>,
      %get3A_110 = vector.shape_cast %get3A_109 : vector<1x16xi32> to vector<16xi32>
      %and3A_111 = arith.constant 32767 : i32
      %and3A_112 = vector.broadcast %and3A_111 : i32 to vector<16xi32>
      %and3A_113 = arith.andi %get3A_110, %and3A_112 : vector<16xi32>
      %swap3A_114 = arith.constant 48 : index
      %swap3A_115 = tpu.vector_load %arg7[%swap3A_114] {strides = array<i32>} : memref<128xi32, #tpu.memory_space<vmem>>, vector<16xi32>,
      %swap3A_116 = vector.shape_cast %swap3A_115 : vector<16xi32> to vector<16xi32>
      %swap3A_117 = vector.shape_cast %and3A_113 : vector<16xi32> to vector<16xi32>
      tpu.vector_store %arg7[%swap3A_114], %swap3A_117 {strides = array<i32>} : memref<128xi32, #tpu.memory_space<vmem>>, vector<16xi32>,
      %shift_right_logical3A_118 = arith.constant 15 : i32
      %shift_right_logical3A_119 = vector.broadcast %shift_right_logical3A_118 : i32 to vector<16xi32>
      %shift_right_logical3A_120 = arith.shrui %get3A_110, %shift_right_logical3A_119 : vector<16xi32>
      %swap3A_121 = arith.constant 48 : index
      %swap3A_122 = tpu.vector_load %arg9[%swap3A_121] {strides = array<i32>} : memref<128xi32, #tpu.memory_space<vmem>>, vector<16xi32>,
      %swap3A_123 = vector.shape_cast %swap3A_122 : vector<16xi32> to vector<16xi32>
      %swap3A_124 = vector.shape_cast %shift_right_logical3A_120 : vector<16xi32> to vector<16xi32>
      tpu.vector_store %arg9[%swap3A_121], %swap3A_124 {strides = array<i32>} : memref<128xi32, #tpu.memory_space<vmem>>, vector<16xi32>,
      %get3A_125 = arith.constant 0 : i32
      %get3A_126 = arith.index_cast %get3A_125 : i32 to index
      %get3A_127 = arith.constant 64 : index
      %get3A_128 = tpu.vector_load %arg6[%get3A_126, %get3A_127] {strides = array<i32>} : memref<2x128xi32, #tpu.memory_space<vmem>>, vector<1x16xi32>,
      %get3A_129 = vector.shape_cast %get3A_128 : vector<1x16xi32> to vector<16xi32>
      %and3A_130 = arith.constant 32767 : i32
      %and3A_131 = vector.broadcast %and3A_130 : i32 to vector<16xi32>
      %and3A_132 = arith.andi %get3A_129, %and3A_131 : vector<16xi32>
      %swap3A_133 = arith.constant 64 : index
      %swap3A_134 = tpu.vector_load %arg7[%swap3A_133] {strides = array<i32>} : memref<128xi32, #tpu.memory_space<vmem>>, vector<16xi32>,
      %swap3A_135 = vector.shape_cast %swap3A_134 : vector<16xi32> to vector<16xi32>
      %swap3A_136 = vector.shape_cast %and3A_132 : vector<16xi32> to vector<16xi32>
      tpu.vector_store %arg7[%swap3A_133], %swap3A_136 {strides = array<i32>} : memref<128xi32, #tpu.memory_space<vmem>>, vector<16xi32>,
      %shift_right_logical3A_137 = arith.constant 15 : i32
      %shift_right_logical3A_138 = vector.broadcast %shift_right_logical3A_137 : i32 to vector<16xi32>
      %shift_right_logical3A_139 = arith.shrui %get3A_129, %shift_right_logical3A_138 : vector<16xi32>
      %swap3A_140 = arith.constant 64 : index
      %swap3A_141 = tpu.vector_load %arg9[%swap3A_140] {strides = array<i32>} : memref<128xi32, #tpu.memory_space<vmem>>, vector<16xi32>,
      %swap3A_142 = vector.shape_cast %swap3A_141 : vector<16xi32> to vector<16xi32>
      %swap3A_143 = vector.shape_cast %shift_right_logical3A_139 : vector<16xi32> to vector<16xi32>
      tpu.vector_store %arg9[%swap3A_140], %swap3A_143 {strides = array<i32>} : memref<128xi32, #tpu.memory_space<vmem>>, vector<16xi32>,
      %get3A_144 = arith.constant 0 : i32
      %get3A_145 = arith.index_cast %get3A_144 : i32 to index
      %get3A_146 = arith.constant 80 : index
      %get3A_147 = tpu.vector_load %arg6[%get3A_145, %get3A_146] {strides = array<i32>} : memref<2x128xi32, #tpu.memory_space<vmem>>, vector<1x16xi32>,
      %get3A_148 = vector.shape_cast %get3A_147 : vector<1x16xi32> to vector<16xi32>
      %and3A_149 = arith.constant 32767 : i32
      %and3A_150 = vector.broadcast %and3A_149 : i32 to vector<16xi32>
      %and3A_151 = arith.andi %get3A_148, %and3A_150 : vector<16xi32>
      %swap3A_152 = arith.constant 80 : index
      %swap3A_153 = tpu.vector_load %arg7[%swap3A_152] {strides = array<i32>} : memref<128xi32, #tpu.memory_space<vmem>>, vector<16xi32>,
      %swap3A_154 = vector.shape_cast %swap3A_153 : vector<16xi32> to vector<16xi32>
      %swap3A_155 = vector.shape_cast %and3A_151 : vector<16xi32> to vector<16xi32>
      tpu.vector_store %arg7[%swap3A_152], %swap3A_155 {strides = array<i32>} : memref<128xi32, #tpu.memory_space<vmem>>, vector<16xi32>,
      %shift_right_logical3A_156 = arith.constant 15 : i32
      %shift_right_logical3A_157 = vector.broadcast %shift_right_logical3A_156 : i32 to vector<16xi32>
      %shift_right_logical3A_158 = arith.shrui %get3A_148, %shift_right_logical3A_157 : vector<16xi32>
      %swap3A_159 = arith.constant 80 : index
      %swap3A_160 = tpu.vector_load %arg9[%swap3A_159] {strides = array<i32>} : memref<128xi32, #tpu.memory_space<vmem>>, vector<16xi32>,
      %swap3A_161 = vector.shape_cast %swap3A_160 : vector<16xi32> to vector<16xi32>
      %swap3A_162 = vector.shape_cast %shift_right_logical3A_158 : vector<16xi32> to vector<16xi32>
      tpu.vector_store %arg9[%swap3A_159], %swap3A_162 {strides = array<i32>} : memref<128xi32, #tpu.memory_space<vmem>>, vector<16xi32>,
      %get3A_163 = arith.constant 0 : i32
      %get3A_164 = arith.index_cast %get3A_163 : i32 to index
      %get3A_165 = arith.constant 96 : index
      %get3A_166 = tpu.vector_load %arg6[%get3A_164, %get3A_165] {strides = array<i32>} : memref<2x128xi32, #tpu.memory_space<vmem>>, vector<1x16xi32>,
      %get3A_167 = vector.shape_cast %get3A_166 : vector<1x16xi32> to vector<16xi32>
      %and3A_168 = arith.constant 32767 : i32
      %and3A_169 = vector.broadcast %and3A_168 : i32 to vector<16xi32>
      %and3A_170 = arith.andi %get3A_167, %and3A_169 : vector<16xi32>
      %swap3A_171 = arith.constant 96 : index
      %swap3A_172 = tpu.vector_load %arg7[%swap3A_171] {strides = array<i32>} : memref<128xi32, #tpu.memory_space<vmem>>, vector<16xi32>,
      %swap3A_173 = vector.shape_cast %swap3A_172 : vector<16xi32> to vector<16xi32>
      %swap3A_174 = vector.shape_cast %and3A_170 : vector<16xi32> to vector<16xi32>
      tpu.vector_store %arg7[%swap3A_171], %swap3A_174 {strides = array<i32>} : memref<128xi32, #tpu.memory_space<vmem>>, vector<16xi32>,
      %shift_right_logical3A_175 = arith.constant 15 : i32
      %shift_right_logical3A_176 = vector.broadcast %shift_right_logical3A_175 : i32 to vector<16xi32>
      %shift_right_logical3A_177 = arith.shrui %get3A_167, %shift_right_logical3A_176 : vector<16xi32>
      %swap3A_178 = arith.constant 96 : index
      %swap3A_179 = tpu.vector_load %arg9[%swap3A_178] {strides = array<i32>} : memref<128xi32, #tpu.memory_space<vmem>>, vector<16xi32>,
      %swap3A_180 = vector.shape_cast %swap3A_179 : vector<16xi32> to vector<16xi32>
      %swap3A_181 = vector.shape_cast %shift_right_logical3A_177 : vector<16xi32> to vector<16xi32>
      tpu.vector_store %arg9[%swap3A_178], %swap3A_181 {strides = array<i32>} : memref<128xi32, #tpu.memory_space<vmem>>, vector<16xi32>,
      %get3A_182 = arith.constant 0 : i32
      %get3A_183 = arith.index_cast %get3A_182 : i32 to index
      %get3A_184 = arith.constant 112 : index
      %get3A_185 = tpu.vector_load %arg6[%get3A_183, %get3A_184] {strides = array<i32>} : memref<2x128xi32, #tpu.memory_space<vmem>>, vector<1x16xi32>,
      %get3A_186 = vector.shape_cast %get3A_185 : vector<1x16xi32> to vector<16xi32>
      %and3A_187 = arith.constant 32767 : i32
      %and3A_188 = vector.broadcast %and3A_187 : i32 to vector<16xi32>
      %and3A_189 = arith.andi %get3A_186, %and3A_188 : vector<16xi32>
      %swap3A_190 = arith.constant 112 : index
      %swap3A_191 = tpu.vector_load %arg7[%swap3A_190] {strides = array<i32>} : memref<128xi32, #tpu.memory_space<vmem>>, vector<16xi32>,
      %swap3A_192 = vector.shape_cast %swap3A_191 : vector<16xi32> to vector<16xi32>
      %swap3A_193 = vector.shape_cast %and3A_189 : vector<16xi32> to vector<16xi32>
      tpu.vector_store %arg7[%swap3A_190], %swap3A_193 {strides = array<i32>} : memref<128xi32, #tpu.memory_space<vmem>>, vector<16xi32>,
      %shift_right_logical3A_194 = arith.constant 15 : i32
      %shift_right_logical3A_195 = vector.broadcast %shift_right_logical3A_194 : i32 to vector<16xi32>
      %shift_right_logical3A_196 = arith.shrui %get3A_186, %shift_right_logical3A_195 : vector<16xi32>
      %swap3A_197 = arith.constant 112 : index
      %swap3A_198 = tpu.vector_load %arg9[%swap3A_197] {strides = array<i32>} : memref<128xi32, #tpu.memory_space<vmem>>, vector<16xi32>,
      %swap3A_199 = vector.shape_cast %swap3A_198 : vector<16xi32> to vector<16xi32>
      %swap3A_200 = vector.shape_cast %shift_right_logical3A_196 : vector<16xi32> to vector<16xi32>
      tpu.vector_store %arg9[%swap3A_197], %swap3A_200 {strides = array<i32>} : memref<128xi32, #tpu.memory_space<vmem>>, vector<16xi32>,
      %dma_start3A = arith.constant 0 : i32
      %dma_start3A_201 = arith.constant 0 : i32
      %dma_start3A_202 = tpu.memref_slice %arg2[%dma_start3A, %dma_start3A_201] : memref<10240x128xf32, #tpu.memory_space<hbm>> -> memref<10240x128xf32, #tpu.memory_space<hbm>>
      tpu.enqueue_indirect_dma source(%dma_start3A_202 : memref<10240x128xf32, #tpu.memory_space<hbm>>) target(%arg11 : memref<128x128xf32, #tpu.memory_space<vmem>>) offsets(%arg7 : memref<128xi32, #tpu.memory_space<vmem>>) semaphore(%arg13 : memref<!tpu.dma_semaphore, #tpu.memory_space<semaphore_mem>>)
      %get3A_203 = arith.constant 1 : i32
      %get3A_204 = arith.index_cast %get3A_203 : i32 to index
      %get3A_205 = arith.constant 0 : index
      %get3A_206 = tpu.vector_load %arg6[%get3A_204, %get3A_205] {strides = array<i32>} : memref<2x128xi32, #tpu.memory_space<vmem>>, vector<1x16xi32>,
      %get3A_207 = vector.shape_cast %get3A_206 : vector<1x16xi32> to vector<16xi32>
      %and3A_208 = arith.constant 32767 : i32
      %and3A_209 = vector.broadcast %and3A_208 : i32 to vector<16xi32>
      %and3A_210 = arith.andi %get3A_207, %and3A_209 : vector<16xi32>
      %swap3A_211 = arith.constant 0 : index
      %swap3A_212 = tpu.vector_load %arg8[%swap3A_211] {strides = array<i32>} : memref<128xi32, #tpu.memory_space<vmem>>, vector<16xi32>,
      %swap3A_213 = vector.shape_cast %swap3A_212 : vector<16xi32> to vector<16xi32>
      %swap3A_214 = vector.shape_cast %and3A_210 : vector<16xi32> to vector<16xi32>
      tpu.vector_store %arg8[%swap3A_211], %swap3A_214 {strides = array<i32>} : memref<128xi32, #tpu.memory_space<vmem>>, vector<16xi32>,
      %shift_right_logical3A_215 = arith.constant 15 : i32
      %shift_right_logical3A_216 = vector.broadcast %shift_right_logical3A_215 : i32 to vector<16xi32>
      %shift_right_logical3A_217 = arith.shrui %get3A_207, %shift_right_logical3A_216 : vector<16xi32>
      %swap3A_218 = arith.constant 0 : index
      %swap3A_219 = tpu.vector_load %arg10[%swap3A_218] {strides = array<i32>} : memref<128xi32, #tpu.memory_space<vmem>>, vector<16xi32>,
      %swap3A_220 = vector.shape_cast %swap3A_219 : vector<16xi32> to vector<16xi32>
      %swap3A_221 = vector.shape_cast %shift_right_logical3A_217 : vector<16xi32> to vector<16xi32>
      tpu.vector_store %arg10[%swap3A_218], %swap3A_221 {strides = array<i32>} : memref<128xi32, #tpu.memory_space<vmem>>, vector<16xi32>,
      %get3A_222 = arith.constant 1 : i32
      %get3A_223 = arith.index_cast %get3A_222 : i32 to index
      %get3A_224 = arith.constant 16 : index
      %get3A_225 = tpu.vector_load %arg6[%get3A_223, %get3A_224] {strides = array<i32>} : memref<2x128xi32, #tpu.memory_space<vmem>>, vector<1x16xi32>,
      %get3A_226 = vector.shape_cast %get3A_225 : vector<1x16xi32> to vector<16xi32>
      %and3A_227 = arith.constant 32767 : i32
      %and3A_228 = vector.broadcast %and3A_227 : i32 to vector<16xi32>
      %and3A_229 = arith.andi %get3A_226, %and3A_228 : vector<16xi32>
      %swap3A_230 = arith.constant 16 : index
      %swap3A_231 = tpu.vector_load %arg8[%swap3A_230] {strides = array<i32>} : memref<128xi32, #tpu.memory_space<vmem>>, vector<16xi32>,
      %swap3A_232 = vector.shape_cast %swap3A_231 : vector<16xi32> to vector<16xi32>
      %swap3A_233 = vector.shape_cast %and3A_229 : vector<16xi32> to vector<16xi32>
      tpu.vector_store %arg8[%swap3A_230], %swap3A_233 {strides = array<i32>} : memref<128xi32, #tpu.memory_space<vmem>>, vector<16xi32>,
      %shift_right_logical3A_234 = arith.constant 15 : i32
      %shift_right_logical3A_235 = vector.broadcast %shift_right_logical3A_234 : i32 to vector<16xi32>
      %shift_right_logical3A_236 = arith.shrui %get3A_226, %shift_right_logical3A_235 : vector<16xi32>
      %swap3A_237 = arith.constant 16 : index
      %swap3A_238 = tpu.vector_load %arg10[%swap3A_237] {strides = array<i32>} : memref<128xi32, #tpu.memory_space<vmem>>, vector<16xi32>,
      %swap3A_239 = vector.shape_cast %swap3A_238 : vector<16xi32> to vector<16xi32>
      %swap3A_240 = vector.shape_cast %shift_right_logical3A_236 : vector<16xi32> to vector<16xi32>
      tpu.vector_store %arg10[%swap3A_237], %swap3A_240 {strides = array<i32>} : memref<128xi32, #tpu.memory_space<vmem>>, vector<16xi32>,
      %get3A_241 = arith.constant 1 : i32
      %get3A_242 = arith.index_cast %get3A_241 : i32 to index
      %get3A_243 = arith.constant 32 : index
      %get3A_244 = tpu.vector_load %arg6[%get3A_242, %get3A_243] {strides = array<i32>} : memref<2x128xi32, #tpu.memory_space<vmem>>, vector<1x16xi32>,
      %get3A_245 = vector.shape_cast %get3A_244 : vector<1x16xi32> to vector<16xi32>
      %and3A_246 = arith.constant 32767 : i32
      %and3A_247 = vector.broadcast %and3A_246 : i32 to vector<16xi32>
      %and3A_248 = arith.andi %get3A_245, %and3A_247 : vector<16xi32>
      %swap3A_249 = arith.constant 32 : index
      %swap3A_250 = tpu.vector_load %arg8[%swap3A_249] {strides = array<i32>} : memref<128xi32, #tpu.memory_space<vmem>>, vector<16xi32>,
      %swap3A_251 = vector.shape_cast %swap3A_250 : vector<16xi32> to vector<16xi32>
      %swap3A_252 = vector.shape_cast %and3A_248 : vector<16xi32> to vector<16xi32>
      tpu.vector_store %arg8[%swap3A_249], %swap3A_252 {strides = array<i32>} : memref<128xi32, #tpu.memory_space<vmem>>, vector<16xi32>,
      %shift_right_logical3A_253 = arith.constant 15 : i32
      %shift_right_logical3A_254 = vector.broadcast %shift_right_logical3A_253 : i32 to vector<16xi32>
      %shift_right_logical3A_255 = arith.shrui %get3A_245, %shift_right_logical3A_254 : vector<16xi32>
      %swap3A_256 = arith.constant 32 : index
      %swap3A_257 = tpu.vector_load %arg10[%swap3A_256] {strides = array<i32>} : memref<128xi32, #tpu.memory_space<vmem>>, vector<16xi32>,
      %swap3A_258 = vector.shape_cast %swap3A_257 : vector<16xi32> to vector<16xi32>
      %swap3A_259 = vector.shape_cast %shift_right_logical3A_255 : vector<16xi32> to vector<16xi32>
      tpu.vector_store %arg10[%swap3A_256], %swap3A_259 {strides = array<i32>} : memref<128xi32, #tpu.memory_space<vmem>>, vector<16xi32>,
      %get3A_260 = arith.constant 1 : i32
      %get3A_261 = arith.index_cast %get3A_260 : i32 to index
      %get3A_262 = arith.constant 48 : index
      %get3A_263 = tpu.vector_load %arg6[%get3A_261, %get3A_262] {strides = array<i32>} : memref<2x128xi32, #tpu.memory_space<vmem>>, vector<1x16xi32>,
      %get3A_264 = vector.shape_cast %get3A_263 : vector<1x16xi32> to vector<16xi32>
      %and3A_265 = arith.constant 32767 : i32
      %and3A_266 = vector.broadcast %and3A_265 : i32 to vector<16xi32>
      %and3A_267 = arith.andi %get3A_264, %and3A_266 : vector<16xi32>
      %swap3A_268 = arith.constant 48 : index
      %swap3A_269 = tpu.vector_load %arg8[%swap3A_268] {strides = array<i32>} : memref<128xi32, #tpu.memory_space<vmem>>, vector<16xi32>,
      %swap3A_270 = vector.shape_cast %swap3A_269 : vector<16xi32> to vector<16xi32>
      %swap3A_271 = vector.shape_cast %and3A_267 : vector<16xi32> to vector<16xi32>
      tpu.vector_store %arg8[%swap3A_268], %swap3A_271 {strides = array<i32>} : memref<128xi32, #tpu.memory_space<vmem>>, vector<16xi32>,
      %shift_right_logical3A_272 = arith.constant 15 : i32
      %shift_right_logical3A_273 = vector.broadcast %shift_right_logical3A_272 : i32 to vector<16xi32>
      %shift_right_logical3A_274 = arith.shrui %get3A_264, %shift_right_logical3A_273 : vector<16xi32>
      %swap3A_275 = arith.constant 48 : index
      %swap3A_276 = tpu.vector_load %arg10[%swap3A_275] {strides = array<i32>} : memref<128xi32, #tpu.memory_space<vmem>>, vector<16xi32>,
      %swap3A_277 = vector.shape_cast %swap3A_276 : vector<16xi32> to vector<16xi32>
      %swap3A_278 = vector.shape_cast %shift_right_logical3A_274 : vector<16xi32> to vector<16xi32>
      tpu.vector_store %arg10[%swap3A_275], %swap3A_278 {strides = array<i32>} : memref<128xi32, #tpu.memory_space<vmem>>, vector<16xi32>,
      %get3A_279 = arith.constant 1 : i32
      %get3A_280 = arith.index_cast %get3A_279 : i32 to index
      %get3A_281 = arith.constant 64 : index
      %get3A_282 = tpu.vector_load %arg6[%get3A_280, %get3A_281] {strides = array<i32>} : memref<2x128xi32, #tpu.memory_space<vmem>>, vector<1x16xi32>,
      %get3A_283 = vector.shape_cast %get3A_282 : vector<1x16xi32> to vector<16xi32>
      %and3A_284 = arith.constant 32767 : i32
      %and3A_285 = vector.broadcast %and3A_284 : i32 to vector<16xi32>
      %and3A_286 = arith.andi %get3A_283, %and3A_285 : vector<16xi32>
      %swap3A_287 = arith.constant 64 : index
      %swap3A_288 = tpu.vector_load %arg8[%swap3A_287] {strides = array<i32>} : memref<128xi32, #tpu.memory_space<vmem>>, vector<16xi32>,
      %swap3A_289 = vector.shape_cast %swap3A_288 : vector<16xi32> to vector<16xi32>
      %swap3A_290 = vector.shape_cast %and3A_286 : vector<16xi32> to vector<16xi32>
      tpu.vector_store %arg8[%swap3A_287], %swap3A_290 {strides = array<i32>} : memref<128xi32, #tpu.memory_space<vmem>>, vector<16xi32>,
      %shift_right_logical3A_291 = arith.constant 15 : i32
      %shift_right_logical3A_292 = vector.broadcast %shift_right_logical3A_291 : i32 to vector<16xi32>
      %shift_right_logical3A_293 = arith.shrui %get3A_283, %shift_right_logical3A_292 : vector<16xi32>
      %swap3A_294 = arith.constant 64 : index
      %swap3A_295 = tpu.vector_load %arg10[%swap3A_294] {strides = array<i32>} : memref<128xi32, #tpu.memory_space<vmem>>, vector<16xi32>,
      %swap3A_296 = vector.shape_cast %swap3A_295 : vector<16xi32> to vector<16xi32>
      %swap3A_297 = vector.shape_cast %shift_right_logical3A_293 : vector<16xi32> to vector<16xi32>
      tpu.vector_store %arg10[%swap3A_294], %swap3A_297 {strides = array<i32>} : memref<128xi32, #tpu.memory_space<vmem>>, vector<16xi32>,
      %get3A_298 = arith.constant 1 : i32
      %get3A_299 = arith.index_cast %get3A_298 : i32 to index
      %get3A_300 = arith.constant 80 : index
      %get3A_301 = tpu.vector_load %arg6[%get3A_299, %get3A_300] {strides = array<i32>} : memref<2x128xi32, #tpu.memory_space<vmem>>, vector<1x16xi32>,
      %get3A_302 = vector.shape_cast %get3A_301 : vector<1x16xi32> to vector<16xi32>
      %and3A_303 = arith.constant 32767 : i32
      %and3A_304 = vector.broadcast %and3A_303 : i32 to vector<16xi32>
      %and3A_305 = arith.andi %get3A_302, %and3A_304 : vector<16xi32>
      %swap3A_306 = arith.constant 80 : index
      %swap3A_307 = tpu.vector_load %arg8[%swap3A_306] {strides = array<i32>} : memref<128xi32, #tpu.memory_space<vmem>>, vector<16xi32>,
      %swap3A_308 = vector.shape_cast %swap3A_307 : vector<16xi32> to vector<16xi32>
      %swap3A_309 = vector.shape_cast %and3A_305 : vector<16xi32> to vector<16xi32>
      tpu.vector_store %arg8[%swap3A_306], %swap3A_309 {strides = array<i32>} : memref<128xi32, #tpu.memory_space<vmem>>, vector<16xi32>,
      %shift_right_logical3A_310 = arith.constant 15 : i32
      %shift_right_logical3A_311 = vector.broadcast %shift_right_logical3A_310 : i32 to vector<16xi32>
      %shift_right_logical3A_312 = arith.shrui %get3A_302, %shift_right_logical3A_311 : vector<16xi32>
      %swap3A_313 = arith.constant 80 : index
      %swap3A_314 = tpu.vector_load %arg10[%swap3A_313] {strides = array<i32>} : memref<128xi32, #tpu.memory_space<vmem>>, vector<16xi32>,
      %swap3A_315 = vector.shape_cast %swap3A_314 : vector<16xi32> to vector<16xi32>
      %swap3A_316 = vector.shape_cast %shift_right_logical3A_312 : vector<16xi32> to vector<16xi32>
      tpu.vector_store %arg10[%swap3A_313], %swap3A_316 {strides = array<i32>} : memref<128xi32, #tpu.memory_space<vmem>>, vector<16xi32>,
      %get3A_317 = arith.constant 1 : i32
      %get3A_318 = arith.index_cast %get3A_317 : i32 to index
      %get3A_319 = arith.constant 96 : index
      %get3A_320 = tpu.vector_load %arg6[%get3A_318, %get3A_319] {strides = array<i32>} : memref<2x128xi32, #tpu.memory_space<vmem>>, vector<1x16xi32>,
      %get3A_321 = vector.shape_cast %get3A_320 : vector<1x16xi32> to vector<16xi32>
      %and3A_322 = arith.constant 32767 : i32
      %and3A_323 = vector.broadcast %and3A_322 : i32 to vector<16xi32>
      %and3A_324 = arith.andi %get3A_321, %and3A_323 : vector<16xi32>
      %swap3A_325 = arith.constant 96 : index
      %swap3A_326 = tpu.vector_load %arg8[%swap3A_325] {strides = array<i32>} : memref<128xi32, #tpu.memory_space<vmem>>, vector<16xi32>,
      %swap3A_327 = vector.shape_cast %swap3A_326 : vector<16xi32> to vector<16xi32>
      %swap3A_328 = vector.shape_cast %and3A_324 : vector<16xi32> to vector<16xi32>
      tpu.vector_store %arg8[%swap3A_325], %swap3A_328 {strides = array<i32>} : memref<128xi32, #tpu.memory_space<vmem>>, vector<16xi32>,
      %shift_right_logical3A_329 = arith.constant 15 : i32
      %shift_right_logical3A_330 = vector.broadcast %shift_right_logical3A_329 : i32 to vector<16xi32>
      %shift_right_logical3A_331 = arith.shrui %get3A_321, %shift_right_logical3A_330 : vector<16xi32>
      %swap3A_332 = arith.constant 96 : index
      %swap3A_333 = tpu.vector_load %arg10[%swap3A_332] {strides = array<i32>} : memref<128xi32, #tpu.memory_space<vmem>>, vector<16xi32>,
      %swap3A_334 = vector.shape_cast %swap3A_333 : vector<16xi32> to vector<16xi32>
      %swap3A_335 = vector.shape_cast %shift_right_logical3A_331 : vector<16xi32> to vector<16xi32>
      tpu.vector_store %arg10[%swap3A_332], %swap3A_335 {strides = array<i32>} : memref<128xi32, #tpu.memory_space<vmem>>, vector<16xi32>,
      %get3A_336 = arith.constant 1 : i32
      %get3A_337 = arith.index_cast %get3A_336 : i32 to index
      %get3A_338 = arith.constant 112 : index
      %get3A_339 = tpu.vector_load %arg6[%get3A_337, %get3A_338] {strides = array<i32>} : memref<2x128xi32, #tpu.memory_space<vmem>>, vector<1x16xi32>,
      %get3A_340 = vector.shape_cast %get3A_339 : vector<1x16xi32> to vector<16xi32>
      %and3A_341 = arith.constant 32767 : i32
      %and3A_342 = vector.broadcast %and3A_341 : i32 to vector<16xi32>
      %and3A_343 = arith.andi %get3A_340, %and3A_342 : vector<16xi32>
      %swap3A_344 = arith.constant 112 : index
      %swap3A_345 = tpu.vector_load %arg8[%swap3A_344] {strides = array<i32>} : memref<128xi32, #tpu.memory_space<vmem>>, vector<16xi32>,
      %swap3A_346 = vector.shape_cast %swap3A_345 : vector<16xi32> to vector<16xi32>
      %swap3A_347 = vector.shape_cast %and3A_343 : vector<16xi32> to vector<16xi32>
      tpu.vector_store %arg8[%swap3A_344], %swap3A_347 {strides = array<i32>} : memref<128xi32, #tpu.memory_space<vmem>>, vector<16xi32>,
      %shift_right_logical3A_348 = arith.constant 15 : i32
      %shift_right_logical3A_349 = vector.broadcast %shift_right_logical3A_348 : i32 to vector<16xi32>
      %shift_right_logical3A_350 = arith.shrui %get3A_340, %shift_right_logical3A_349 : vector<16xi32>
      %swap3A_351 = arith.constant 112 : index
      %swap3A_352 = tpu.vector_load %arg10[%swap3A_351] {strides = array<i32>} : memref<128xi32, #tpu.memory_space<vmem>>, vector<16xi32>,
      %swap3A_353 = vector.shape_cast %swap3A_352 : vector<16xi32> to vector<16xi32>
      %swap3A_354 = vector.shape_cast %shift_right_logical3A_350 : vector<16xi32> to vector<16xi32>
      tpu.vector_store %arg10[%swap3A_351], %swap3A_354 {strides = array<i32>} : memref<128xi32, #tpu.memory_space<vmem>>, vector<16xi32>,
      %dma_start3A_355 = arith.constant 0 : i32
      %dma_start3A_356 = arith.constant 0 : i32
      %dma_start3A_357 = tpu.memref_slice %arg2[%dma_start3A_355, %dma_start3A_356] : memref<10240x128xf32, #tpu.memory_space<hbm>> -> memref<10240x128xf32, #tpu.memory_space<hbm>>
      tpu.enqueue_indirect_dma source(%dma_start3A_357 : memref<10240x128xf32, #tpu.memory_space<hbm>>) target(%arg12 : memref<128x128xf32, #tpu.memory_space<vmem>>) offsets(%arg8 : memref<128xi32, #tpu.memory_space<vmem>>) semaphore(%arg14 : memref<!tpu.dma_semaphore, #tpu.memory_space<semaphore_mem>>)
      %dma_wait3A_358 = arith.constant 0 : i32
      %dma_wait3A_359 = arith.constant 0 : i32
      %dma_wait3A_360 = tpu.memref_slice %arg2[%dma_wait3A_358, %dma_wait3A_359] : memref<10240x128xf32, #tpu.memory_space<hbm>> -> memref<10240x128xf32, #tpu.memory_space<hbm>>
      tpu.wait_indirect_dma semaphore(%arg13 : memref<!tpu.dma_semaphore, #tpu.memory_space<semaphore_mem>>) src(%dma_wait3A_360 : memref<10240x128xf32, #tpu.memory_space<hbm>>) dst(%arg11 : memref<128x128xf32, #tpu.memory_space<vmem>>)
      %dma_start3A_361 = arith.constant 0 : i32
      %dma_start3A_362 = arith.constant 0 : i32
      %dma_start3A_363 = tpu.memref_slice %arg17[%dma_start3A_361, %dma_start3A_362] : memref<10240x128xf32, #tpu.memory_space<vmem_shared>> -> memref<10240x128xf32, #tpu.memory_space<vmem_shared>>
      tpu.enqueue_indirect_dma source(%arg11 : memref<128x128xf32, #tpu.memory_space<vmem>>) target(%dma_start3A_363 : memref<10240x128xf32, #tpu.memory_space<vmem_shared>>) offsets(%arg9 : memref<128xi32, #tpu.memory_space<vmem>>) semaphore(%arg15 : memref<!tpu.dma_semaphore, #tpu.memory_space<semaphore_mem>>) {add = true}
      %dma_wait3A_364 = arith.constant 0 : i32
      %dma_wait3A_365 = arith.constant 0 : i32
      %dma_wait3A_366 = tpu.memref_slice %arg2[%dma_wait3A_364, %dma_wait3A_365] : memref<10240x128xf32, #tpu.memory_space<hbm>> -> memref<10240x128xf32, #tpu.memory_space<hbm>>
      tpu.wait_indirect_dma semaphore(%arg14 : memref<!tpu.dma_semaphore, #tpu.memory_space<semaphore_mem>>) src(%dma_wait3A_366 : memref<10240x128xf32, #tpu.memory_space<hbm>>) dst(%arg12 : memref<128x128xf32, #tpu.memory_space<vmem>>)
      %dma_start3A_367 = arith.constant 0 : i32
      %dma_start3A_368 = arith.constant 0 : i32
      %dma_start3A_369 = tpu.memref_slice %arg17[%dma_start3A_367, %dma_start3A_368] : memref<10240x128xf32, #tpu.memory_space<vmem_shared>> -> memref<10240x128xf32, #tpu.memory_space<vmem_shared>>
      tpu.enqueue_indirect_dma source(%arg12 : memref<128x128xf32, #tpu.memory_space<vmem>>) target(%dma_start3A_369 : memref<10240x128xf32, #tpu.memory_space<vmem_shared>>) offsets(%arg10 : memref<128xi32, #tpu.memory_space<vmem>>) semaphore(%arg16 : memref<!tpu.dma_semaphore, #tpu.memory_space<semaphore_mem>>) {add = true}
    }
    %scan3A_7 = arith.constant 41 : i32
    %dma_wait3A = arith.constant 0 : i32
    %dma_wait3A_8 = arith.constant 0 : i32
    %dma_wait3A_9 = tpu.memref_slice %arg2[%dma_wait3A, %dma_wait3A_8] : memref<10240x128xf32, #tpu.memory_space<hbm>> -> memref<128x128xf32, #tpu.memory_space<hbm>>
    %dma_wait3A_10 = arith.constant 0 : i32
    %dma_wait3A_11 = arith.constant 0 : i32
    %dma_wait3A_12 = tpu.memref_slice %arg2[%dma_wait3A_10, %dma_wait3A_11] : memref<10240x128xf32, #tpu.memory_space<hbm>> -> memref<128x128xf32, #tpu.memory_space<hbm>>
    tpu.wait_dma2 semaphore(%arg15 : memref<!tpu.dma_semaphore, #tpu.memory_space<semaphore_mem>>) src(%dma_wait3A_12 : memref<128x128xf32, #tpu.memory_space<hbm>>) dst(%arg11 : memref<128x128xf32, #tpu.memory_space<vmem>>)
    %dma_wait3A_13 = arith.constant 0 : i32
    %dma_wait3A_14 = arith.constant 0 : i32
    %dma_wait3A_15 = tpu.memref_slice %arg2[%dma_wait3A_13, %dma_wait3A_14] : memref<10240x128xf32, #tpu.memory_space<hbm>> -> memref<128x128xf32, #tpu.memory_space<hbm>>
    %dma_wait3A_16 = arith.constant 0 : i32
    %dma_wait3A_17 = arith.constant 0 : i32
    %dma_wait3A_18 = tpu.memref_slice %arg2[%dma_wait3A_16, %dma_wait3A_17] : memref<10240x128xf32, #tpu.memory_space<hbm>> -> memref<128x128xf32, #tpu.memory_space<hbm>>
    tpu.wait_dma2 semaphore(%arg16 : memref<!tpu.dma_semaphore, #tpu.memory_space<semaphore_mem>>) src(%dma_wait3A_18 : memref<128x128xf32, #tpu.memory_space<hbm>>) dst(%arg12 : memref<128x128xf32, #tpu.memory_space<vmem>>)
    %barrier3A_19 = arith.constant 0 : index
    tpu.barrier barrier_id(%barrier3A_19)
    %add3A_20 = arith.constant 0 : i32
    %add3A_21 = arith.addi %mul3A_2, %add3A_20 : i32
    "tpu.region"() ({
      %run_scoped3A = tpu.sem_alloc : memref<!tpu.dma_semaphore, #tpu.memory_space<semaphore_mem>>
      %dma_start3A = arith.constant 0 : i32
      %dma_start3A_45 = tpu.memref_slice %arg17[%add3A_21, %dma_start3A] : memref<10240x128xf32, #tpu.memory_space<vmem_shared>> -> memref<128x128xf32, #tpu.memory_space<vmem_shared>>
      %dma_start3A_46 = arith.constant 0 : i32
      %dma_start3A_47 = tpu.memref_slice %arg17[%add3A_21, %dma_start3A_46] : memref<10240x128xf32, #tpu.memory_space<vmem_shared>> -> memref<128x128xf32, #tpu.memory_space<vmem_shared>>
      tpu.enqueue_dma source(%dma_start3A_47 : memref<128x128xf32, #tpu.memory_space<vmem_shared>>) target(%arg11 : memref<128x128xf32, #tpu.memory_space<vmem>>) target_semaphore(%run_scoped3A : memref<!tpu.dma_semaphore, #tpu.memory_space<semaphore_mem>>)
      %dma_wait3A_48 = arith.constant 0 : i32
      %dma_wait3A_49 = tpu.memref_slice %arg17[%add3A_21, %dma_wait3A_48] : memref<10240x128xf32, #tpu.memory_space<vmem_shared>> -> memref<128x128xf32, #tpu.memory_space<vmem_shared>>
      %dma_wait3A_50 = arith.constant 0 : i32
      %dma_wait3A_51 = tpu.memref_slice %arg17[%add3A_21, %dma_wait3A_50] : memref<10240x128xf32, #tpu.memory_space<vmem_shared>> -> memref<128x128xf32, #tpu.memory_space<vmem_shared>>
      tpu.wait_dma2 semaphore(%run_scoped3A : memref<!tpu.dma_semaphore, #tpu.memory_space<semaphore_mem>>) src(%dma_wait3A_51 : memref<128x128xf32, #tpu.memory_space<vmem_shared>>) dst(%arg11 : memref<128x128xf32, #tpu.memory_space<vmem>>)
      tpu.yield
    }) : () -> ()
    %mul3A_22 = arith.constant 10240 : i32
    %mul3A_23 = arith.muli %arg0, %mul3A_22 : i32
    %add3A_24 = arith.addi %mul3A_23, %add3A_21 : i32
    "tpu.region"() ({
      %run_scoped3A = tpu.sem_alloc : memref<!tpu.dma_semaphore, #tpu.memory_space<semaphore_mem>>
      %dma_start3A = arith.constant 0 : i32
      %dma_start3A_45 = tpu.memref_slice %arg5[%add3A_24, %dma_start3A] : memref<20480x128xf32, #tpu.memory_space<hbm>> -> memref<128x128xf32, #tpu.memory_space<hbm>>
      %dma_start3A_46 = arith.constant 0 : i32
      %dma_start3A_47 = tpu.memref_slice %arg5[%add3A_24, %dma_start3A_46] : memref<20480x128xf32, #tpu.memory_space<hbm>> -> memref<128x128xf32, #tpu.memory_space<hbm>>
      tpu.enqueue_dma source(%arg11 : memref<128x128xf32, #tpu.memory_space<vmem>>) target(%dma_start3A_47 : memref<128x128xf32, #tpu.memory_space<hbm>>) target_semaphore(%run_scoped3A : memref<!tpu.dma_semaphore, #tpu.memory_space<semaphore_mem>>)
      %dma_wait3A_48 = arith.constant 0 : i32
      %dma_wait3A_49 = tpu.memref_slice %arg5[%add3A_24, %dma_wait3A_48] : memref<20480x128xf32, #tpu.memory_space<hbm>> -> memref<128x128xf32, #tpu.memory_space<hbm>>
      %dma_wait3A_50 = arith.constant 0 : i32
      %dma_wait3A_51 = tpu.memref_slice %arg5[%add3A_24, %dma_wait3A_50] : memref<20480x128xf32, #tpu.memory_space<hbm>> -> memref<128x128xf32, #tpu.memory_space<hbm>>
      tpu.wait_dma2 semaphore(%run_scoped3A : memref<!tpu.dma_semaphore, #tpu.memory_space<semaphore_mem>>) src(%arg11 : memref<128x128xf32, #tpu.memory_space<vmem>>) dst(%dma_wait3A_51 : memref<128x128xf32, #tpu.memory_space<hbm>>)
      tpu.yield
    }) : () -> ()
    %add3A_25 = arith.constant 128 : i32
    %add3A_26 = arith.addi %mul3A_2, %add3A_25 : i32
    "tpu.region"() ({
      %run_scoped3A = tpu.sem_alloc : memref<!tpu.dma_semaphore, #tpu.memory_space<semaphore_mem>>
      %dma_start3A = arith.constant 0 : i32
      %dma_start3A_45 = tpu.memref_slice %arg17[%add3A_26, %dma_start3A] : memref<10240x128xf32, #tpu.memory_space<vmem_shared>> -> memref<128x128xf32, #tpu.memory_space<vmem_shared>>
      %dma_start3A_46 = arith.constant 0 : i32
      %dma_start3A_47 = tpu.memref_slice %arg17[%add3A_26, %dma_start3A_46] : memref<10240x128xf32, #tpu.memory_space<vmem_shared>> -> memref<128x128xf32, #tpu.memory_space<vmem_shared>>
      tpu.enqueue_dma source(%dma_start3A_47 : memref<128x128xf32, #tpu.memory_space<vmem_shared>>) target(%arg12 : memref<128x128xf32, #tpu.memory_space<vmem>>) target_semaphore(%run_scoped3A : memref<!tpu.dma_semaphore, #tpu.memory_space<semaphore_mem>>)
      %dma_wait3A_48 = arith.constant 0 : i32
      %dma_wait3A_49 = tpu.memref_slice %arg17[%add3A_26, %dma_wait3A_48] : memref<10240x128xf32, #tpu.memory_space<vmem_shared>> -> memref<128x128xf32, #tpu.memory_space<vmem_shared>>
      %dma_wait3A_50 = arith.constant 0 : i32
      %dma_wait3A_51 = tpu.memref_slice %arg17[%add3A_26, %dma_wait3A_50] : memref<10240x128xf32, #tpu.memory_space<vmem_shared>> -> memref<128x128xf32, #tpu.memory_space<vmem_shared>>
      tpu.wait_dma2 semaphore(%run_scoped3A : memref<!tpu.dma_semaphore, #tpu.memory_space<semaphore_mem>>) src(%dma_wait3A_51 : memref<128x128xf32, #tpu.memory_space<vmem_shared>>) dst(%arg12 : memref<128x128xf32, #tpu.memory_space<vmem>>)
      tpu.yield
    }) : () -> ()
    %mul3A_27 = arith.constant 10240 : i32
    %mul3A_28 = arith.muli %arg0, %mul3A_27 : i32
    %add3A_29 = arith.addi %mul3A_28, %add3A_26 : i32
    "tpu.region"() ({
      %run_scoped3A = tpu.sem_alloc : memref<!tpu.dma_semaphore, #tpu.memory_space<semaphore_mem>>
      %dma_start3A = arith.constant 0 : i32
      %dma_start3A_45 = tpu.memref_slice %arg5[%add3A_29, %dma_start3A] : memref<20480x128xf32, #tpu.memory_space<hbm>> -> memref<128x128xf32, #tpu.memory_space<hbm>>
      %dma_start3A_46 = arith.constant 0 : i32
      %dma_start3A_47 = tpu.memref_slice %arg5[%add3A_29, %dma_start3A_46] : memref<20480x128xf32, #tpu.memory_space<hbm>> -> memref<128x128xf32, #tpu.memory_space<hbm>>
      tpu.enqueue_dma source(%arg12 : memref<128x128xf32, #tpu.memory_space<vmem>>) target(%dma_start3A_47 : memref<128x128xf32, #tpu.memory_space<hbm>>) target_semaphore(%run_scoped3A : memref<!tpu.dma_semaphore, #tpu.memory_space<semaphore_mem>>)
      %dma_wait3A_48 = arith.constant 0 : i32
      %dma_wait3A_49 = tpu.memref_slice %arg5[%add3A_29, %dma_wait3A_48] : memref<20480x128xf32, #tpu.memory_space<hbm>> -> memref<128x128xf32, #tpu.memory_space<hbm>>
      %dma_wait3A_50 = arith.constant 0 : i32
      %dma_wait3A_51 = tpu.memref_slice %arg5[%add3A_29, %dma_wait3A_50] : memref<20480x128xf32, #tpu.memory_space<hbm>> -> memref<128x128xf32, #tpu.memory_space<hbm>>
      tpu.wait_dma2 semaphore(%run_scoped3A : memref<!tpu.dma_semaphore, #tpu.memory_space<semaphore_mem>>) src(%arg12 : memref<128x128xf32, #tpu.memory_space<vmem>>) dst(%dma_wait3A_51 : memref<128x128xf32, #tpu.memory_space<hbm>>)
      tpu.yield
    }) : () -> ()
    %add3A_30 = arith.constant 256 : i32
    %add3A_31 = arith.addi %mul3A_2, %add3A_30 : i32
    "tpu.region"() ({
      %run_scoped3A = tpu.sem_alloc : memref<!tpu.dma_semaphore, #tpu.memory_space<semaphore_mem>>
      %dma_start3A = arith.constant 0 : i32
      %dma_start3A_45 = tpu.memref_slice %arg17[%add3A_31, %dma_start3A] : memref<10240x128xf32, #tpu.memory_space<vmem_shared>> -> memref<128x128xf32, #tpu.memory_space<vmem_shared>>
      %dma_start3A_46 = arith.constant 0 : i32
      %dma_start3A_47 = tpu.memref_slice %arg17[%add3A_31, %dma_start3A_46] : memref<10240x128xf32, #tpu.memory_space<vmem_shared>> -> memref<128x128xf32, #tpu.memory_space<vmem_shared>>
      tpu.enqueue_dma source(%dma_start3A_47 : memref<128x128xf32, #tpu.memory_space<vmem_shared>>) target(%arg11 : memref<128x128xf32, #tpu.memory_space<vmem>>) target_semaphore(%run_scoped3A : memref<!tpu.dma_semaphore, #tpu.memory_space<semaphore_mem>>)
      %dma_wait3A_48 = arith.constant 0 : i32
      %dma_wait3A_49 = tpu.memref_slice %arg17[%add3A_31, %dma_wait3A_48] : memref<10240x128xf32, #tpu.memory_space<vmem_shared>> -> memref<128x128xf32, #tpu.memory_space<vmem_shared>>
      %dma_wait3A_50 = arith.constant 0 : i32
      %dma_wait3A_51 = tpu.memref_slice %arg17[%add3A_31, %dma_wait3A_50] : memref<10240x128xf32, #tpu.memory_space<vmem_shared>> -> memref<128x128xf32, #tpu.memory_space<vmem_shared>>
      tpu.wait_dma2 semaphore(%run_scoped3A : memref<!tpu.dma_semaphore, #tpu.memory_space<semaphore_mem>>) src(%dma_wait3A_51 : memref<128x128xf32, #tpu.memory_space<vmem_shared>>) dst(%arg11 : memref<128x128xf32, #tpu.memory_space<vmem>>)
      tpu.yield
    }) : () -> ()
    %mul3A_32 = arith.constant 10240 : i32
    %mul3A_33 = arith.muli %arg0, %mul3A_32 : i32
    %add3A_34 = arith.addi %mul3A_33, %add3A_31 : i32
    "tpu.region"() ({
      %run_scoped3A = tpu.sem_alloc : memref<!tpu.dma_semaphore, #tpu.memory_space<semaphore_mem>>
      %dma_start3A = arith.constant 0 : i32
      %dma_start3A_45 = tpu.memref_slice %arg5[%add3A_34, %dma_start3A] : memref<20480x128xf32, #tpu.memory_space<hbm>> -> memref<128x128xf32, #tpu.memory_space<hbm>>
      %dma_start3A_46 = arith.constant 0 : i32
      %dma_start3A_47 = tpu.memref_slice %arg5[%add3A_34, %dma_start3A_46] : memref<20480x128xf32, #tpu.memory_space<hbm>> -> memref<128x128xf32, #tpu.memory_space<hbm>>
      tpu.enqueue_dma source(%arg11 : memref<128x128xf32, #tpu.memory_space<vmem>>) target(%dma_start3A_47 : memref<128x128xf32, #tpu.memory_space<hbm>>) target_semaphore(%run_scoped3A : memref<!tpu.dma_semaphore, #tpu.memory_space<semaphore_mem>>)
      %dma_wait3A_48 = arith.constant 0 : i32
      %dma_wait3A_49 = tpu.memref_slice %arg5[%add3A_34, %dma_wait3A_48] : memref<20480x128xf32, #tpu.memory_space<hbm>> -> memref<128x128xf32, #tpu.memory_space<hbm>>
      %dma_wait3A_50 = arith.constant 0 : i32
      %dma_wait3A_51 = tpu.memref_slice %arg5[%add3A_34, %dma_wait3A_50] : memref<20480x128xf32, #tpu.memory_space<hbm>> -> memref<128x128xf32, #tpu.memory_space<hbm>>
      tpu.wait_dma2 semaphore(%run_scoped3A : memref<!tpu.dma_semaphore, #tpu.memory_space<semaphore_mem>>) src(%arg11 : memref<128x128xf32, #tpu.memory_space<vmem>>) dst(%dma_wait3A_51 : memref<128x128xf32, #tpu.memory_space<hbm>>)
      tpu.yield
    }) : () -> ()
    %add3A_35 = arith.constant 384 : i32
    %add3A_36 = arith.addi %mul3A_2, %add3A_35 : i32
    "tpu.region"() ({
      %run_scoped3A = tpu.sem_alloc : memref<!tpu.dma_semaphore, #tpu.memory_space<semaphore_mem>>
      %dma_start3A = arith.constant 0 : i32
      %dma_start3A_45 = tpu.memref_slice %arg17[%add3A_36, %dma_start3A] : memref<10240x128xf32, #tpu.memory_space<vmem_shared>> -> memref<128x128xf32, #tpu.memory_space<vmem_shared>>
      %dma_start3A_46 = arith.constant 0 : i32
      %dma_start3A_47 = tpu.memref_slice %arg17[%add3A_36, %dma_start3A_46] : memref<10240x128xf32, #tpu.memory_space<vmem_shared>> -> memref<128x128xf32, #tpu.memory_space<vmem_shared>>
      tpu.enqueue_dma source(%dma_start3A_47 : memref<128x128xf32, #tpu.memory_space<vmem_shared>>) target(%arg12 : memref<128x128xf32, #tpu.memory_space<vmem>>) target_semaphore(%run_scoped3A : memref<!tpu.dma_semaphore, #tpu.memory_space<semaphore_mem>>)
      %dma_wait3A_48 = arith.constant 0 : i32
      %dma_wait3A_49 = tpu.memref_slice %arg17[%add3A_36, %dma_wait3A_48] : memref<10240x128xf32, #tpu.memory_space<vmem_shared>> -> memref<128x128xf32, #tpu.memory_space<vmem_shared>>
      %dma_wait3A_50 = arith.constant 0 : i32
      %dma_wait3A_51 = tpu.memref_slice %arg17[%add3A_36, %dma_wait3A_50] : memref<10240x128xf32, #tpu.memory_space<vmem_shared>> -> memref<128x128xf32, #tpu.memory_space<vmem_shared>>
      tpu.wait_dma2 semaphore(%run_scoped3A : memref<!tpu.dma_semaphore, #tpu.memory_space<semaphore_mem>>) src(%dma_wait3A_51 : memref<128x128xf32, #tpu.memory_space<vmem_shared>>) dst(%arg12 : memref<128x128xf32, #tpu.memory_space<vmem>>)
      tpu.yield
    }) : () -> ()
    %mul3A_37 = arith.constant 10240 : i32
    %mul3A_38 = arith.muli %arg0, %mul3A_37 : i32
    %add3A_39 = arith.addi %mul3A_38, %add3A_36 : i32
    "tpu.region"() ({
      %run_scoped3A = tpu.sem_alloc : memref<!tpu.dma_semaphore, #tpu.memory_space<semaphore_mem>>
      %dma_start3A = arith.constant 0 : i32
      %dma_start3A_45 = tpu.memref_slice %arg5[%add3A_39, %dma_start3A] : memref<20480x128xf32, #tpu.memory_space<hbm>> -> memref<128x128xf32, #tpu.memory_space<hbm>>
      %dma_start3A_46 = arith.constant 0 : i32
      %dma_start3A_47 = tpu.memref_slice %arg5[%add3A_39, %dma_start3A_46] : memref<20480x128xf32, #tpu.memory_space<hbm>> -> memref<128x128xf32, #tpu.memory_space<hbm>>
      tpu.enqueue_dma source(%arg12 : memref<128x128xf32, #tpu.memory_space<vmem>>) target(%dma_start3A_47 : memref<128x128xf32, #tpu.memory_space<hbm>>) target_semaphore(%run_scoped3A : memref<!tpu.dma_semaphore, #tpu.memory_space<semaphore_mem>>)
      %dma_wait3A_48 = arith.constant 0 : i32
      %dma_wait3A_49 = tpu.memref_slice %arg5[%add3A_39, %dma_wait3A_48] : memref<20480x128xf32, #tpu.memory_space<hbm>> -> memref<128x128xf32, #tpu.memory_space<hbm>>
      %dma_wait3A_50 = arith.constant 0 : i32
      %dma_wait3A_51 = tpu.memref_slice %arg5[%add3A_39, %dma_wait3A_50] : memref<20480x128xf32, #tpu.memory_space<hbm>> -> memref<128x128xf32, #tpu.memory_space<hbm>>
      tpu.wait_dma2 semaphore(%run_scoped3A : memref<!tpu.dma_semaphore, #tpu.memory_space<semaphore_mem>>) src(%arg12 : memref<128x128xf32, #tpu.memory_space<vmem>>) dst(%dma_wait3A_51 : memref<128x128xf32, #tpu.memory_space<hbm>>)
      tpu.yield
    }) : () -> ()
    %add3A_40 = arith.constant 512 : i32
    %add3A_41 = arith.addi %mul3A_2, %add3A_40 : i32
    "tpu.region"() ({
      %run_scoped3A = tpu.sem_alloc : memref<!tpu.dma_semaphore, #tpu.memory_space<semaphore_mem>>
      %dma_start3A = arith.constant 0 : i32
      %dma_start3A_45 = tpu.memref_slice %arg17[%add3A_41, %dma_start3A] : memref<10240x128xf32, #tpu.memory_space<vmem_shared>> -> memref<128x128xf32, #tpu.memory_space<vmem_shared>>
      %dma_start3A_46 = arith.constant 0 : i32
      %dma_start3A_47 = tpu.memref_slice %arg17[%add3A_41, %dma_start3A_46] : memref<10240x128xf32, #tpu.memory_space<vmem_shared>> -> memref<128x128xf32, #tpu.memory_space<vmem_shared>>
      tpu.enqueue_dma source(%dma_start3A_47 : memref<128x128xf32, #tpu.memory_space<vmem_shared>>) target(%arg11 : memref<128x128xf32, #tpu.memory_space<vmem>>) target_semaphore(%run_scoped3A : memref<!tpu.dma_semaphore, #tpu.memory_space<semaphore_mem>>)
      %dma_wait3A_48 = arith.constant 0 : i32
      %dma_wait3A_49 = tpu.memref_slice %arg17[%add3A_41, %dma_wait3A_48] : memref<10240x128xf32, #tpu.memory_space<vmem_shared>> -> memref<128x128xf32, #tpu.memory_space<vmem_shared>>
      %dma_wait3A_50 = arith.constant 0 : i32
      %dma_wait3A_51 = tpu.memref_slice %arg17[%add3A_41, %dma_wait3A_50] : memref<10240x128xf32, #tpu.memory_space<vmem_shared>> -> memref<128x128xf32, #tpu.memory_space<vmem_shared>>
      tpu.wait_dma2 semaphore(%run_scoped3A : memref<!tpu.dma_semaphore, #tpu.memory_space<semaphore_mem>>) src(%dma_wait3A_51 : memref<128x128xf32, #tpu.memory_space<vmem_shared>>) dst(%arg11 : memref<128x128xf32, #tpu.memory_space<vmem>>)
      tpu.yield
    }) : () -> ()
    %mul3A_42 = arith.constant 10240 : i32
    %mul3A_43 = arith.muli %arg0, %mul3A_42 : i32
    %add3A_44 = arith.addi %mul3A_43, %add3A_41 : i32
    "tpu.region"() ({
      %run_scoped3A = tpu.sem_alloc : memref<!tpu.dma_semaphore, #tpu.memory_space<semaphore_mem>>
      %dma_start3A = arith.constant 0 : i32
      %dma_start3A_45 = tpu.memref_slice %arg5[%add3A_44, %dma_start3A] : memref<20480x128xf32, #tpu.memory_space<hbm>> -> memref<128x128xf32, #tpu.memory_space<hbm>>
      %dma_start3A_46 = arith.constant 0 : i32
      %dma_start3A_47 = tpu.memref_slice %arg5[%add3A_44, %dma_start3A_46] : memref<20480x128xf32, #tpu.memory_space<hbm>> -> memref<128x128xf32, #tpu.memory_space<hbm>>
      tpu.enqueue_dma source(%arg11 : memref<128x128xf32, #tpu.memory_space<vmem>>) target(%dma_start3A_47 : memref<128x128xf32, #tpu.memory_space<hbm>>) target_semaphore(%run_scoped3A : memref<!tpu.dma_semaphore, #tpu.memory_space<semaphore_mem>>)
      %dma_wait3A_48 = arith.constant 0 : i32
      %dma_wait3A_49 = tpu.memref_slice %arg5[%add3A_44, %dma_wait3A_48] : memref<20480x128xf32, #tpu.memory_space<hbm>> -> memref<128x128xf32, #tpu.memory_space<hbm>>
      %dma_wait3A_50 = arith.constant 0 : i32
      %dma_wait3A_51 = tpu.memref_slice %arg5[%add3A_44, %dma_wait3A_50] : memref<20480x128xf32, #tpu.memory_space<hbm>> -> memref<128x128xf32, #tpu.memory_space<hbm>>
      tpu.wait_dma2 semaphore(%run_scoped3A : memref<!tpu.dma_semaphore, #tpu.memory_space<semaphore_mem>>) src(%arg11 : memref<128x128xf32, #tpu.memory_space<vmem>>) dst(%dma_wait3A_51 : memref<128x128xf32, #tpu.memory_space<hbm>>)
      tpu.yield
    }) : () -> ()
    return
  }
}

#map = affine_map<(d0, d1) -> (0, 0)>
module attributes {stable_mosaic.version = 14 : i64} {
  func.func @_agg(%arg0: i32, %arg1: i32, %arg2: memref<10240x128xf32, #tpu.memory_space<hbm>>, %arg3: memref<2624x128xi32, #tpu.memory_space<hbm>>, %arg4: memref<10240x128xf32, #tpu.memory_space<hbm>>, %arg5: memref<20480x128xf32, #tpu.memory_space<hbm>>, %arg6: memref<2x128xi32, #tpu.memory_space<vmem>>, %arg7: memref<128xi32, #tpu.memory_space<vmem>>, %arg8: memref<128xi32, #tpu.memory_space<vmem>>, %arg9: memref<128xi32, #tpu.memory_space<vmem>>, %arg10: memref<128xi32, #tpu.memory_space<vmem>>, %arg11: memref<128x128xf32, #tpu.memory_space<vmem>>, %arg12: memref<128x128xf32, #tpu.memory_space<vmem>>, %arg13: memref<!tpu.dma_semaphore, #tpu.memory_space<semaphore_mem>>, %arg14: memref<!tpu.dma_semaphore, #tpu.memory_space<semaphore_mem>>, %arg15: memref<!tpu.dma_semaphore, #tpu.memory_space<semaphore_mem>>, %arg16: memref<!tpu.dma_semaphore, #tpu.memory_space<semaphore_mem>>, %arg17: memref<10240x128xf32, #tpu.memory_space<vmem_shared>>) attributes {dimension_semantics = [#tpu.dimension_semantics<core_parallel>, #tpu.dimension_semantics<subcore_parallel>], iteration_bounds = array<i64: 2, 16>, scalar_prefetch = 0 : i64, scratch_operands = 12 : i64, tpu.core_type = #tpu.core_type<sc_vector_subcore>, window_params = [{transform_indices = #map}, {transform_indices = #map}, {transform_indices = #map}, {transform_indices = #map}]} {
    %mul3A = arith.constant 16 : i32
    %mul3A_0 = arith.muli %arg0, %mul3A : i32
    %add3A = arith.addi %mul3A_0, %arg1 : i32
    %mul3A_1 = arith.constant 640 : i32
    %mul3A_2 = arith.muli %arg1, %mul3A_1 : i32
    "tpu.region"() ({
      %run_scoped3A = tpu.sem_alloc : memref<!tpu.dma_semaphore, #tpu.memory_space<semaphore_mem>>
      %dma_start3A = arith.constant 0 : i32
      %dma_start3A_45 = tpu.memref_slice %arg17[%mul3A_2, %dma_start3A] : memref<10240x128xf32, #tpu.memory_space<vmem_shared>> -> memref<640x128xf32, #tpu.memory_space<vmem_shared>>
      %dma_start3A_46 = arith.constant 0 : i32
      %dma_start3A_47 = tpu.memref_slice %arg4[%mul3A_2, %dma_start3A_46] : memref<10240x128xf32, #tpu.memory_space<hbm>> -> memref<640x128xf32, #tpu.memory_space<hbm>>
      tpu.enqueue_dma source(%dma_start3A_47 : memref<640x128xf32, #tpu.memory_space<hbm>>) target(%dma_start3A_45 : memref<640x128xf32, #tpu.memory_space<vmem_shared>>) target_semaphore(%run_scoped3A : memref<!tpu.dma_semaphore, #tpu.memory_space<semaphore_mem>>)
      %dma_wait3A_48 = arith.constant 0 : i32
      %dma_wait3A_49 = tpu.memref_slice %arg17[%mul3A_2, %dma_wait3A_48] : memref<10240x128xf32, #tpu.memory_space<vmem_shared>> -> memref<640x128xf32, #tpu.memory_space<vmem_shared>>
      %dma_wait3A_50 = arith.constant 0 : i32
      %dma_wait3A_51 = tpu.memref_slice %arg4[%mul3A_2, %dma_wait3A_50] : memref<10240x128xf32, #tpu.memory_space<hbm>> -> memref<640x128xf32, #tpu.memory_space<hbm>>
      tpu.wait_dma2 semaphore(%run_scoped3A : memref<!tpu.dma_semaphore, #tpu.memory_space<semaphore_mem>>) src(%dma_wait3A_51 : memref<640x128xf32, #tpu.memory_space<hbm>>) dst(%dma_wait3A_49 : memref<640x128xf32, #tpu.memory_space<vmem_shared>>)
      tpu.yield
    }) : () -> ()
    %barrier3A = arith.constant 0 : index
    tpu.barrier barrier_id(%barrier3A)
    %scan3A = arith.constant 0 : i32
    %scan3A_3 = arith.constant 0 : i32
    %scan3A_4 = arith.constant 41 : i32
    %scan3A_5 = arith.addi %scan3A_3, %scan3A_4 : i32
    %scan3A_6 = arith.constant 1 : i32
    scf.for %scan3A_45 = %scan3A_3 to %scan3A_5 step %scan3A_6  : i32 {
      %gt3A = arith.constant 0 : i32
      %gt3A_46 = arith.cmpi sgt, %scan3A_45, %gt3A : i32
      %convert_element_type3A = arith.extui %gt3A_46 : i1 to i32
      %cond3A = arith.constant 0 : i32
      %cond3A_47 = arith.cmpi ne, %convert_element_type3A, %cond3A : i32
      scf.if %cond3A_47 {
        %dma_wait3A_370 = arith.constant 0 : i32
        %dma_wait3A_371 = arith.constant 0 : i32
        %dma_wait3A_372 = tpu.memref_slice %arg2[%dma_wait3A_370, %dma_wait3A_371] : memref<10240x128xf32, #tpu.memory_space<hbm>> -> memref<128x128xf32, #tpu.memory_space<hbm>>
        %dma_wait3A_373 = arith.constant 0 : i32
        %dma_wait3A_374 = arith.constant 0 : i32
        %dma_wait3A_375 = tpu.memref_slice %arg2[%dma_wait3A_373, %dma_wait3A_374] : memref<10240x128xf32, #tpu.memory_space<hbm>> -> memref<128x128xf32, #tpu.memory_space<hbm>>
        tpu.wait_dma2 semaphore(%arg15 : memref<!tpu.dma_semaphore, #tpu.memory_space<semaphore_mem>>) src(%dma_wait3A_375 : memref<128x128xf32, #tpu.memory_space<hbm>>) dst(%arg11 : memref<128x128xf32, #tpu.memory_space<vmem>>)
        %dma_wait3A_376 = arith.constant 0 : i32
        %dma_wait3A_377 = arith.constant 0 : i32
        %dma_wait3A_378 = tpu.memref_slice %arg2[%dma_wait3A_376, %dma_wait3A_377] : memref<10240x128xf32, #tpu.memory_space<hbm>> -> memref<128x128xf32, #tpu.memory_space<hbm>>
        %dma_wait3A_379 = arith.constant 0 : i32
        %dma_wait3A_380 = arith.constant 0 : i32
        %dma_wait3A_381 = tpu.memref_slice %arg2[%dma_wait3A_379, %dma_wait3A_380] : memref<10240x128xf32, #tpu.memory_space<hbm>> -> memref<128x128xf32, #tpu.memory_space<hbm>>
        tpu.wait_dma2 semaphore(%arg16 : memref<!tpu.dma_semaphore, #tpu.memory_space<semaphore_mem>>) src(%dma_wait3A_381 : memref<128x128xf32, #tpu.memory_space<hbm>>) dst(%arg12 : memref<128x128xf32, #tpu.memory_space<vmem>>)
      } else {
      }
      %mul3A_48 = arith.constant 32 : i32
      %mul3A_49 = arith.muli %scan3A_45, %mul3A_48 : i32
      %add3A_50 = arith.addi %mul3A_49, %add3A : i32
      %mul3A_51 = arith.constant 2 : i32
      %mul3A_52 = arith.muli %add3A_50, %mul3A_51 : i32
      "tpu.region"() ({
        %run_scoped3A = tpu.sem_alloc : memref<!tpu.dma_semaphore, #tpu.memory_space<semaphore_mem>>
        %dma_start3A_370 = arith.constant 0 : i32
        %dma_start3A_371 = tpu.memref_slice %arg3[%mul3A_52, %dma_start3A_370] : memref<2624x128xi32, #tpu.memory_space<hbm>> -> memref<2x128xi32, #tpu.memory_space<hbm>>
        %dma_start3A_372 = arith.constant 0 : i32
        %dma_start3A_373 = tpu.memref_slice %arg3[%mul3A_52, %dma_start3A_372] : memref<2624x128xi32, #tpu.memory_space<hbm>> -> memref<2x128xi32, #tpu.memory_space<hbm>>
        tpu.enqueue_dma source(%dma_start3A_373 : memref<2x128xi32, #tpu.memory_space<hbm>>) target(%arg6 : memref<2x128xi32, #tpu.memory_space<vmem>>) target_semaphore(%run_scoped3A : memref<!tpu.dma_semaphore, #tpu.memory_space<semaphore_mem>>)
        %dma_wait3A_374 = arith.constant 0 : i32
        %dma_wait3A_375 = tpu.memref_slice %arg3[%mul3A_52, %dma_wait3A_374] : memref<2624x128xi32, #tpu.memory_space<hbm>> -> memref<2x128xi32, #tpu.memory_space<hbm>>
        %dma_wait3A_376 = arith.constant 0 : i32
        %dma_wait3A_377 = tpu.memref_slice %arg3[%mul3A_52, %dma_wait3A_376] : memref<2624x128xi32, #tpu.memory_space<hbm>> -> memref<2x128xi32, #tpu.memory_space<hbm>>
        tpu.wait_dma2 semaphore(%run_scoped3A : memref<!tpu.dma_semaphore, #tpu.memory_space<semaphore_mem>>) src(%dma_wait3A_377 : memref<2x128xi32, #tpu.memory_space<hbm>>) dst(%arg6 : memref<2x128xi32, #tpu.memory_space<vmem>>)
        tpu.yield
      }) : () -> ()
      %get3A = arith.constant 0 : i32
      %get3A_53 = arith.index_cast %get3A : i32 to index
      %get3A_54 = arith.constant 0 : index
      %get3A_55 = tpu.vector_load %arg6[%get3A_53, %get3A_54] {strides = array<i32>} : memref<2x128xi32, #tpu.memory_space<vmem>>, vector<1x16xi32>,
      %get3A_56 = vector.shape_cast %get3A_55 : vector<1x16xi32> to vector<16xi32>
      %and3A = arith.constant 32767 : i32
      %and3A_57 = vector.broadcast %and3A : i32 to vector<16xi32>
      %and3A_58 = arith.andi %get3A_56, %and3A_57 : vector<16xi32>
      %swap3A = arith.constant 0 : index
      %swap3A_59 = tpu.vector_load %arg7[%swap3A] {strides = array<i32>} : memref<128xi32, #tpu.memory_space<vmem>>, vector<16xi32>,
      %swap3A_60 = vector.shape_cast %swap3A_59 : vector<16xi32> to vector<16xi32>
      %swap3A_61 = vector.shape_cast %and3A_58 : vector<16xi32> to vector<16xi32>
      tpu.vector_store %arg7[%swap3A], %swap3A_61 {strides = array<i32>} : memref<128xi32, #tpu.memory_space<vmem>>, vector<16xi32>,
      %shift_right_logical3A = arith.constant 15 : i32
      %shift_right_logical3A_62 = vector.broadcast %shift_right_logical3A : i32 to vector<16xi32>
      %shift_right_logical3A_63 = arith.shrui %get3A_56, %shift_right_logical3A_62 : vector<16xi32>
      %swap3A_64 = arith.constant 0 : index
      %swap3A_65 = tpu.vector_load %arg9[%swap3A_64] {strides = array<i32>} : memref<128xi32, #tpu.memory_space<vmem>>, vector<16xi32>,
      %swap3A_66 = vector.shape_cast %swap3A_65 : vector<16xi32> to vector<16xi32>
      %swap3A_67 = vector.shape_cast %shift_right_logical3A_63 : vector<16xi32> to vector<16xi32>
      tpu.vector_store %arg9[%swap3A_64], %swap3A_67 {strides = array<i32>} : memref<128xi32, #tpu.memory_space<vmem>>, vector<16xi32>,
      %get3A_68 = arith.constant 0 : i32
      %get3A_69 = arith.index_cast %get3A_68 : i32 to index
      %get3A_70 = arith.constant 16 : index
      %get3A_71 = tpu.vector_load %arg6[%get3A_69, %get3A_70] {strides = array<i32>} : memref<2x128xi32, #tpu.memory_space<vmem>>, vector<1x16xi32>,
      %get3A_72 = vector.shape_cast %get3A_71 : vector<1x16xi32> to vector<16xi32>
      %and3A_73 = arith.constant 32767 : i32
      %and3A_74 = vector.broadcast %and3A_73 : i32 to vector<16xi32>
      %and3A_75 = arith.andi %get3A_72, %and3A_74 : vector<16xi32>
      %swap3A_76 = arith.constant 16 : index
      %swap3A_77 = tpu.vector_load %arg7[%swap3A_76] {strides = array<i32>} : memref<128xi32, #tpu.memory_space<vmem>>, vector<16xi32>,
      %swap3A_78 = vector.shape_cast %swap3A_77 : vector<16xi32> to vector<16xi32>
      %swap3A_79 = vector.shape_cast %and3A_75 : vector<16xi32> to vector<16xi32>
      tpu.vector_store %arg7[%swap3A_76], %swap3A_79 {strides = array<i32>} : memref<128xi32, #tpu.memory_space<vmem>>, vector<16xi32>,
      %shift_right_logical3A_80 = arith.constant 15 : i32
      %shift_right_logical3A_81 = vector.broadcast %shift_right_logical3A_80 : i32 to vector<16xi32>
      %shift_right_logical3A_82 = arith.shrui %get3A_72, %shift_right_logical3A_81 : vector<16xi32>
      %swap3A_83 = arith.constant 16 : index
      %swap3A_84 = tpu.vector_load %arg9[%swap3A_83] {strides = array<i32>} : memref<128xi32, #tpu.memory_space<vmem>>, vector<16xi32>,
      %swap3A_85 = vector.shape_cast %swap3A_84 : vector<16xi32> to vector<16xi32>
      %swap3A_86 = vector.shape_cast %shift_right_logical3A_82 : vector<16xi32> to vector<16xi32>
      tpu.vector_store %arg9[%swap3A_83], %swap3A_86 {strides = array<i32>} : memref<128xi32, #tpu.memory_space<vmem>>, vector<16xi32>,
      %get3A_87 = arith.constant 0 : i32
      %get3A_88 = arith.index_cast %get3A_87 : i32 to index
      %get3A_89 = arith.constant 32 : index
      %get3A_90 = tpu.vector_load %arg6[%get3A_88, %get3A_89] {strides = array<i32>} : memref<2x128xi32, #tpu.memory_space<vmem>>, vector<1x16xi32>,
      %get3A_91 = vector.shape_cast %get3A_90 : vector<1x16xi32> to vector<16xi32>
      %and3A_92 = arith.constant 32767 : i32
      %and3A_93 = vector.broadcast %and3A_92 : i32 to vector<16xi32>
      %and3A_94 = arith.andi %get3A_91, %and3A_93 : vector<16xi32>
      %swap3A_95 = arith.constant 32 : index
      %swap3A_96 = tpu.vector_load %arg7[%swap3A_95] {strides = array<i32>} : memref<128xi32, #tpu.memory_space<vmem>>, vector<16xi32>,
      %swap3A_97 = vector.shape_cast %swap3A_96 : vector<16xi32> to vector<16xi32>
      %swap3A_98 = vector.shape_cast %and3A_94 : vector<16xi32> to vector<16xi32>
      tpu.vector_store %arg7[%swap3A_95], %swap3A_98 {strides = array<i32>} : memref<128xi32, #tpu.memory_space<vmem>>, vector<16xi32>,
      %shift_right_logical3A_99 = arith.constant 15 : i32
      %shift_right_logical3A_100 = vector.broadcast %shift_right_logical3A_99 : i32 to vector<16xi32>
      %shift_right_logical3A_101 = arith.shrui %get3A_91, %shift_right_logical3A_100 : vector<16xi32>
      %swap3A_102 = arith.constant 32 : index
      %swap3A_103 = tpu.vector_load %arg9[%swap3A_102] {strides = array<i32>} : memref<128xi32, #tpu.memory_space<vmem>>, vector<16xi32>,
      %swap3A_104 = vector.shape_cast %swap3A_103 : vector<16xi32> to vector<16xi32>
      %swap3A_105 = vector.shape_cast %shift_right_logical3A_101 : vector<16xi32> to vector<16xi32>
      tpu.vector_store %arg9[%swap3A_102], %swap3A_105 {strides = array<i32>} : memref<128xi32, #tpu.memory_space<vmem>>, vector<16xi32>,
      %get3A_106 = arith.constant 0 : i32
      %get3A_107 = arith.index_cast %get3A_106 : i32 to index
      %get3A_108 = arith.constant 48 : index
      %get3A_109 = tpu.vector_load %arg6[%get3A_107, %get3A_108] {strides = array<i32>} : memref<2x128xi32, #tpu.memory_space<vmem>>, vector<1x16xi32>,
      %get3A_110 = vector.shape_cast %get3A_109 : vector<1x16xi32> to vector<16xi32>
      %and3A_111 = arith.constant 32767 : i32
      %and3A_112 = vector.broadcast %and3A_111 : i32 to vector<16xi32>
      %and3A_113 = arith.andi %get3A_110, %and3A_112 : vector<16xi32>
      %swap3A_114 = arith.constant 48 : index
      %swap3A_115 = tpu.vector_load %arg7[%swap3A_114] {strides = array<i32>} : memref<128xi32, #tpu.memory_space<vmem>>, vector<16xi32>,
      %swap3A_116 = vector.shape_cast %swap3A_115 : vector<16xi32> to vector<16xi32>
      %swap3A_117 = vector.shape_cast %and3A_113 : vector<16xi32> to vector<16xi32>
      tpu.vector_store %arg7[%swap3A_114], %swap3A_117 {strides = array<i32>} : memref<128xi32, #tpu.memory_space<vmem>>, vector<16xi32>,
      %shift_right_logical3A_118 = arith.constant 15 : i32
      %shift_right_logical3A_119 = vector.broadcast %shift_right_logical3A_118 : i32 to vector<16xi32>
      %shift_right_logical3A_120 = arith.shrui %get3A_110, %shift_right_logical3A_119 : vector<16xi32>
      %swap3A_121 = arith.constant 48 : index
      %swap3A_122 = tpu.vector_load %arg9[%swap3A_121] {strides = array<i32>} : memref<128xi32, #tpu.memory_space<vmem>>, vector<16xi32>,
      %swap3A_123 = vector.shape_cast %swap3A_122 : vector<16xi32> to vector<16xi32>
      %swap3A_124 = vector.shape_cast %shift_right_logical3A_120 : vector<16xi32> to vector<16xi32>
      tpu.vector_store %arg9[%swap3A_121], %swap3A_124 {strides = array<i32>} : memref<128xi32, #tpu.memory_space<vmem>>, vector<16xi32>,
      %get3A_125 = arith.constant 0 : i32
      %get3A_126 = arith.index_cast %get3A_125 : i32 to index
      %get3A_127 = arith.constant 64 : index
      %get3A_128 = tpu.vector_load %arg6[%get3A_126, %get3A_127] {strides = array<i32>} : memref<2x128xi32, #tpu.memory_space<vmem>>, vector<1x16xi32>,
      %get3A_129 = vector.shape_cast %get3A_128 : vector<1x16xi32> to vector<16xi32>
      %and3A_130 = arith.constant 32767 : i32
      %and3A_131 = vector.broadcast %and3A_130 : i32 to vector<16xi32>
      %and3A_132 = arith.andi %get3A_129, %and3A_131 : vector<16xi32>
      %swap3A_133 = arith.constant 64 : index
      %swap3A_134 = tpu.vector_load %arg7[%swap3A_133] {strides = array<i32>} : memref<128xi32, #tpu.memory_space<vmem>>, vector<16xi32>,
      %swap3A_135 = vector.shape_cast %swap3A_134 : vector<16xi32> to vector<16xi32>
      %swap3A_136 = vector.shape_cast %and3A_132 : vector<16xi32> to vector<16xi32>
      tpu.vector_store %arg7[%swap3A_133], %swap3A_136 {strides = array<i32>} : memref<128xi32, #tpu.memory_space<vmem>>, vector<16xi32>,
      %shift_right_logical3A_137 = arith.constant 15 : i32
      %shift_right_logical3A_138 = vector.broadcast %shift_right_logical3A_137 : i32 to vector<16xi32>
      %shift_right_logical3A_139 = arith.shrui %get3A_129, %shift_right_logical3A_138 : vector<16xi32>
      %swap3A_140 = arith.constant 64 : index
      %swap3A_141 = tpu.vector_load %arg9[%swap3A_140] {strides = array<i32>} : memref<128xi32, #tpu.memory_space<vmem>>, vector<16xi32>,
      %swap3A_142 = vector.shape_cast %swap3A_141 : vector<16xi32> to vector<16xi32>
      %swap3A_143 = vector.shape_cast %shift_right_logical3A_139 : vector<16xi32> to vector<16xi32>
      tpu.vector_store %arg9[%swap3A_140], %swap3A_143 {strides = array<i32>} : memref<128xi32, #tpu.memory_space<vmem>>, vector<16xi32>,
      %get3A_144 = arith.constant 0 : i32
      %get3A_145 = arith.index_cast %get3A_144 : i32 to index
      %get3A_146 = arith.constant 80 : index
      %get3A_147 = tpu.vector_load %arg6[%get3A_145, %get3A_146] {strides = array<i32>} : memref<2x128xi32, #tpu.memory_space<vmem>>, vector<1x16xi32>,
      %get3A_148 = vector.shape_cast %get3A_147 : vector<1x16xi32> to vector<16xi32>
      %and3A_149 = arith.constant 32767 : i32
      %and3A_150 = vector.broadcast %and3A_149 : i32 to vector<16xi32>
      %and3A_151 = arith.andi %get3A_148, %and3A_150 : vector<16xi32>
      %swap3A_152 = arith.constant 80 : index
      %swap3A_153 = tpu.vector_load %arg7[%swap3A_152] {strides = array<i32>} : memref<128xi32, #tpu.memory_space<vmem>>, vector<16xi32>,
      %swap3A_154 = vector.shape_cast %swap3A_153 : vector<16xi32> to vector<16xi32>
      %swap3A_155 = vector.shape_cast %and3A_151 : vector<16xi32> to vector<16xi32>
      tpu.vector_store %arg7[%swap3A_152], %swap3A_155 {strides = array<i32>} : memref<128xi32, #tpu.memory_space<vmem>>, vector<16xi32>,
      %shift_right_logical3A_156 = arith.constant 15 : i32
      %shift_right_logical3A_157 = vector.broadcast %shift_right_logical3A_156 : i32 to vector<16xi32>
      %shift_right_logical3A_158 = arith.shrui %get3A_148, %shift_right_logical3A_157 : vector<16xi32>
      %swap3A_159 = arith.constant 80 : index
      %swap3A_160 = tpu.vector_load %arg9[%swap3A_159] {strides = array<i32>} : memref<128xi32, #tpu.memory_space<vmem>>, vector<16xi32>,
      %swap3A_161 = vector.shape_cast %swap3A_160 : vector<16xi32> to vector<16xi32>
      %swap3A_162 = vector.shape_cast %shift_right_logical3A_158 : vector<16xi32> to vector<16xi32>
      tpu.vector_store %arg9[%swap3A_159], %swap3A_162 {strides = array<i32>} : memref<128xi32, #tpu.memory_space<vmem>>, vector<16xi32>,
      %get3A_163 = arith.constant 0 : i32
      %get3A_164 = arith.index_cast %get3A_163 : i32 to index
      %get3A_165 = arith.constant 96 : index
      %get3A_166 = tpu.vector_load %arg6[%get3A_164, %get3A_165] {strides = array<i32>} : memref<2x128xi32, #tpu.memory_space<vmem>>, vector<1x16xi32>,
      %get3A_167 = vector.shape_cast %get3A_166 : vector<1x16xi32> to vector<16xi32>
      %and3A_168 = arith.constant 32767 : i32
      %and3A_169 = vector.broadcast %and3A_168 : i32 to vector<16xi32>
      %and3A_170 = arith.andi %get3A_167, %and3A_169 : vector<16xi32>
      %swap3A_171 = arith.constant 96 : index
      %swap3A_172 = tpu.vector_load %arg7[%swap3A_171] {strides = array<i32>} : memref<128xi32, #tpu.memory_space<vmem>>, vector<16xi32>,
      %swap3A_173 = vector.shape_cast %swap3A_172 : vector<16xi32> to vector<16xi32>
      %swap3A_174 = vector.shape_cast %and3A_170 : vector<16xi32> to vector<16xi32>
      tpu.vector_store %arg7[%swap3A_171], %swap3A_174 {strides = array<i32>} : memref<128xi32, #tpu.memory_space<vmem>>, vector<16xi32>,
      %shift_right_logical3A_175 = arith.constant 15 : i32
      %shift_right_logical3A_176 = vector.broadcast %shift_right_logical3A_175 : i32 to vector<16xi32>
      %shift_right_logical3A_177 = arith.shrui %get3A_167, %shift_right_logical3A_176 : vector<16xi32>
      %swap3A_178 = arith.constant 96 : index
      %swap3A_179 = tpu.vector_load %arg9[%swap3A_178] {strides = array<i32>} : memref<128xi32, #tpu.memory_space<vmem>>, vector<16xi32>,
      %swap3A_180 = vector.shape_cast %swap3A_179 : vector<16xi32> to vector<16xi32>
      %swap3A_181 = vector.shape_cast %shift_right_logical3A_177 : vector<16xi32> to vector<16xi32>
      tpu.vector_store %arg9[%swap3A_178], %swap3A_181 {strides = array<i32>} : memref<128xi32, #tpu.memory_space<vmem>>, vector<16xi32>,
      %get3A_182 = arith.constant 0 : i32
      %get3A_183 = arith.index_cast %get3A_182 : i32 to index
      %get3A_184 = arith.constant 112 : index
      %get3A_185 = tpu.vector_load %arg6[%get3A_183, %get3A_184] {strides = array<i32>} : memref<2x128xi32, #tpu.memory_space<vmem>>, vector<1x16xi32>,
      %get3A_186 = vector.shape_cast %get3A_185 : vector<1x16xi32> to vector<16xi32>
      %and3A_187 = arith.constant 32767 : i32
      %and3A_188 = vector.broadcast %and3A_187 : i32 to vector<16xi32>
      %and3A_189 = arith.andi %get3A_186, %and3A_188 : vector<16xi32>
      %swap3A_190 = arith.constant 112 : index
      %swap3A_191 = tpu.vector_load %arg7[%swap3A_190] {strides = array<i32>} : memref<128xi32, #tpu.memory_space<vmem>>, vector<16xi32>,
      %swap3A_192 = vector.shape_cast %swap3A_191 : vector<16xi32> to vector<16xi32>
      %swap3A_193 = vector.shape_cast %and3A_189 : vector<16xi32> to vector<16xi32>
      tpu.vector_store %arg7[%swap3A_190], %swap3A_193 {strides = array<i32>} : memref<128xi32, #tpu.memory_space<vmem>>, vector<16xi32>,
      %shift_right_logical3A_194 = arith.constant 15 : i32
      %shift_right_logical3A_195 = vector.broadcast %shift_right_logical3A_194 : i32 to vector<16xi32>
      %shift_right_logical3A_196 = arith.shrui %get3A_186, %shift_right_logical3A_195 : vector<16xi32>
      %swap3A_197 = arith.constant 112 : index
      %swap3A_198 = tpu.vector_load %arg9[%swap3A_197] {strides = array<i32>} : memref<128xi32, #tpu.memory_space<vmem>>, vector<16xi32>,
      %swap3A_199 = vector.shape_cast %swap3A_198 : vector<16xi32> to vector<16xi32>
      %swap3A_200 = vector.shape_cast %shift_right_logical3A_196 : vector<16xi32> to vector<16xi32>
      tpu.vector_store %arg9[%swap3A_197], %swap3A_200 {strides = array<i32>} : memref<128xi32, #tpu.memory_space<vmem>>, vector<16xi32>,
      %dma_start3A = arith.constant 0 : i32
      %dma_start3A_201 = arith.constant 0 : i32
      %dma_start3A_202 = tpu.memref_slice %arg2[%dma_start3A, %dma_start3A_201] : memref<10240x128xf32, #tpu.memory_space<hbm>> -> memref<10240x128xf32, #tpu.memory_space<hbm>>
      tpu.enqueue_indirect_dma source(%dma_start3A_202 : memref<10240x128xf32, #tpu.memory_space<hbm>>) target(%arg11 : memref<128x128xf32, #tpu.memory_space<vmem>>) offsets(%arg7 : memref<128xi32, #tpu.memory_space<vmem>>) semaphore(%arg13 : memref<!tpu.dma_semaphore, #tpu.memory_space<semaphore_mem>>)
      %get3A_203 = arith.constant 1 : i32
      %get3A_204 = arith.index_cast %get3A_203 : i32 to index
      %get3A_205 = arith.constant 0 : index
      %get3A_206 = tpu.vector_load %arg6[%get3A_204, %get3A_205] {strides = array<i32>} : memref<2x128xi32, #tpu.memory_space<vmem>>, vector<1x16xi32>,
      %get3A_207 = vector.shape_cast %get3A_206 : vector<1x16xi32> to vector<16xi32>
      %and3A_208 = arith.constant 32767 : i32
      %and3A_209 = vector.broadcast %and3A_208 : i32 to vector<16xi32>
      %and3A_210 = arith.andi %get3A_207, %and3A_209 : vector<16xi32>
      %swap3A_211 = arith.constant 0 : index
      %swap3A_212 = tpu.vector_load %arg8[%swap3A_211] {strides = array<i32>} : memref<128xi32, #tpu.memory_space<vmem>>, vector<16xi32>,
      %swap3A_213 = vector.shape_cast %swap3A_212 : vector<16xi32> to vector<16xi32>
      %swap3A_214 = vector.shape_cast %and3A_210 : vector<16xi32> to vector<16xi32>
      tpu.vector_store %arg8[%swap3A_211], %swap3A_214 {strides = array<i32>} : memref<128xi32, #tpu.memory_space<vmem>>, vector<16xi32>,
      %shift_right_logical3A_215 = arith.constant 15 : i32
      %shift_right_logical3A_216 = vector.broadcast %shift_right_logical3A_215 : i32 to vector<16xi32>
      %shift_right_logical3A_217 = arith.shrui %get3A_207, %shift_right_logical3A_216 : vector<16xi32>
      %swap3A_218 = arith.constant 0 : index
      %swap3A_219 = tpu.vector_load %arg10[%swap3A_218] {strides = array<i32>} : memref<128xi32, #tpu.memory_space<vmem>>, vector<16xi32>,
      %swap3A_220 = vector.shape_cast %swap3A_219 : vector<16xi32> to vector<16xi32>
      %swap3A_221 = vector.shape_cast %shift_right_logical3A_217 : vector<16xi32> to vector<16xi32>
      tpu.vector_store %arg10[%swap3A_218], %swap3A_221 {strides = array<i32>} : memref<128xi32, #tpu.memory_space<vmem>>, vector<16xi32>,
      %get3A_222 = arith.constant 1 : i32
      %get3A_223 = arith.index_cast %get3A_222 : i32 to index
      %get3A_224 = arith.constant 16 : index
      %get3A_225 = tpu.vector_load %arg6[%get3A_223, %get3A_224] {strides = array<i32>} : memref<2x128xi32, #tpu.memory_space<vmem>>, vector<1x16xi32>,
      %get3A_226 = vector.shape_cast %get3A_225 : vector<1x16xi32> to vector<16xi32>
      %and3A_227 = arith.constant 32767 : i32
      %and3A_228 = vector.broadcast %and3A_227 : i32 to vector<16xi32>
      %and3A_229 = arith.andi %get3A_226, %and3A_228 : vector<16xi32>
      %swap3A_230 = arith.constant 16 : index
      %swap3A_231 = tpu.vector_load %arg8[%swap3A_230] {strides = array<i32>} : memref<128xi32, #tpu.memory_space<vmem>>, vector<16xi32>,
      %swap3A_232 = vector.shape_cast %swap3A_231 : vector<16xi32> to vector<16xi32>
      %swap3A_233 = vector.shape_cast %and3A_229 : vector<16xi32> to vector<16xi32>
      tpu.vector_store %arg8[%swap3A_230], %swap3A_233 {strides = array<i32>} : memref<128xi32, #tpu.memory_space<vmem>>, vector<16xi32>,
      %shift_right_logical3A_234 = arith.constant 15 : i32
      %shift_right_logical3A_235 = vector.broadcast %shift_right_logical3A_234 : i32 to vector<16xi32>
      %shift_right_logical3A_236 = arith.shrui %get3A_226, %shift_right_logical3A_235 : vector<16xi32>
      %swap3A_237 = arith.constant 16 : index
      %swap3A_238 = tpu.vector_load %arg10[%swap3A_237] {strides = array<i32>} : memref<128xi32, #tpu.memory_space<vmem>>, vector<16xi32>,
      %swap3A_239 = vector.shape_cast %swap3A_238 : vector<16xi32> to vector<16xi32>
      %swap3A_240 = vector.shape_cast %shift_right_logical3A_236 : vector<16xi32> to vector<16xi32>
      tpu.vector_store %arg10[%swap3A_237], %swap3A_240 {strides = array<i32>} : memref<128xi32, #tpu.memory_space<vmem>>, vector<16xi32>,
      %get3A_241 = arith.constant 1 : i32
      %get3A_242 = arith.index_cast %get3A_241 : i32 to index
      %get3A_243 = arith.constant 32 : index
      %get3A_244 = tpu.vector_load %arg6[%get3A_242, %get3A_243] {strides = array<i32>} : memref<2x128xi32, #tpu.memory_space<vmem>>, vector<1x16xi32>,
      %get3A_245 = vector.shape_cast %get3A_244 : vector<1x16xi32> to vector<16xi32>
      %and3A_246 = arith.constant 32767 : i32
      %and3A_247 = vector.broadcast %and3A_246 : i32 to vector<16xi32>
      %and3A_248 = arith.andi %get3A_245, %and3A_247 : vector<16xi32>
      %swap3A_249 = arith.constant 32 : index
      %swap3A_250 = tpu.vector_load %arg8[%swap3A_249] {strides = array<i32>} : memref<128xi32, #tpu.memory_space<vmem>>, vector<16xi32>,
      %swap3A_251 = vector.shape_cast %swap3A_250 : vector<16xi32> to vector<16xi32>
      %swap3A_252 = vector.shape_cast %and3A_248 : vector<16xi32> to vector<16xi32>
      tpu.vector_store %arg8[%swap3A_249], %swap3A_252 {strides = array<i32>} : memref<128xi32, #tpu.memory_space<vmem>>, vector<16xi32>,
      %shift_right_logical3A_253 = arith.constant 15 : i32
      %shift_right_logical3A_254 = vector.broadcast %shift_right_logical3A_253 : i32 to vector<16xi32>
      %shift_right_logical3A_255 = arith.shrui %get3A_245, %shift_right_logical3A_254 : vector<16xi32>
      %swap3A_256 = arith.constant 32 : index
      %swap3A_257 = tpu.vector_load %arg10[%swap3A_256] {strides = array<i32>} : memref<128xi32, #tpu.memory_space<vmem>>, vector<16xi32>,
      %swap3A_258 = vector.shape_cast %swap3A_257 : vector<16xi32> to vector<16xi32>
      %swap3A_259 = vector.shape_cast %shift_right_logical3A_255 : vector<16xi32> to vector<16xi32>
      tpu.vector_store %arg10[%swap3A_256], %swap3A_259 {strides = array<i32>} : memref<128xi32, #tpu.memory_space<vmem>>, vector<16xi32>,
      %get3A_260 = arith.constant 1 : i32
      %get3A_261 = arith.index_cast %get3A_260 : i32 to index
      %get3A_262 = arith.constant 48 : index
      %get3A_263 = tpu.vector_load %arg6[%get3A_261, %get3A_262] {strides = array<i32>} : memref<2x128xi32, #tpu.memory_space<vmem>>, vector<1x16xi32>,
      %get3A_264 = vector.shape_cast %get3A_263 : vector<1x16xi32> to vector<16xi32>
      %and3A_265 = arith.constant 32767 : i32
      %and3A_266 = vector.broadcast %and3A_265 : i32 to vector<16xi32>
      %and3A_267 = arith.andi %get3A_264, %and3A_266 : vector<16xi32>
      %swap3A_268 = arith.constant 48 : index
      %swap3A_269 = tpu.vector_load %arg8[%swap3A_268] {strides = array<i32>} : memref<128xi32, #tpu.memory_space<vmem>>, vector<16xi32>,
      %swap3A_270 = vector.shape_cast %swap3A_269 : vector<16xi32> to vector<16xi32>
      %swap3A_271 = vector.shape_cast %and3A_267 : vector<16xi32> to vector<16xi32>
      tpu.vector_store %arg8[%swap3A_268], %swap3A_271 {strides = array<i32>} : memref<128xi32, #tpu.memory_space<vmem>>, vector<16xi32>,
      %shift_right_logical3A_272 = arith.constant 15 : i32
      %shift_right_logical3A_273 = vector.broadcast %shift_right_logical3A_272 : i32 to vector<16xi32>
      %shift_right_logical3A_274 = arith.shrui %get3A_264, %shift_right_logical3A_273 : vector<16xi32>
      %swap3A_275 = arith.constant 48 : index
      %swap3A_276 = tpu.vector_load %arg10[%swap3A_275] {strides = array<i32>} : memref<128xi32, #tpu.memory_space<vmem>>, vector<16xi32>,
      %swap3A_277 = vector.shape_cast %swap3A_276 : vector<16xi32> to vector<16xi32>
      %swap3A_278 = vector.shape_cast %shift_right_logical3A_274 : vector<16xi32> to vector<16xi32>
      tpu.vector_store %arg10[%swap3A_275], %swap3A_278 {strides = array<i32>} : memref<128xi32, #tpu.memory_space<vmem>>, vector<16xi32>,
      %get3A_279 = arith.constant 1 : i32
      %get3A_280 = arith.index_cast %get3A_279 : i32 to index
      %get3A_281 = arith.constant 64 : index
      %get3A_282 = tpu.vector_load %arg6[%get3A_280, %get3A_281] {strides = array<i32>} : memref<2x128xi32, #tpu.memory_space<vmem>>, vector<1x16xi32>,
      %get3A_283 = vector.shape_cast %get3A_282 : vector<1x16xi32> to vector<16xi32>
      %and3A_284 = arith.constant 32767 : i32
      %and3A_285 = vector.broadcast %and3A_284 : i32 to vector<16xi32>
      %and3A_286 = arith.andi %get3A_283, %and3A_285 : vector<16xi32>
      %swap3A_287 = arith.constant 64 : index
      %swap3A_288 = tpu.vector_load %arg8[%swap3A_287] {strides = array<i32>} : memref<128xi32, #tpu.memory_space<vmem>>, vector<16xi32>,
      %swap3A_289 = vector.shape_cast %swap3A_288 : vector<16xi32> to vector<16xi32>
      %swap3A_290 = vector.shape_cast %and3A_286 : vector<16xi32> to vector<16xi32>
      tpu.vector_store %arg8[%swap3A_287], %swap3A_290 {strides = array<i32>} : memref<128xi32, #tpu.memory_space<vmem>>, vector<16xi32>,
      %shift_right_logical3A_291 = arith.constant 15 : i32
      %shift_right_logical3A_292 = vector.broadcast %shift_right_logical3A_291 : i32 to vector<16xi32>
      %shift_right_logical3A_293 = arith.shrui %get3A_283, %shift_right_logical3A_292 : vector<16xi32>
      %swap3A_294 = arith.constant 64 : index
      %swap3A_295 = tpu.vector_load %arg10[%swap3A_294] {strides = array<i32>} : memref<128xi32, #tpu.memory_space<vmem>>, vector<16xi32>,
      %swap3A_296 = vector.shape_cast %swap3A_295 : vector<16xi32> to vector<16xi32>
      %swap3A_297 = vector.shape_cast %shift_right_logical3A_293 : vector<16xi32> to vector<16xi32>
      tpu.vector_store %arg10[%swap3A_294], %swap3A_297 {strides = array<i32>} : memref<128xi32, #tpu.memory_space<vmem>>, vector<16xi32>,
      %get3A_298 = arith.constant 1 : i32
      %get3A_299 = arith.index_cast %get3A_298 : i32 to index
      %get3A_300 = arith.constant 80 : index
      %get3A_301 = tpu.vector_load %arg6[%get3A_299, %get3A_300] {strides = array<i32>} : memref<2x128xi32, #tpu.memory_space<vmem>>, vector<1x16xi32>,
      %get3A_302 = vector.shape_cast %get3A_301 : vector<1x16xi32> to vector<16xi32>
      %and3A_303 = arith.constant 32767 : i32
      %and3A_304 = vector.broadcast %and3A_303 : i32 to vector<16xi32>
      %and3A_305 = arith.andi %get3A_302, %and3A_304 : vector<16xi32>
      %swap3A_306 = arith.constant 80 : index
      %swap3A_307 = tpu.vector_load %arg8[%swap3A_306] {strides = array<i32>} : memref<128xi32, #tpu.memory_space<vmem>>, vector<16xi32>,
      %swap3A_308 = vector.shape_cast %swap3A_307 : vector<16xi32> to vector<16xi32>
      %swap3A_309 = vector.shape_cast %and3A_305 : vector<16xi32> to vector<16xi32>
      tpu.vector_store %arg8[%swap3A_306], %swap3A_309 {strides = array<i32>} : memref<128xi32, #tpu.memory_space<vmem>>, vector<16xi32>,
      %shift_right_logical3A_310 = arith.constant 15 : i32
      %shift_right_logical3A_311 = vector.broadcast %shift_right_logical3A_310 : i32 to vector<16xi32>
      %shift_right_logical3A_312 = arith.shrui %get3A_302, %shift_right_logical3A_311 : vector<16xi32>
      %swap3A_313 = arith.constant 80 : index
      %swap3A_314 = tpu.vector_load %arg10[%swap3A_313] {strides = array<i32>} : memref<128xi32, #tpu.memory_space<vmem>>, vector<16xi32>,
      %swap3A_315 = vector.shape_cast %swap3A_314 : vector<16xi32> to vector<16xi32>
      %swap3A_316 = vector.shape_cast %shift_right_logical3A_312 : vector<16xi32> to vector<16xi32>
      tpu.vector_store %arg10[%swap3A_313], %swap3A_316 {strides = array<i32>} : memref<128xi32, #tpu.memory_space<vmem>>, vector<16xi32>,
      %get3A_317 = arith.constant 1 : i32
      %get3A_318 = arith.index_cast %get3A_317 : i32 to index
      %get3A_319 = arith.constant 96 : index
      %get3A_320 = tpu.vector_load %arg6[%get3A_318, %get3A_319] {strides = array<i32>} : memref<2x128xi32, #tpu.memory_space<vmem>>, vector<1x16xi32>,
      %get3A_321 = vector.shape_cast %get3A_320 : vector<1x16xi32> to vector<16xi32>
      %and3A_322 = arith.constant 32767 : i32
      %and3A_323 = vector.broadcast %and3A_322 : i32 to vector<16xi32>
      %and3A_324 = arith.andi %get3A_321, %and3A_323 : vector<16xi32>
      %swap3A_325 = arith.constant 96 : index
      %swap3A_326 = tpu.vector_load %arg8[%swap3A_325] {strides = array<i32>} : memref<128xi32, #tpu.memory_space<vmem>>, vector<16xi32>,
      %swap3A_327 = vector.shape_cast %swap3A_326 : vector<16xi32> to vector<16xi32>
      %swap3A_328 = vector.shape_cast %and3A_324 : vector<16xi32> to vector<16xi32>
      tpu.vector_store %arg8[%swap3A_325], %swap3A_328 {strides = array<i32>} : memref<128xi32, #tpu.memory_space<vmem>>, vector<16xi32>,
      %shift_right_logical3A_329 = arith.constant 15 : i32
      %shift_right_logical3A_330 = vector.broadcast %shift_right_logical3A_329 : i32 to vector<16xi32>
      %shift_right_logical3A_331 = arith.shrui %get3A_321, %shift_right_logical3A_330 : vector<16xi32>
      %swap3A_332 = arith.constant 96 : index
      %swap3A_333 = tpu.vector_load %arg10[%swap3A_332] {strides = array<i32>} : memref<128xi32, #tpu.memory_space<vmem>>, vector<16xi32>,
      %swap3A_334 = vector.shape_cast %swap3A_333 : vector<16xi32> to vector<16xi32>
      %swap3A_335 = vector.shape_cast %shift_right_logical3A_331 : vector<16xi32> to vector<16xi32>
      tpu.vector_store %arg10[%swap3A_332], %swap3A_335 {strides = array<i32>} : memref<128xi32, #tpu.memory_space<vmem>>, vector<16xi32>,
      %get3A_336 = arith.constant 1 : i32
      %get3A_337 = arith.index_cast %get3A_336 : i32 to index
      %get3A_338 = arith.constant 112 : index
      %get3A_339 = tpu.vector_load %arg6[%get3A_337, %get3A_338] {strides = array<i32>} : memref<2x128xi32, #tpu.memory_space<vmem>>, vector<1x16xi32>,
      %get3A_340 = vector.shape_cast %get3A_339 : vector<1x16xi32> to vector<16xi32>
      %and3A_341 = arith.constant 32767 : i32
      %and3A_342 = vector.broadcast %and3A_341 : i32 to vector<16xi32>
      %and3A_343 = arith.andi %get3A_340, %and3A_342 : vector<16xi32>
      %swap3A_344 = arith.constant 112 : index
      %swap3A_345 = tpu.vector_load %arg8[%swap3A_344] {strides = array<i32>} : memref<128xi32, #tpu.memory_space<vmem>>, vector<16xi32>,
      %swap3A_346 = vector.shape_cast %swap3A_345 : vector<16xi32> to vector<16xi32>
      %swap3A_347 = vector.shape_cast %and3A_343 : vector<16xi32> to vector<16xi32>
      tpu.vector_store %arg8[%swap3A_344], %swap3A_347 {strides = array<i32>} : memref<128xi32, #tpu.memory_space<vmem>>, vector<16xi32>,
      %shift_right_logical3A_348 = arith.constant 15 : i32
      %shift_right_logical3A_349 = vector.broadcast %shift_right_logical3A_348 : i32 to vector<16xi32>
      %shift_right_logical3A_350 = arith.shrui %get3A_340, %shift_right_logical3A_349 : vector<16xi32>
      %swap3A_351 = arith.constant 112 : index
      %swap3A_352 = tpu.vector_load %arg10[%swap3A_351] {strides = array<i32>} : memref<128xi32, #tpu.memory_space<vmem>>, vector<16xi32>,
      %swap3A_353 = vector.shape_cast %swap3A_352 : vector<16xi32> to vector<16xi32>
      %swap3A_354 = vector.shape_cast %shift_right_logical3A_350 : vector<16xi32> to vector<16xi32>
      tpu.vector_store %arg10[%swap3A_351], %swap3A_354 {strides = array<i32>} : memref<128xi32, #tpu.memory_space<vmem>>, vector<16xi32>,
      %dma_start3A_355 = arith.constant 0 : i32
      %dma_start3A_356 = arith.constant 0 : i32
      %dma_start3A_357 = tpu.memref_slice %arg2[%dma_start3A_355, %dma_start3A_356] : memref<10240x128xf32, #tpu.memory_space<hbm>> -> memref<10240x128xf32, #tpu.memory_space<hbm>>
      tpu.enqueue_indirect_dma source(%dma_start3A_357 : memref<10240x128xf32, #tpu.memory_space<hbm>>) target(%arg12 : memref<128x128xf32, #tpu.memory_space<vmem>>) offsets(%arg8 : memref<128xi32, #tpu.memory_space<vmem>>) semaphore(%arg14 : memref<!tpu.dma_semaphore, #tpu.memory_space<semaphore_mem>>)
      %dma_wait3A_358 = arith.constant 0 : i32
      %dma_wait3A_359 = arith.constant 0 : i32
      %dma_wait3A_360 = tpu.memref_slice %arg2[%dma_wait3A_358, %dma_wait3A_359] : memref<10240x128xf32, #tpu.memory_space<hbm>> -> memref<10240x128xf32, #tpu.memory_space<hbm>>
      tpu.wait_indirect_dma semaphore(%arg13 : memref<!tpu.dma_semaphore, #tpu.memory_space<semaphore_mem>>) src(%dma_wait3A_360 : memref<10240x128xf32, #tpu.memory_space<hbm>>) dst(%arg11 : memref<128x128xf32, #tpu.memory_space<vmem>>)
      %dma_start3A_361 = arith.constant 0 : i32
      %dma_start3A_362 = arith.constant 0 : i32
      %dma_start3A_363 = tpu.memref_slice %arg17[%dma_start3A_361, %dma_start3A_362] : memref<10240x128xf32, #tpu.memory_space<vmem_shared>> -> memref<10240x128xf32, #tpu.memory_space<vmem_shared>>
      tpu.enqueue_indirect_dma source(%arg11 : memref<128x128xf32, #tpu.memory_space<vmem>>) target(%dma_start3A_363 : memref<10240x128xf32, #tpu.memory_space<vmem_shared>>) offsets(%arg9 : memref<128xi32, #tpu.memory_space<vmem>>) semaphore(%arg15 : memref<!tpu.dma_semaphore, #tpu.memory_space<semaphore_mem>>) {add = true}
      %dma_wait3A_364 = arith.constant 0 : i32
      %dma_wait3A_365 = arith.constant 0 : i32
      %dma_wait3A_366 = tpu.memref_slice %arg2[%dma_wait3A_364, %dma_wait3A_365] : memref<10240x128xf32, #tpu.memory_space<hbm>> -> memref<10240x128xf32, #tpu.memory_space<hbm>>
      tpu.wait_indirect_dma semaphore(%arg14 : memref<!tpu.dma_semaphore, #tpu.memory_space<semaphore_mem>>) src(%dma_wait3A_366 : memref<10240x128xf32, #tpu.memory_space<hbm>>) dst(%arg12 : memref<128x128xf32, #tpu.memory_space<vmem>>)
      %dma_start3A_367 = arith.constant 0 : i32
      %dma_start3A_368 = arith.constant 0 : i32
      %dma_start3A_369 = tpu.memref_slice %arg17[%dma_start3A_367, %dma_start3A_368] : memref<10240x128xf32, #tpu.memory_space<vmem_shared>> -> memref<10240x128xf32, #tpu.memory_space<vmem_shared>>
      tpu.enqueue_indirect_dma source(%arg12 : memref<128x128xf32, #tpu.memory_space<vmem>>) target(%dma_start3A_369 : memref<10240x128xf32, #tpu.memory_space<vmem_shared>>) offsets(%arg10 : memref<128xi32, #tpu.memory_space<vmem>>) semaphore(%arg16 : memref<!tpu.dma_semaphore, #tpu.memory_space<semaphore_mem>>) {add = true}
    }
    %scan3A_7 = arith.constant 41 : i32
    %dma_wait3A = arith.constant 0 : i32
    %dma_wait3A_8 = arith.constant 0 : i32
    %dma_wait3A_9 = tpu.memref_slice %arg2[%dma_wait3A, %dma_wait3A_8] : memref<10240x128xf32, #tpu.memory_space<hbm>> -> memref<128x128xf32, #tpu.memory_space<hbm>>
    %dma_wait3A_10 = arith.constant 0 : i32
    %dma_wait3A_11 = arith.constant 0 : i32
    %dma_wait3A_12 = tpu.memref_slice %arg2[%dma_wait3A_10, %dma_wait3A_11] : memref<10240x128xf32, #tpu.memory_space<hbm>> -> memref<128x128xf32, #tpu.memory_space<hbm>>
    tpu.wait_dma2 semaphore(%arg15 : memref<!tpu.dma_semaphore, #tpu.memory_space<semaphore_mem>>) src(%dma_wait3A_12 : memref<128x128xf32, #tpu.memory_space<hbm>>) dst(%arg11 : memref<128x128xf32, #tpu.memory_space<vmem>>)
    %dma_wait3A_13 = arith.constant 0 : i32
    %dma_wait3A_14 = arith.constant 0 : i32
    %dma_wait3A_15 = tpu.memref_slice %arg2[%dma_wait3A_13, %dma_wait3A_14] : memref<10240x128xf32, #tpu.memory_space<hbm>> -> memref<128x128xf32, #tpu.memory_space<hbm>>
    %dma_wait3A_16 = arith.constant 0 : i32
    %dma_wait3A_17 = arith.constant 0 : i32
    %dma_wait3A_18 = tpu.memref_slice %arg2[%dma_wait3A_16, %dma_wait3A_17] : memref<10240x128xf32, #tpu.memory_space<hbm>> -> memref<128x128xf32, #tpu.memory_space<hbm>>
    tpu.wait_dma2 semaphore(%arg16 : memref<!tpu.dma_semaphore, #tpu.memory_space<semaphore_mem>>) src(%dma_wait3A_18 : memref<128x128xf32, #tpu.memory_space<hbm>>) dst(%arg12 : memref<128x128xf32, #tpu.memory_space<vmem>>)
    %barrier3A_19 = arith.constant 0 : index
    tpu.barrier barrier_id(%barrier3A_19)
    %add3A_20 = arith.constant 0 : i32
    %add3A_21 = arith.addi %mul3A_2, %add3A_20 : i32
    "tpu.region"() ({
      %run_scoped3A = tpu.sem_alloc : memref<!tpu.dma_semaphore, #tpu.memory_space<semaphore_mem>>
      %dma_start3A = arith.constant 0 : i32
      %dma_start3A_45 = tpu.memref_slice %arg17[%add3A_21, %dma_start3A] : memref<10240x128xf32, #tpu.memory_space<vmem_shared>> -> memref<128x128xf32, #tpu.memory_space<vmem_shared>>
      %dma_start3A_46 = arith.constant 0 : i32
      %dma_start3A_47 = tpu.memref_slice %arg17[%add3A_21, %dma_start3A_46] : memref<10240x128xf32, #tpu.memory_space<vmem_shared>> -> memref<128x128xf32, #tpu.memory_space<vmem_shared>>
      tpu.enqueue_dma source(%dma_start3A_47 : memref<128x128xf32, #tpu.memory_space<vmem_shared>>) target(%arg11 : memref<128x128xf32, #tpu.memory_space<vmem>>) target_semaphore(%run_scoped3A : memref<!tpu.dma_semaphore, #tpu.memory_space<semaphore_mem>>)
      %dma_wait3A_48 = arith.constant 0 : i32
      %dma_wait3A_49 = tpu.memref_slice %arg17[%add3A_21, %dma_wait3A_48] : memref<10240x128xf32, #tpu.memory_space<vmem_shared>> -> memref<128x128xf32, #tpu.memory_space<vmem_shared>>
      %dma_wait3A_50 = arith.constant 0 : i32
      %dma_wait3A_51 = tpu.memref_slice %arg17[%add3A_21, %dma_wait3A_50] : memref<10240x128xf32, #tpu.memory_space<vmem_shared>> -> memref<128x128xf32, #tpu.memory_space<vmem_shared>>
      tpu.wait_dma2 semaphore(%run_scoped3A : memref<!tpu.dma_semaphore, #tpu.memory_space<semaphore_mem>>) src(%dma_wait3A_51 : memref<128x128xf32, #tpu.memory_space<vmem_shared>>) dst(%arg11 : memref<128x128xf32, #tpu.memory_space<vmem>>)
      tpu.yield
    }) : () -> ()
    %mul3A_22 = arith.constant 10240 : i32
    %mul3A_23 = arith.muli %arg0, %mul3A_22 : i32
    %add3A_24 = arith.addi %mul3A_23, %add3A_21 : i32
    "tpu.region"() ({
      %run_scoped3A = tpu.sem_alloc : memref<!tpu.dma_semaphore, #tpu.memory_space<semaphore_mem>>
      %dma_start3A = arith.constant 0 : i32
      %dma_start3A_45 = tpu.memref_slice %arg5[%add3A_24, %dma_start3A] : memref<20480x128xf32, #tpu.memory_space<hbm>> -> memref<128x128xf32, #tpu.memory_space<hbm>>
      %dma_start3A_46 = arith.constant 0 : i32
      %dma_start3A_47 = tpu.memref_slice %arg5[%add3A_24, %dma_start3A_46] : memref<20480x128xf32, #tpu.memory_space<hbm>> -> memref<128x128xf32, #tpu.memory_space<hbm>>
      tpu.enqueue_dma source(%arg11 : memref<128x128xf32, #tpu.memory_space<vmem>>) target(%dma_start3A_47 : memref<128x128xf32, #tpu.memory_space<hbm>>) target_semaphore(%run_scoped3A : memref<!tpu.dma_semaphore, #tpu.memory_space<semaphore_mem>>)
      %dma_wait3A_48 = arith.constant 0 : i32
      %dma_wait3A_49 = tpu.memref_slice %arg5[%add3A_24, %dma_wait3A_48] : memref<20480x128xf32, #tpu.memory_space<hbm>> -> memref<128x128xf32, #tpu.memory_space<hbm>>
      %dma_wait3A_50 = arith.constant 0 : i32
      %dma_wait3A_51 = tpu.memref_slice %arg5[%add3A_24, %dma_wait3A_50] : memref<20480x128xf32, #tpu.memory_space<hbm>> -> memref<128x128xf32, #tpu.memory_space<hbm>>
      tpu.wait_dma2 semaphore(%run_scoped3A : memref<!tpu.dma_semaphore, #tpu.memory_space<semaphore_mem>>) src(%arg11 : memref<128x128xf32, #tpu.memory_space<vmem>>) dst(%dma_wait3A_51 : memref<128x128xf32, #tpu.memory_space<hbm>>)
      tpu.yield
    }) : () -> ()
    %add3A_25 = arith.constant 128 : i32
    %add3A_26 = arith.addi %mul3A_2, %add3A_25 : i32
    "tpu.region"() ({
      %run_scoped3A = tpu.sem_alloc : memref<!tpu.dma_semaphore, #tpu.memory_space<semaphore_mem>>
      %dma_start3A = arith.constant 0 : i32
      %dma_start3A_45 = tpu.memref_slice %arg17[%add3A_26, %dma_start3A] : memref<10240x128xf32, #tpu.memory_space<vmem_shared>> -> memref<128x128xf32, #tpu.memory_space<vmem_shared>>
      %dma_start3A_46 = arith.constant 0 : i32
      %dma_start3A_47 = tpu.memref_slice %arg17[%add3A_26, %dma_start3A_46] : memref<10240x128xf32, #tpu.memory_space<vmem_shared>> -> memref<128x128xf32, #tpu.memory_space<vmem_shared>>
      tpu.enqueue_dma source(%dma_start3A_47 : memref<128x128xf32, #tpu.memory_space<vmem_shared>>) target(%arg12 : memref<128x128xf32, #tpu.memory_space<vmem>>) target_semaphore(%run_scoped3A : memref<!tpu.dma_semaphore, #tpu.memory_space<semaphore_mem>>)
      %dma_wait3A_48 = arith.constant 0 : i32
      %dma_wait3A_49 = tpu.memref_slice %arg17[%add3A_26, %dma_wait3A_48] : memref<10240x128xf32, #tpu.memory_space<vmem_shared>> -> memref<128x128xf32, #tpu.memory_space<vmem_shared>>
      %dma_wait3A_50 = arith.constant 0 : i32
      %dma_wait3A_51 = tpu.memref_slice %arg17[%add3A_26, %dma_wait3A_50] : memref<10240x128xf32, #tpu.memory_space<vmem_shared>> -> memref<128x128xf32, #tpu.memory_space<vmem_shared>>
      tpu.wait_dma2 semaphore(%run_scoped3A : memref<!tpu.dma_semaphore, #tpu.memory_space<semaphore_mem>>) src(%dma_wait3A_51 : memref<128x128xf32, #tpu.memory_space<vmem_shared>>) dst(%arg12 : memref<128x128xf32, #tpu.memory_space<vmem>>)
      tpu.yield
    }) : () -> ()
    %mul3A_27 = arith.constant 10240 : i32
    %mul3A_28 = arith.muli %arg0, %mul3A_27 : i32
    %add3A_29 = arith.addi %mul3A_28, %add3A_26 : i32
    "tpu.region"() ({
      %run_scoped3A = tpu.sem_alloc : memref<!tpu.dma_semaphore, #tpu.memory_space<semaphore_mem>>
      %dma_start3A = arith.constant 0 : i32
      %dma_start3A_45 = tpu.memref_slice %arg5[%add3A_29, %dma_start3A] : memref<20480x128xf32, #tpu.memory_space<hbm>> -> memref<128x128xf32, #tpu.memory_space<hbm>>
      %dma_start3A_46 = arith.constant 0 : i32
      %dma_start3A_47 = tpu.memref_slice %arg5[%add3A_29, %dma_start3A_46] : memref<20480x128xf32, #tpu.memory_space<hbm>> -> memref<128x128xf32, #tpu.memory_space<hbm>>
      tpu.enqueue_dma source(%arg12 : memref<128x128xf32, #tpu.memory_space<vmem>>) target(%dma_start3A_47 : memref<128x128xf32, #tpu.memory_space<hbm>>) target_semaphore(%run_scoped3A : memref<!tpu.dma_semaphore, #tpu.memory_space<semaphore_mem>>)
      %dma_wait3A_48 = arith.constant 0 : i32
      %dma_wait3A_49 = tpu.memref_slice %arg5[%add3A_29, %dma_wait3A_48] : memref<20480x128xf32, #tpu.memory_space<hbm>> -> memref<128x128xf32, #tpu.memory_space<hbm>>
      %dma_wait3A_50 = arith.constant 0 : i32
      %dma_wait3A_51 = tpu.memref_slice %arg5[%add3A_29, %dma_wait3A_50] : memref<20480x128xf32, #tpu.memory_space<hbm>> -> memref<128x128xf32, #tpu.memory_space<hbm>>
      tpu.wait_dma2 semaphore(%run_scoped3A : memref<!tpu.dma_semaphore, #tpu.memory_space<semaphore_mem>>) src(%arg12 : memref<128x128xf32, #tpu.memory_space<vmem>>) dst(%dma_wait3A_51 : memref<128x128xf32, #tpu.memory_space<hbm>>)
      tpu.yield
    }) : () -> ()
    %add3A_30 = arith.constant 256 : i32
    %add3A_31 = arith.addi %mul3A_2, %add3A_30 : i32
    "tpu.region"() ({
      %run_scoped3A = tpu.sem_alloc : memref<!tpu.dma_semaphore, #tpu.memory_space<semaphore_mem>>
      %dma_start3A = arith.constant 0 : i32
      %dma_start3A_45 = tpu.memref_slice %arg17[%add3A_31, %dma_start3A] : memref<10240x128xf32, #tpu.memory_space<vmem_shared>> -> memref<128x128xf32, #tpu.memory_space<vmem_shared>>
      %dma_start3A_46 = arith.constant 0 : i32
      %dma_start3A_47 = tpu.memref_slice %arg17[%add3A_31, %dma_start3A_46] : memref<10240x128xf32, #tpu.memory_space<vmem_shared>> -> memref<128x128xf32, #tpu.memory_space<vmem_shared>>
      tpu.enqueue_dma source(%dma_start3A_47 : memref<128x128xf32, #tpu.memory_space<vmem_shared>>) target(%arg11 : memref<128x128xf32, #tpu.memory_space<vmem>>) target_semaphore(%run_scoped3A : memref<!tpu.dma_semaphore, #tpu.memory_space<semaphore_mem>>)
      %dma_wait3A_48 = arith.constant 0 : i32
      %dma_wait3A_49 = tpu.memref_slice %arg17[%add3A_31, %dma_wait3A_48] : memref<10240x128xf32, #tpu.memory_space<vmem_shared>> -> memref<128x128xf32, #tpu.memory_space<vmem_shared>>
      %dma_wait3A_50 = arith.constant 0 : i32
      %dma_wait3A_51 = tpu.memref_slice %arg17[%add3A_31, %dma_wait3A_50] : memref<10240x128xf32, #tpu.memory_space<vmem_shared>> -> memref<128x128xf32, #tpu.memory_space<vmem_shared>>
      tpu.wait_dma2 semaphore(%run_scoped3A : memref<!tpu.dma_semaphore, #tpu.memory_space<semaphore_mem>>) src(%dma_wait3A_51 : memref<128x128xf32, #tpu.memory_space<vmem_shared>>) dst(%arg11 : memref<128x128xf32, #tpu.memory_space<vmem>>)
      tpu.yield
    }) : () -> ()
    %mul3A_32 = arith.constant 10240 : i32
    %mul3A_33 = arith.muli %arg0, %mul3A_32 : i32
    %add3A_34 = arith.addi %mul3A_33, %add3A_31 : i32
    "tpu.region"() ({
      %run_scoped3A = tpu.sem_alloc : memref<!tpu.dma_semaphore, #tpu.memory_space<semaphore_mem>>
      %dma_start3A = arith.constant 0 : i32
      %dma_start3A_45 = tpu.memref_slice %arg5[%add3A_34, %dma_start3A] : memref<20480x128xf32, #tpu.memory_space<hbm>> -> memref<128x128xf32, #tpu.memory_space<hbm>>
      %dma_start3A_46 = arith.constant 0 : i32
      %dma_start3A_47 = tpu.memref_slice %arg5[%add3A_34, %dma_start3A_46] : memref<20480x128xf32, #tpu.memory_space<hbm>> -> memref<128x128xf32, #tpu.memory_space<hbm>>
      tpu.enqueue_dma source(%arg11 : memref<128x128xf32, #tpu.memory_space<vmem>>) target(%dma_start3A_47 : memref<128x128xf32, #tpu.memory_space<hbm>>) target_semaphore(%run_scoped3A : memref<!tpu.dma_semaphore, #tpu.memory_space<semaphore_mem>>)
      %dma_wait3A_48 = arith.constant 0 : i32
      %dma_wait3A_49 = tpu.memref_slice %arg5[%add3A_34, %dma_wait3A_48] : memref<20480x128xf32, #tpu.memory_space<hbm>> -> memref<128x128xf32, #tpu.memory_space<hbm>>
      %dma_wait3A_50 = arith.constant 0 : i32
      %dma_wait3A_51 = tpu.memref_slice %arg5[%add3A_34, %dma_wait3A_50] : memref<20480x128xf32, #tpu.memory_space<hbm>> -> memref<128x128xf32, #tpu.memory_space<hbm>>
      tpu.wait_dma2 semaphore(%run_scoped3A : memref<!tpu.dma_semaphore, #tpu.memory_space<semaphore_mem>>) src(%arg11 : memref<128x128xf32, #tpu.memory_space<vmem>>) dst(%dma_wait3A_51 : memref<128x128xf32, #tpu.memory_space<hbm>>)
      tpu.yield
    }) : () -> ()
    %add3A_35 = arith.constant 384 : i32
    %add3A_36 = arith.addi %mul3A_2, %add3A_35 : i32
    "tpu.region"() ({
      %run_scoped3A = tpu.sem_alloc : memref<!tpu.dma_semaphore, #tpu.memory_space<semaphore_mem>>
      %dma_start3A = arith.constant 0 : i32
      %dma_start3A_45 = tpu.memref_slice %arg17[%add3A_36, %dma_start3A] : memref<10240x128xf32, #tpu.memory_space<vmem_shared>> -> memref<128x128xf32, #tpu.memory_space<vmem_shared>>
      %dma_start3A_46 = arith.constant 0 : i32
      %dma_start3A_47 = tpu.memref_slice %arg17[%add3A_36, %dma_start3A_46] : memref<10240x128xf32, #tpu.memory_space<vmem_shared>> -> memref<128x128xf32, #tpu.memory_space<vmem_shared>>
      tpu.enqueue_dma source(%dma_start3A_47 : memref<128x128xf32, #tpu.memory_space<vmem_shared>>) target(%arg12 : memref<128x128xf32, #tpu.memory_space<vmem>>) target_semaphore(%run_scoped3A : memref<!tpu.dma_semaphore, #tpu.memory_space<semaphore_mem>>)
      %dma_wait3A_48 = arith.constant 0 : i32
      %dma_wait3A_49 = tpu.memref_slice %arg17[%add3A_36, %dma_wait3A_48] : memref<10240x128xf32, #tpu.memory_space<vmem_shared>> -> memref<128x128xf32, #tpu.memory_space<vmem_shared>>
      %dma_wait3A_50 = arith.constant 0 : i32
      %dma_wait3A_51 = tpu.memref_slice %arg17[%add3A_36, %dma_wait3A_50] : memref<10240x128xf32, #tpu.memory_space<vmem_shared>> -> memref<128x128xf32, #tpu.memory_space<vmem_shared>>
      tpu.wait_dma2 semaphore(%run_scoped3A : memref<!tpu.dma_semaphore, #tpu.memory_space<semaphore_mem>>) src(%dma_wait3A_51 : memref<128x128xf32, #tpu.memory_space<vmem_shared>>) dst(%arg12 : memref<128x128xf32, #tpu.memory_space<vmem>>)
      tpu.yield
    }) : () -> ()
    %mul3A_37 = arith.constant 10240 : i32
    %mul3A_38 = arith.muli %arg0, %mul3A_37 : i32
    %add3A_39 = arith.addi %mul3A_38, %add3A_36 : i32
    "tpu.region"() ({
      %run_scoped3A = tpu.sem_alloc : memref<!tpu.dma_semaphore, #tpu.memory_space<semaphore_mem>>
      %dma_start3A = arith.constant 0 : i32
      %dma_start3A_45 = tpu.memref_slice %arg5[%add3A_39, %dma_start3A] : memref<20480x128xf32, #tpu.memory_space<hbm>> -> memref<128x128xf32, #tpu.memory_space<hbm>>
      %dma_start3A_46 = arith.constant 0 : i32
      %dma_start3A_47 = tpu.memref_slice %arg5[%add3A_39, %dma_start3A_46] : memref<20480x128xf32, #tpu.memory_space<hbm>> -> memref<128x128xf32, #tpu.memory_space<hbm>>
      tpu.enqueue_dma source(%arg12 : memref<128x128xf32, #tpu.memory_space<vmem>>) target(%dma_start3A_47 : memref<128x128xf32, #tpu.memory_space<hbm>>) target_semaphore(%run_scoped3A : memref<!tpu.dma_semaphore, #tpu.memory_space<semaphore_mem>>)
      %dma_wait3A_48 = arith.constant 0 : i32
      %dma_wait3A_49 = tpu.memref_slice %arg5[%add3A_39, %dma_wait3A_48] : memref<20480x128xf32, #tpu.memory_space<hbm>> -> memref<128x128xf32, #tpu.memory_space<hbm>>
      %dma_wait3A_50 = arith.constant 0 : i32
      %dma_wait3A_51 = tpu.memref_slice %arg5[%add3A_39, %dma_wait3A_50] : memref<20480x128xf32, #tpu.memory_space<hbm>> -> memref<128x128xf32, #tpu.memory_space<hbm>>
      tpu.wait_dma2 semaphore(%run_scoped3A : memref<!tpu.dma_semaphore, #tpu.memory_space<semaphore_mem>>) src(%arg12 : memref<128x128xf32, #tpu.memory_space<vmem>>) dst(%dma_wait3A_51 : memref<128x128xf32, #tpu.memory_space<hbm>>)
      tpu.yield
    }) : () -> ()
    %add3A_40 = arith.constant 512 : i32
    %add3A_41 = arith.addi %mul3A_2, %add3A_40 : i32
    "tpu.region"() ({
      %run_scoped3A = tpu.sem_alloc : memref<!tpu.dma_semaphore, #tpu.memory_space<semaphore_mem>>
      %dma_start3A = arith.constant 0 : i32
      %dma_start3A_45 = tpu.memref_slice %arg17[%add3A_41, %dma_start3A] : memref<10240x128xf32, #tpu.memory_space<vmem_shared>> -> memref<128x128xf32, #tpu.memory_space<vmem_shared>>
      %dma_start3A_46 = arith.constant 0 : i32
      %dma_start3A_47 = tpu.memref_slice %arg17[%add3A_41, %dma_start3A_46] : memref<10240x128xf32, #tpu.memory_space<vmem_shared>> -> memref<128x128xf32, #tpu.memory_space<vmem_shared>>
      tpu.enqueue_dma source(%dma_start3A_47 : memref<128x128xf32, #tpu.memory_space<vmem_shared>>) target(%arg11 : memref<128x128xf32, #tpu.memory_space<vmem>>) target_semaphore(%run_scoped3A : memref<!tpu.dma_semaphore, #tpu.memory_space<semaphore_mem>>)
      %dma_wait3A_48 = arith.constant 0 : i32
      %dma_wait3A_49 = tpu.memref_slice %arg17[%add3A_41, %dma_wait3A_48] : memref<10240x128xf32, #tpu.memory_space<vmem_shared>> -> memref<128x128xf32, #tpu.memory_space<vmem_shared>>
      %dma_wait3A_50 = arith.constant 0 : i32
      %dma_wait3A_51 = tpu.memref_slice %arg17[%add3A_41, %dma_wait3A_50] : memref<10240x128xf32, #tpu.memory_space<vmem_shared>> -> memref<128x128xf32, #tpu.memory_space<vmem_shared>>
      tpu.wait_dma2 semaphore(%run_scoped3A : memref<!tpu.dma_semaphore, #tpu.memory_space<semaphore_mem>>) src(%dma_wait3A_51 : memref<128x128xf32, #tpu.memory_space<vmem_shared>>) dst(%arg11 : memref<128x128xf32, #tpu.memory_space<vmem>>)
      tpu.yield
    }) : () -> ()
    %mul3A_42 = arith.constant 10240 : i32
    %mul3A_43 = arith.muli %arg0, %mul3A_42 : i32
    %add3A_44 = arith.addi %mul3A_43, %add3A_41 : i32
    "tpu.region"() ({
      %run_scoped3A = tpu.sem_alloc : memref<!tpu.dma_semaphore, #tpu.memory_space<semaphore_mem>>
      %dma_start3A = arith.constant 0 : i32
      %dma_start3A_45 = tpu.memref_slice %arg5[%add3A_44, %dma_start3A] : memref<20480x128xf32, #tpu.memory_space<hbm>> -> memref<128x128xf32, #tpu.memory_space<hbm>>
      %dma_start3A_46 = arith.constant 0 : i32
      %dma_start3A_47 = tpu.memref_slice %arg5[%add3A_44, %dma_start3A_46] : memref<20480x128xf32, #tpu.memory_space<hbm>> -> memref<128x128xf32, #tpu.memory_space<hbm>>
      tpu.enqueue_dma source(%arg11 : memref<128x128xf32, #tpu.memory_space<vmem>>) target(%dma_start3A_47 : memref<128x128xf32, #tpu.memory_space<hbm>>) target_semaphore(%run_scoped3A : memref<!tpu.dma_semaphore, #tpu.memory_space<semaphore_mem>>)
      %dma_wait3A_48 = arith.constant 0 : i32
      %dma_wait3A_49 = tpu.memref_slice %arg5[%add3A_44, %dma_wait3A_48] : memref<20480x128xf32, #tpu.memory_space<hbm>> -> memref<128x128xf32, #tpu.memory_space<hbm>>
      %dma_wait3A_50 = arith.constant 0 : i32
      %dma_wait3A_51 = tpu.memref_slice %arg5[%add3A_44, %dma_wait3A_50] : memref<20480x128xf32, #tpu.memory_space<hbm>> -> memref<128x128xf32, #tpu.memory_space<hbm>>
      tpu.wait_dma2 semaphore(%run_scoped3A : memref<!tpu.dma_semaphore, #tpu.memory_space<semaphore_mem>>) src(%arg11 : memref<128x128xf32, #tpu.memory_space<vmem>>) dst(%dma_wait3A_51 : memref<128x128xf32, #tpu.memory_space<hbm>>)
      tpu.yield
    }) : () -> ()
    return
  }
}

#map = affine_map<(d0, d1) -> (0, 0)>
#map1 = affine_map<(d0, d1) -> (0)>
module attributes {stable_mosaic.version = 14 : i64} {
  func.func @_deg(%arg0: i32, %arg1: i32, %arg2: memref<2624x128xi32, #tpu.memory_space<hbm>>, %arg3: memref<10240xf32, #tpu.memory_space<hbm>>, %arg4: memref<20480xf32, #tpu.memory_space<hbm>>, %arg5: memref<2x128xi32, #tpu.memory_space<vmem>>, %arg6: memref<128xi32, #tpu.memory_space<vmem>>, %arg7: memref<128xi32, #tpu.memory_space<vmem>>, %arg8: memref<128xf32, #tpu.memory_space<vmem>>, %arg9: memref<640xf32, #tpu.memory_space<vmem>>, %arg10: memref<10240xf32, #tpu.memory_space<vmem_shared>>) attributes {dimension_semantics = [#tpu.dimension_semantics<core_parallel>, #tpu.dimension_semantics<subcore_parallel>], iteration_bounds = array<i64: 2, 16>, scalar_prefetch = 0 : i64, scratch_operands = 6 : i64, tpu.core_type = #tpu.core_type<sc_vector_subcore>, window_params = [{transform_indices = #map}, {transform_indices = #map1}, {transform_indices = #map1}]} {
    %mul3A = arith.constant 16 : i32
    %mul3A_0 = arith.muli %arg0, %mul3A : i32
    %add3A = arith.addi %mul3A_0, %arg1 : i32
    %mul3A_1 = arith.constant 640 : i32
    %mul3A_2 = arith.muli %arg1, %mul3A_1 : i32
    "tpu.region"() ({
      %run_scoped3A = tpu.sem_alloc : memref<!tpu.dma_semaphore, #tpu.memory_space<semaphore_mem>>
      %dma_start3A = tpu.memref_slice %arg10[%mul3A_2] : memref<10240xf32, #tpu.memory_space<vmem_shared>> -> memref<640xf32, #tpu.memory_space<vmem_shared>>
      %dma_start3A_58 = tpu.memref_slice %arg3[%mul3A_2] : memref<10240xf32, #tpu.memory_space<hbm>> -> memref<640xf32, #tpu.memory_space<hbm>>
      tpu.enqueue_dma source(%dma_start3A_58 : memref<640xf32, #tpu.memory_space<hbm>>) target(%dma_start3A : memref<640xf32, #tpu.memory_space<vmem_shared>>) target_semaphore(%run_scoped3A : memref<!tpu.dma_semaphore, #tpu.memory_space<semaphore_mem>>)
      %dma_wait3A = tpu.memref_slice %arg10[%mul3A_2] : memref<10240xf32, #tpu.memory_space<vmem_shared>> -> memref<640xf32, #tpu.memory_space<vmem_shared>>
      %dma_wait3A_59 = tpu.memref_slice %arg3[%mul3A_2] : memref<10240xf32, #tpu.memory_space<hbm>> -> memref<640xf32, #tpu.memory_space<hbm>>
      tpu.wait_dma2 semaphore(%run_scoped3A : memref<!tpu.dma_semaphore, #tpu.memory_space<semaphore_mem>>) src(%dma_wait3A_59 : memref<640xf32, #tpu.memory_space<hbm>>) dst(%dma_wait3A : memref<640xf32, #tpu.memory_space<vmem_shared>>)
      tpu.yield
    }) : () -> ()
    %broadcast_in_dim3A = arith.constant 1.000000e+00 : f32
    %broadcast_in_dim3A_3 = vector.broadcast %broadcast_in_dim3A : f32 to vector<16xf32>
    %swap3A = arith.constant 0 : index
    %swap3A_4 = tpu.vector_load %arg8[%swap3A] {strides = array<i32>} : memref<128xf32, #tpu.memory_space<vmem>>, vector<16xf32>,
    %swap3A_5 = vector.shape_cast %swap3A_4 : vector<16xf32> to vector<16xf32>
    %swap3A_6 = vector.shape_cast %broadcast_in_dim3A_3 : vector<16xf32> to vector<16xf32>
    tpu.vector_store %arg8[%swap3A], %swap3A_6 {strides = array<i32>} : memref<128xf32, #tpu.memory_space<vmem>>, vector<16xf32>,
    %broadcast_in_dim3A_7 = arith.constant 1.000000e+00 : f32
    %broadcast_in_dim3A_8 = vector.broadcast %broadcast_in_dim3A_7 : f32 to vector<16xf32>
    %swap3A_9 = arith.constant 16 : index
    %swap3A_10 = tpu.vector_load %arg8[%swap3A_9] {strides = array<i32>} : memref<128xf32, #tpu.memory_space<vmem>>, vector<16xf32>,
    %swap3A_11 = vector.shape_cast %swap3A_10 : vector<16xf32> to vector<16xf32>
    %swap3A_12 = vector.shape_cast %broadcast_in_dim3A_8 : vector<16xf32> to vector<16xf32>
    tpu.vector_store %arg8[%swap3A_9], %swap3A_12 {strides = array<i32>} : memref<128xf32, #tpu.memory_space<vmem>>, vector<16xf32>,
    %broadcast_in_dim3A_13 = arith.constant 1.000000e+00 : f32
    %broadcast_in_dim3A_14 = vector.broadcast %broadcast_in_dim3A_13 : f32 to vector<16xf32>
    %swap3A_15 = arith.constant 32 : index
    %swap3A_16 = tpu.vector_load %arg8[%swap3A_15] {strides = array<i32>} : memref<128xf32, #tpu.memory_space<vmem>>, vector<16xf32>,
    %swap3A_17 = vector.shape_cast %swap3A_16 : vector<16xf32> to vector<16xf32>
    %swap3A_18 = vector.shape_cast %broadcast_in_dim3A_14 : vector<16xf32> to vector<16xf32>
    tpu.vector_store %arg8[%swap3A_15], %swap3A_18 {strides = array<i32>} : memref<128xf32, #tpu.memory_space<vmem>>, vector<16xf32>,
    %broadcast_in_dim3A_19 = arith.constant 1.000000e+00 : f32
    %broadcast_in_dim3A_20 = vector.broadcast %broadcast_in_dim3A_19 : f32 to vector<16xf32>
    %swap3A_21 = arith.constant 48 : index
    %swap3A_22 = tpu.vector_load %arg8[%swap3A_21] {strides = array<i32>} : memref<128xf32, #tpu.memory_space<vmem>>, vector<16xf32>,
    %swap3A_23 = vector.shape_cast %swap3A_22 : vector<16xf32> to vector<16xf32>
    %swap3A_24 = vector.shape_cast %broadcast_in_dim3A_20 : vector<16xf32> to vector<16xf32>
    tpu.vector_store %arg8[%swap3A_21], %swap3A_24 {strides = array<i32>} : memref<128xf32, #tpu.memory_space<vmem>>, vector<16xf32>,
    %broadcast_in_dim3A_25 = arith.constant 1.000000e+00 : f32
    %broadcast_in_dim3A_26 = vector.broadcast %broadcast_in_dim3A_25 : f32 to vector<16xf32>
    %swap3A_27 = arith.constant 64 : index
    %swap3A_28 = tpu.vector_load %arg8[%swap3A_27] {strides = array<i32>} : memref<128xf32, #tpu.memory_space<vmem>>, vector<16xf32>,
    %swap3A_29 = vector.shape_cast %swap3A_28 : vector<16xf32> to vector<16xf32>
    %swap3A_30 = vector.shape_cast %broadcast_in_dim3A_26 : vector<16xf32> to vector<16xf32>
    tpu.vector_store %arg8[%swap3A_27], %swap3A_30 {strides = array<i32>} : memref<128xf32, #tpu.memory_space<vmem>>, vector<16xf32>,
    %broadcast_in_dim3A_31 = arith.constant 1.000000e+00 : f32
    %broadcast_in_dim3A_32 = vector.broadcast %broadcast_in_dim3A_31 : f32 to vector<16xf32>
    %swap3A_33 = arith.constant 80 : index
    %swap3A_34 = tpu.vector_load %arg8[%swap3A_33] {strides = array<i32>} : memref<128xf32, #tpu.memory_space<vmem>>, vector<16xf32>,
    %swap3A_35 = vector.shape_cast %swap3A_34 : vector<16xf32> to vector<16xf32>
    %swap3A_36 = vector.shape_cast %broadcast_in_dim3A_32 : vector<16xf32> to vector<16xf32>
    tpu.vector_store %arg8[%swap3A_33], %swap3A_36 {strides = array<i32>} : memref<128xf32, #tpu.memory_space<vmem>>, vector<16xf32>,
    %broadcast_in_dim3A_37 = arith.constant 1.000000e+00 : f32
    %broadcast_in_dim3A_38 = vector.broadcast %broadcast_in_dim3A_37 : f32 to vector<16xf32>
    %swap3A_39 = arith.constant 96 : index
    %swap3A_40 = tpu.vector_load %arg8[%swap3A_39] {strides = array<i32>} : memref<128xf32, #tpu.memory_space<vmem>>, vector<16xf32>,
    %swap3A_41 = vector.shape_cast %swap3A_40 : vector<16xf32> to vector<16xf32>
    %swap3A_42 = vector.shape_cast %broadcast_in_dim3A_38 : vector<16xf32> to vector<16xf32>
    tpu.vector_store %arg8[%swap3A_39], %swap3A_42 {strides = array<i32>} : memref<128xf32, #tpu.memory_space<vmem>>, vector<16xf32>,
    %broadcast_in_dim3A_43 = arith.constant 1.000000e+00 : f32
    %broadcast_in_dim3A_44 = vector.broadcast %broadcast_in_dim3A_43 : f32 to vector<16xf32>
    %swap3A_45 = arith.constant 112 : index
    %swap3A_46 = tpu.vector_load %arg8[%swap3A_45] {strides = array<i32>} : memref<128xf32, #tpu.memory_space<vmem>>, vector<16xf32>,
    %swap3A_47 = vector.shape_cast %swap3A_46 : vector<16xf32> to vector<16xf32>
    %swap3A_48 = vector.shape_cast %broadcast_in_dim3A_44 : vector<16xf32> to vector<16xf32>
    tpu.vector_store %arg8[%swap3A_45], %swap3A_48 {strides = array<i32>} : memref<128xf32, #tpu.memory_space<vmem>>, vector<16xf32>,
    %barrier3A = arith.constant 0 : index
    tpu.barrier barrier_id(%barrier3A)
    %scan3A = arith.constant 0 : i32
    %scan3A_49 = arith.constant 0 : i32
    %scan3A_50 = arith.constant 41 : i32
    %scan3A_51 = arith.addi %scan3A_49, %scan3A_50 : i32
    %scan3A_52 = arith.constant 1 : i32
    scf.for %scan3A_58 = %scan3A_49 to %scan3A_51 step %scan3A_52  : i32 {
      %mul3A_59 = arith.constant 32 : i32
      %mul3A_60 = arith.muli %scan3A_58, %mul3A_59 : i32
      %add3A_61 = arith.addi %mul3A_60, %add3A : i32
      %mul3A_62 = arith.constant 2 : i32
      %mul3A_63 = arith.muli %add3A_61, %mul3A_62 : i32
      "tpu.region"() ({
        %run_scoped3A = tpu.sem_alloc : memref<!tpu.dma_semaphore, #tpu.memory_space<semaphore_mem>>
        %dma_start3A = arith.constant 0 : i32
        %dma_start3A_365 = tpu.memref_slice %arg2[%mul3A_63, %dma_start3A] : memref<2624x128xi32, #tpu.memory_space<hbm>> -> memref<2x128xi32, #tpu.memory_space<hbm>>
        %dma_start3A_366 = arith.constant 0 : i32
        %dma_start3A_367 = tpu.memref_slice %arg2[%mul3A_63, %dma_start3A_366] : memref<2624x128xi32, #tpu.memory_space<hbm>> -> memref<2x128xi32, #tpu.memory_space<hbm>>
        tpu.enqueue_dma source(%dma_start3A_367 : memref<2x128xi32, #tpu.memory_space<hbm>>) target(%arg5 : memref<2x128xi32, #tpu.memory_space<vmem>>) target_semaphore(%run_scoped3A : memref<!tpu.dma_semaphore, #tpu.memory_space<semaphore_mem>>)
        %dma_wait3A = arith.constant 0 : i32
        %dma_wait3A_368 = tpu.memref_slice %arg2[%mul3A_63, %dma_wait3A] : memref<2624x128xi32, #tpu.memory_space<hbm>> -> memref<2x128xi32, #tpu.memory_space<hbm>>
        %dma_wait3A_369 = arith.constant 0 : i32
        %dma_wait3A_370 = tpu.memref_slice %arg2[%mul3A_63, %dma_wait3A_369] : memref<2624x128xi32, #tpu.memory_space<hbm>> -> memref<2x128xi32, #tpu.memory_space<hbm>>
        tpu.wait_dma2 semaphore(%run_scoped3A : memref<!tpu.dma_semaphore, #tpu.memory_space<semaphore_mem>>) src(%dma_wait3A_370 : memref<2x128xi32, #tpu.memory_space<hbm>>) dst(%arg5 : memref<2x128xi32, #tpu.memory_space<vmem>>)
        tpu.yield
      }) : () -> ()
      %get3A = arith.constant 0 : i32
      %get3A_64 = arith.index_cast %get3A : i32 to index
      %get3A_65 = arith.constant 0 : index
      %get3A_66 = tpu.vector_load %arg5[%get3A_64, %get3A_65] {strides = array<i32>} : memref<2x128xi32, #tpu.memory_space<vmem>>, vector<1x16xi32>,
      %get3A_67 = vector.shape_cast %get3A_66 : vector<1x16xi32> to vector<16xi32>
      %and3A = arith.constant 32767 : i32
      %and3A_68 = vector.broadcast %and3A : i32 to vector<16xi32>
      %and3A_69 = arith.andi %get3A_67, %and3A_68 : vector<16xi32>
      %swap3A_70 = arith.constant 0 : index
      %swap3A_71 = tpu.vector_load %arg6[%swap3A_70] {strides = array<i32>} : memref<128xi32, #tpu.memory_space<vmem>>, vector<16xi32>,
      %swap3A_72 = vector.shape_cast %swap3A_71 : vector<16xi32> to vector<16xi32>
      %swap3A_73 = vector.shape_cast %and3A_69 : vector<16xi32> to vector<16xi32>
      tpu.vector_store %arg6[%swap3A_70], %swap3A_73 {strides = array<i32>} : memref<128xi32, #tpu.memory_space<vmem>>, vector<16xi32>,
      %shift_right_logical3A = arith.constant 15 : i32
      %shift_right_logical3A_74 = vector.broadcast %shift_right_logical3A : i32 to vector<16xi32>
      %shift_right_logical3A_75 = arith.shrui %get3A_67, %shift_right_logical3A_74 : vector<16xi32>
      %swap3A_76 = arith.constant 0 : index
      %swap3A_77 = tpu.vector_load %arg7[%swap3A_76] {strides = array<i32>} : memref<128xi32, #tpu.memory_space<vmem>>, vector<16xi32>,
      %swap3A_78 = vector.shape_cast %swap3A_77 : vector<16xi32> to vector<16xi32>
      %swap3A_79 = vector.shape_cast %shift_right_logical3A_75 : vector<16xi32> to vector<16xi32>
      tpu.vector_store %arg7[%swap3A_76], %swap3A_79 {strides = array<i32>} : memref<128xi32, #tpu.memory_space<vmem>>, vector<16xi32>,
      %get3A_80 = arith.constant 0 : i32
      %get3A_81 = arith.index_cast %get3A_80 : i32 to index
      %get3A_82 = arith.constant 16 : index
      %get3A_83 = tpu.vector_load %arg5[%get3A_81, %get3A_82] {strides = array<i32>} : memref<2x128xi32, #tpu.memory_space<vmem>>, vector<1x16xi32>,
      %get3A_84 = vector.shape_cast %get3A_83 : vector<1x16xi32> to vector<16xi32>
      %and3A_85 = arith.constant 32767 : i32
      %and3A_86 = vector.broadcast %and3A_85 : i32 to vector<16xi32>
      %and3A_87 = arith.andi %get3A_84, %and3A_86 : vector<16xi32>
      %swap3A_88 = arith.constant 16 : index
      %swap3A_89 = tpu.vector_load %arg6[%swap3A_88] {strides = array<i32>} : memref<128xi32, #tpu.memory_space<vmem>>, vector<16xi32>,
      %swap3A_90 = vector.shape_cast %swap3A_89 : vector<16xi32> to vector<16xi32>
      %swap3A_91 = vector.shape_cast %and3A_87 : vector<16xi32> to vector<16xi32>
      tpu.vector_store %arg6[%swap3A_88], %swap3A_91 {strides = array<i32>} : memref<128xi32, #tpu.memory_space<vmem>>, vector<16xi32>,
      %shift_right_logical3A_92 = arith.constant 15 : i32
      %shift_right_logical3A_93 = vector.broadcast %shift_right_logical3A_92 : i32 to vector<16xi32>
      %shift_right_logical3A_94 = arith.shrui %get3A_84, %shift_right_logical3A_93 : vector<16xi32>
      %swap3A_95 = arith.constant 16 : index
      %swap3A_96 = tpu.vector_load %arg7[%swap3A_95] {strides = array<i32>} : memref<128xi32, #tpu.memory_space<vmem>>, vector<16xi32>,
      %swap3A_97 = vector.shape_cast %swap3A_96 : vector<16xi32> to vector<16xi32>
      %swap3A_98 = vector.shape_cast %shift_right_logical3A_94 : vector<16xi32> to vector<16xi32>
      tpu.vector_store %arg7[%swap3A_95], %swap3A_98 {strides = array<i32>} : memref<128xi32, #tpu.memory_space<vmem>>, vector<16xi32>,
      %get3A_99 = arith.constant 0 : i32
      %get3A_100 = arith.index_cast %get3A_99 : i32 to index
      %get3A_101 = arith.constant 32 : index
      %get3A_102 = tpu.vector_load %arg5[%get3A_100, %get3A_101] {strides = array<i32>} : memref<2x128xi32, #tpu.memory_space<vmem>>, vector<1x16xi32>,
      %get3A_103 = vector.shape_cast %get3A_102 : vector<1x16xi32> to vector<16xi32>
      %and3A_104 = arith.constant 32767 : i32
      %and3A_105 = vector.broadcast %and3A_104 : i32 to vector<16xi32>
      %and3A_106 = arith.andi %get3A_103, %and3A_105 : vector<16xi32>
      %swap3A_107 = arith.constant 32 : index
      %swap3A_108 = tpu.vector_load %arg6[%swap3A_107] {strides = array<i32>} : memref<128xi32, #tpu.memory_space<vmem>>, vector<16xi32>,
      %swap3A_109 = vector.shape_cast %swap3A_108 : vector<16xi32> to vector<16xi32>
      %swap3A_110 = vector.shape_cast %and3A_106 : vector<16xi32> to vector<16xi32>
      tpu.vector_store %arg6[%swap3A_107], %swap3A_110 {strides = array<i32>} : memref<128xi32, #tpu.memory_space<vmem>>, vector<16xi32>,
      %shift_right_logical3A_111 = arith.constant 15 : i32
      %shift_right_logical3A_112 = vector.broadcast %shift_right_logical3A_111 : i32 to vector<16xi32>
      %shift_right_logical3A_113 = arith.shrui %get3A_103, %shift_right_logical3A_112 : vector<16xi32>
      %swap3A_114 = arith.constant 32 : index
      %swap3A_115 = tpu.vector_load %arg7[%swap3A_114] {strides = array<i32>} : memref<128xi32, #tpu.memory_space<vmem>>, vector<16xi32>,
      %swap3A_116 = vector.shape_cast %swap3A_115 : vector<16xi32> to vector<16xi32>
      %swap3A_117 = vector.shape_cast %shift_right_logical3A_113 : vector<16xi32> to vector<16xi32>
      tpu.vector_store %arg7[%swap3A_114], %swap3A_117 {strides = array<i32>} : memref<128xi32, #tpu.memory_space<vmem>>, vector<16xi32>,
      %get3A_118 = arith.constant 0 : i32
      %get3A_119 = arith.index_cast %get3A_118 : i32 to index
      %get3A_120 = arith.constant 48 : index
      %get3A_121 = tpu.vector_load %arg5[%get3A_119, %get3A_120] {strides = array<i32>} : memref<2x128xi32, #tpu.memory_space<vmem>>, vector<1x16xi32>,
      %get3A_122 = vector.shape_cast %get3A_121 : vector<1x16xi32> to vector<16xi32>
      %and3A_123 = arith.constant 32767 : i32
      %and3A_124 = vector.broadcast %and3A_123 : i32 to vector<16xi32>
      %and3A_125 = arith.andi %get3A_122, %and3A_124 : vector<16xi32>
      %swap3A_126 = arith.constant 48 : index
      %swap3A_127 = tpu.vector_load %arg6[%swap3A_126] {strides = array<i32>} : memref<128xi32, #tpu.memory_space<vmem>>, vector<16xi32>,
      %swap3A_128 = vector.shape_cast %swap3A_127 : vector<16xi32> to vector<16xi32>
      %swap3A_129 = vector.shape_cast %and3A_125 : vector<16xi32> to vector<16xi32>
      tpu.vector_store %arg6[%swap3A_126], %swap3A_129 {strides = array<i32>} : memref<128xi32, #tpu.memory_space<vmem>>, vector<16xi32>,
      %shift_right_logical3A_130 = arith.constant 15 : i32
      %shift_right_logical3A_131 = vector.broadcast %shift_right_logical3A_130 : i32 to vector<16xi32>
      %shift_right_logical3A_132 = arith.shrui %get3A_122, %shift_right_logical3A_131 : vector<16xi32>
      %swap3A_133 = arith.constant 48 : index
      %swap3A_134 = tpu.vector_load %arg7[%swap3A_133] {strides = array<i32>} : memref<128xi32, #tpu.memory_space<vmem>>, vector<16xi32>,
      %swap3A_135 = vector.shape_cast %swap3A_134 : vector<16xi32> to vector<16xi32>
      %swap3A_136 = vector.shape_cast %shift_right_logical3A_132 : vector<16xi32> to vector<16xi32>
      tpu.vector_store %arg7[%swap3A_133], %swap3A_136 {strides = array<i32>} : memref<128xi32, #tpu.memory_space<vmem>>, vector<16xi32>,
      %get3A_137 = arith.constant 0 : i32
      %get3A_138 = arith.index_cast %get3A_137 : i32 to index
      %get3A_139 = arith.constant 64 : index
      %get3A_140 = tpu.vector_load %arg5[%get3A_138, %get3A_139] {strides = array<i32>} : memref<2x128xi32, #tpu.memory_space<vmem>>, vector<1x16xi32>,
      %get3A_141 = vector.shape_cast %get3A_140 : vector<1x16xi32> to vector<16xi32>
      %and3A_142 = arith.constant 32767 : i32
      %and3A_143 = vector.broadcast %and3A_142 : i32 to vector<16xi32>
      %and3A_144 = arith.andi %get3A_141, %and3A_143 : vector<16xi32>
      %swap3A_145 = arith.constant 64 : index
      %swap3A_146 = tpu.vector_load %arg6[%swap3A_145] {strides = array<i32>} : memref<128xi32, #tpu.memory_space<vmem>>, vector<16xi32>,
      %swap3A_147 = vector.shape_cast %swap3A_146 : vector<16xi32> to vector<16xi32>
      %swap3A_148 = vector.shape_cast %and3A_144 : vector<16xi32> to vector<16xi32>
      tpu.vector_store %arg6[%swap3A_145], %swap3A_148 {strides = array<i32>} : memref<128xi32, #tpu.memory_space<vmem>>, vector<16xi32>,
      %shift_right_logical3A_149 = arith.constant 15 : i32
      %shift_right_logical3A_150 = vector.broadcast %shift_right_logical3A_149 : i32 to vector<16xi32>
      %shift_right_logical3A_151 = arith.shrui %get3A_141, %shift_right_logical3A_150 : vector<16xi32>
      %swap3A_152 = arith.constant 64 : index
      %swap3A_153 = tpu.vector_load %arg7[%swap3A_152] {strides = array<i32>} : memref<128xi32, #tpu.memory_space<vmem>>, vector<16xi32>,
      %swap3A_154 = vector.shape_cast %swap3A_153 : vector<16xi32> to vector<16xi32>
      %swap3A_155 = vector.shape_cast %shift_right_logical3A_151 : vector<16xi32> to vector<16xi32>
      tpu.vector_store %arg7[%swap3A_152], %swap3A_155 {strides = array<i32>} : memref<128xi32, #tpu.memory_space<vmem>>, vector<16xi32>,
      %get3A_156 = arith.constant 0 : i32
      %get3A_157 = arith.index_cast %get3A_156 : i32 to index
      %get3A_158 = arith.constant 80 : index
      %get3A_159 = tpu.vector_load %arg5[%get3A_157, %get3A_158] {strides = array<i32>} : memref<2x128xi32, #tpu.memory_space<vmem>>, vector<1x16xi32>,
      %get3A_160 = vector.shape_cast %get3A_159 : vector<1x16xi32> to vector<16xi32>
      %and3A_161 = arith.constant 32767 : i32
      %and3A_162 = vector.broadcast %and3A_161 : i32 to vector<16xi32>
      %and3A_163 = arith.andi %get3A_160, %and3A_162 : vector<16xi32>
      %swap3A_164 = arith.constant 80 : index
      %swap3A_165 = tpu.vector_load %arg6[%swap3A_164] {strides = array<i32>} : memref<128xi32, #tpu.memory_space<vmem>>, vector<16xi32>,
      %swap3A_166 = vector.shape_cast %swap3A_165 : vector<16xi32> to vector<16xi32>
      %swap3A_167 = vector.shape_cast %and3A_163 : vector<16xi32> to vector<16xi32>
      tpu.vector_store %arg6[%swap3A_164], %swap3A_167 {strides = array<i32>} : memref<128xi32, #tpu.memory_space<vmem>>, vector<16xi32>,
      %shift_right_logical3A_168 = arith.constant 15 : i32
      %shift_right_logical3A_169 = vector.broadcast %shift_right_logical3A_168 : i32 to vector<16xi32>
      %shift_right_logical3A_170 = arith.shrui %get3A_160, %shift_right_logical3A_169 : vector<16xi32>
      %swap3A_171 = arith.constant 80 : index
      %swap3A_172 = tpu.vector_load %arg7[%swap3A_171] {strides = array<i32>} : memref<128xi32, #tpu.memory_space<vmem>>, vector<16xi32>,
      %swap3A_173 = vector.shape_cast %swap3A_172 : vector<16xi32> to vector<16xi32>
      %swap3A_174 = vector.shape_cast %shift_right_logical3A_170 : vector<16xi32> to vector<16xi32>
      tpu.vector_store %arg7[%swap3A_171], %swap3A_174 {strides = array<i32>} : memref<128xi32, #tpu.memory_space<vmem>>, vector<16xi32>,
      %get3A_175 = arith.constant 0 : i32
      %get3A_176 = arith.index_cast %get3A_175 : i32 to index
      %get3A_177 = arith.constant 96 : index
      %get3A_178 = tpu.vector_load %arg5[%get3A_176, %get3A_177] {strides = array<i32>} : memref<2x128xi32, #tpu.memory_space<vmem>>, vector<1x16xi32>,
      %get3A_179 = vector.shape_cast %get3A_178 : vector<1x16xi32> to vector<16xi32>
      %and3A_180 = arith.constant 32767 : i32
      %and3A_181 = vector.broadcast %and3A_180 : i32 to vector<16xi32>
      %and3A_182 = arith.andi %get3A_179, %and3A_181 : vector<16xi32>
      %swap3A_183 = arith.constant 96 : index
      %swap3A_184 = tpu.vector_load %arg6[%swap3A_183] {strides = array<i32>} : memref<128xi32, #tpu.memory_space<vmem>>, vector<16xi32>,
      %swap3A_185 = vector.shape_cast %swap3A_184 : vector<16xi32> to vector<16xi32>
      %swap3A_186 = vector.shape_cast %and3A_182 : vector<16xi32> to vector<16xi32>
      tpu.vector_store %arg6[%swap3A_183], %swap3A_186 {strides = array<i32>} : memref<128xi32, #tpu.memory_space<vmem>>, vector<16xi32>,
      %shift_right_logical3A_187 = arith.constant 15 : i32
      %shift_right_logical3A_188 = vector.broadcast %shift_right_logical3A_187 : i32 to vector<16xi32>
      %shift_right_logical3A_189 = arith.shrui %get3A_179, %shift_right_logical3A_188 : vector<16xi32>
      %swap3A_190 = arith.constant 96 : index
      %swap3A_191 = tpu.vector_load %arg7[%swap3A_190] {strides = array<i32>} : memref<128xi32, #tpu.memory_space<vmem>>, vector<16xi32>,
      %swap3A_192 = vector.shape_cast %swap3A_191 : vector<16xi32> to vector<16xi32>
      %swap3A_193 = vector.shape_cast %shift_right_logical3A_189 : vector<16xi32> to vector<16xi32>
      tpu.vector_store %arg7[%swap3A_190], %swap3A_193 {strides = array<i32>} : memref<128xi32, #tpu.memory_space<vmem>>, vector<16xi32>,
      %get3A_194 = arith.constant 0 : i32
      %get3A_195 = arith.index_cast %get3A_194 : i32 to index
      %get3A_196 = arith.constant 112 : index
      %get3A_197 = tpu.vector_load %arg5[%get3A_195, %get3A_196] {strides = array<i32>} : memref<2x128xi32, #tpu.memory_space<vmem>>, vector<1x16xi32>,
      %get3A_198 = vector.shape_cast %get3A_197 : vector<1x16xi32> to vector<16xi32>
      %and3A_199 = arith.constant 32767 : i32
      %and3A_200 = vector.broadcast %and3A_199 : i32 to vector<16xi32>
      %and3A_201 = arith.andi %get3A_198, %and3A_200 : vector<16xi32>
      %swap3A_202 = arith.constant 112 : index
      %swap3A_203 = tpu.vector_load %arg6[%swap3A_202] {strides = array<i32>} : memref<128xi32, #tpu.memory_space<vmem>>, vector<16xi32>,
      %swap3A_204 = vector.shape_cast %swap3A_203 : vector<16xi32> to vector<16xi32>
      %swap3A_205 = vector.shape_cast %and3A_201 : vector<16xi32> to vector<16xi32>
      tpu.vector_store %arg6[%swap3A_202], %swap3A_205 {strides = array<i32>} : memref<128xi32, #tpu.memory_space<vmem>>, vector<16xi32>,
      %shift_right_logical3A_206 = arith.constant 15 : i32
      %shift_right_logical3A_207 = vector.broadcast %shift_right_logical3A_206 : i32 to vector<16xi32>
      %shift_right_logical3A_208 = arith.shrui %get3A_198, %shift_right_logical3A_207 : vector<16xi32>
      %swap3A_209 = arith.constant 112 : index
      %swap3A_210 = tpu.vector_load %arg7[%swap3A_209] {strides = array<i32>} : memref<128xi32, #tpu.memory_space<vmem>>, vector<16xi32>,
      %swap3A_211 = vector.shape_cast %swap3A_210 : vector<16xi32> to vector<16xi32>
      %swap3A_212 = vector.shape_cast %shift_right_logical3A_208 : vector<16xi32> to vector<16xi32>
      tpu.vector_store %arg7[%swap3A_209], %swap3A_212 {strides = array<i32>} : memref<128xi32, #tpu.memory_space<vmem>>, vector<16xi32>,
      "tpu.region"() ({
        %run_scoped3A = tpu.sem_alloc : memref<!tpu.dma_semaphore, #tpu.memory_space<semaphore_mem>>
        %dma_start3A = arith.constant 0 : i32
        %dma_start3A_365 = tpu.memref_slice %arg10[%dma_start3A] : memref<10240xf32, #tpu.memory_space<vmem_shared>> -> memref<10240xf32, #tpu.memory_space<vmem_shared>>
        tpu.enqueue_indirect_dma source(%arg8 : memref<128xf32, #tpu.memory_space<vmem>>) target(%dma_start3A_365 : memref<10240xf32, #tpu.memory_space<vmem_shared>>) offsets(%arg7 : memref<128xi32, #tpu.memory_space<vmem>>) semaphore(%run_scoped3A : memref<!tpu.dma_semaphore, #tpu.memory_space<semaphore_mem>>) {add = true}
        %dma_wait3A = arith.constant 0 : i32
        %dma_wait3A_366 = tpu.memref_slice %arg10[%dma_wait3A] : memref<10240xf32, #tpu.memory_space<vmem_shared>> -> memref<10240xf32, #tpu.memory_space<vmem_shared>>
        tpu.wait_indirect_dma semaphore(%run_scoped3A : memref<!tpu.dma_semaphore, #tpu.memory_space<semaphore_mem>>) src(%arg8 : memref<128xf32, #tpu.memory_space<vmem>>) dst(%dma_wait3A_366 : memref<10240xf32, #tpu.memory_space<vmem_shared>>)
        tpu.yield
      }) : () -> ()
      %get3A_213 = arith.constant 1 : i32
      %get3A_214 = arith.index_cast %get3A_213 : i32 to index
      %get3A_215 = arith.constant 0 : index
      %get3A_216 = tpu.vector_load %arg5[%get3A_214, %get3A_215] {strides = array<i32>} : memref<2x128xi32, #tpu.memory_space<vmem>>, vector<1x16xi32>,
      %get3A_217 = vector.shape_cast %get3A_216 : vector<1x16xi32> to vector<16xi32>
      %and3A_218 = arith.constant 32767 : i32
      %and3A_219 = vector.broadcast %and3A_218 : i32 to vector<16xi32>
      %and3A_220 = arith.andi %get3A_217, %and3A_219 : vector<16xi32>
      %swap3A_221 = arith.constant 0 : index
      %swap3A_222 = tpu.vector_load %arg6[%swap3A_221] {strides = array<i32>} : memref<128xi32, #tpu.memory_space<vmem>>, vector<16xi32>,
      %swap3A_223 = vector.shape_cast %swap3A_222 : vector<16xi32> to vector<16xi32>
      %swap3A_224 = vector.shape_cast %and3A_220 : vector<16xi32> to vector<16xi32>
      tpu.vector_store %arg6[%swap3A_221], %swap3A_224 {strides = array<i32>} : memref<128xi32, #tpu.memory_space<vmem>>, vector<16xi32>,
      %shift_right_logical3A_225 = arith.constant 15 : i32
      %shift_right_logical3A_226 = vector.broadcast %shift_right_logical3A_225 : i32 to vector<16xi32>
      %shift_right_logical3A_227 = arith.shrui %get3A_217, %shift_right_logical3A_226 : vector<16xi32>
      %swap3A_228 = arith.constant 0 : index
      %swap3A_229 = tpu.vector_load %arg7[%swap3A_228] {strides = array<i32>} : memref<128xi32, #tpu.memory_space<vmem>>, vector<16xi32>,
      %swap3A_230 = vector.shape_cast %swap3A_229 : vector<16xi32> to vector<16xi32>
      %swap3A_231 = vector.shape_cast %shift_right_logical3A_227 : vector<16xi32> to vector<16xi32>
      tpu.vector_store %arg7[%swap3A_228], %swap3A_231 {strides = array<i32>} : memref<128xi32, #tpu.memory_space<vmem>>, vector<16xi32>,
      %get3A_232 = arith.constant 1 : i32
      %get3A_233 = arith.index_cast %get3A_232 : i32 to index
      %get3A_234 = arith.constant 16 : index
      %get3A_235 = tpu.vector_load %arg5[%get3A_233, %get3A_234] {strides = array<i32>} : memref<2x128xi32, #tpu.memory_space<vmem>>, vector<1x16xi32>,
      %get3A_236 = vector.shape_cast %get3A_235 : vector<1x16xi32> to vector<16xi32>
      %and3A_237 = arith.constant 32767 : i32
      %and3A_238 = vector.broadcast %and3A_237 : i32 to vector<16xi32>
      %and3A_239 = arith.andi %get3A_236, %and3A_238 : vector<16xi32>
      %swap3A_240 = arith.constant 16 : index
      %swap3A_241 = tpu.vector_load %arg6[%swap3A_240] {strides = array<i32>} : memref<128xi32, #tpu.memory_space<vmem>>, vector<16xi32>,
      %swap3A_242 = vector.shape_cast %swap3A_241 : vector<16xi32> to vector<16xi32>
      %swap3A_243 = vector.shape_cast %and3A_239 : vector<16xi32> to vector<16xi32>
      tpu.vector_store %arg6[%swap3A_240], %swap3A_243 {strides = array<i32>} : memref<128xi32, #tpu.memory_space<vmem>>, vector<16xi32>,
      %shift_right_logical3A_244 = arith.constant 15 : i32
      %shift_right_logical3A_245 = vector.broadcast %shift_right_logical3A_244 : i32 to vector<16xi32>
      %shift_right_logical3A_246 = arith.shrui %get3A_236, %shift_right_logical3A_245 : vector<16xi32>
      %swap3A_247 = arith.constant 16 : index
      %swap3A_248 = tpu.vector_load %arg7[%swap3A_247] {strides = array<i32>} : memref<128xi32, #tpu.memory_space<vmem>>, vector<16xi32>,
      %swap3A_249 = vector.shape_cast %swap3A_248 : vector<16xi32> to vector<16xi32>
      %swap3A_250 = vector.shape_cast %shift_right_logical3A_246 : vector<16xi32> to vector<16xi32>
      tpu.vector_store %arg7[%swap3A_247], %swap3A_250 {strides = array<i32>} : memref<128xi32, #tpu.memory_space<vmem>>, vector<16xi32>,
      %get3A_251 = arith.constant 1 : i32
      %get3A_252 = arith.index_cast %get3A_251 : i32 to index
      %get3A_253 = arith.constant 32 : index
      %get3A_254 = tpu.vector_load %arg5[%get3A_252, %get3A_253] {strides = array<i32>} : memref<2x128xi32, #tpu.memory_space<vmem>>, vector<1x16xi32>,
      %get3A_255 = vector.shape_cast %get3A_254 : vector<1x16xi32> to vector<16xi32>
      %and3A_256 = arith.constant 32767 : i32
      %and3A_257 = vector.broadcast %and3A_256 : i32 to vector<16xi32>
      %and3A_258 = arith.andi %get3A_255, %and3A_257 : vector<16xi32>
      %swap3A_259 = arith.constant 32 : index
      %swap3A_260 = tpu.vector_load %arg6[%swap3A_259] {strides = array<i32>} : memref<128xi32, #tpu.memory_space<vmem>>, vector<16xi32>,
      %swap3A_261 = vector.shape_cast %swap3A_260 : vector<16xi32> to vector<16xi32>
      %swap3A_262 = vector.shape_cast %and3A_258 : vector<16xi32> to vector<16xi32>
      tpu.vector_store %arg6[%swap3A_259], %swap3A_262 {strides = array<i32>} : memref<128xi32, #tpu.memory_space<vmem>>, vector<16xi32>,
      %shift_right_logical3A_263 = arith.constant 15 : i32
      %shift_right_logical3A_264 = vector.broadcast %shift_right_logical3A_263 : i32 to vector<16xi32>
      %shift_right_logical3A_265 = arith.shrui %get3A_255, %shift_right_logical3A_264 : vector<16xi32>
      %swap3A_266 = arith.constant 32 : index
      %swap3A_267 = tpu.vector_load %arg7[%swap3A_266] {strides = array<i32>} : memref<128xi32, #tpu.memory_space<vmem>>, vector<16xi32>,
      %swap3A_268 = vector.shape_cast %swap3A_267 : vector<16xi32> to vector<16xi32>
      %swap3A_269 = vector.shape_cast %shift_right_logical3A_265 : vector<16xi32> to vector<16xi32>
      tpu.vector_store %arg7[%swap3A_266], %swap3A_269 {strides = array<i32>} : memref<128xi32, #tpu.memory_space<vmem>>, vector<16xi32>,
      %get3A_270 = arith.constant 1 : i32
      %get3A_271 = arith.index_cast %get3A_270 : i32 to index
      %get3A_272 = arith.constant 48 : index
      %get3A_273 = tpu.vector_load %arg5[%get3A_271, %get3A_272] {strides = array<i32>} : memref<2x128xi32, #tpu.memory_space<vmem>>, vector<1x16xi32>,
      %get3A_274 = vector.shape_cast %get3A_273 : vector<1x16xi32> to vector<16xi32>
      %and3A_275 = arith.constant 32767 : i32
      %and3A_276 = vector.broadcast %and3A_275 : i32 to vector<16xi32>
      %and3A_277 = arith.andi %get3A_274, %and3A_276 : vector<16xi32>
      %swap3A_278 = arith.constant 48 : index
      %swap3A_279 = tpu.vector_load %arg6[%swap3A_278] {strides = array<i32>} : memref<128xi32, #tpu.memory_space<vmem>>, vector<16xi32>,
      %swap3A_280 = vector.shape_cast %swap3A_279 : vector<16xi32> to vector<16xi32>
      %swap3A_281 = vector.shape_cast %and3A_277 : vector<16xi32> to vector<16xi32>
      tpu.vector_store %arg6[%swap3A_278], %swap3A_281 {strides = array<i32>} : memref<128xi32, #tpu.memory_space<vmem>>, vector<16xi32>,
      %shift_right_logical3A_282 = arith.constant 15 : i32
      %shift_right_logical3A_283 = vector.broadcast %shift_right_logical3A_282 : i32 to vector<16xi32>
      %shift_right_logical3A_284 = arith.shrui %get3A_274, %shift_right_logical3A_283 : vector<16xi32>
      %swap3A_285 = arith.constant 48 : index
      %swap3A_286 = tpu.vector_load %arg7[%swap3A_285] {strides = array<i32>} : memref<128xi32, #tpu.memory_space<vmem>>, vector<16xi32>,
      %swap3A_287 = vector.shape_cast %swap3A_286 : vector<16xi32> to vector<16xi32>
      %swap3A_288 = vector.shape_cast %shift_right_logical3A_284 : vector<16xi32> to vector<16xi32>
      tpu.vector_store %arg7[%swap3A_285], %swap3A_288 {strides = array<i32>} : memref<128xi32, #tpu.memory_space<vmem>>, vector<16xi32>,
      %get3A_289 = arith.constant 1 : i32
      %get3A_290 = arith.index_cast %get3A_289 : i32 to index
      %get3A_291 = arith.constant 64 : index
      %get3A_292 = tpu.vector_load %arg5[%get3A_290, %get3A_291] {strides = array<i32>} : memref<2x128xi32, #tpu.memory_space<vmem>>, vector<1x16xi32>,
      %get3A_293 = vector.shape_cast %get3A_292 : vector<1x16xi32> to vector<16xi32>
      %and3A_294 = arith.constant 32767 : i32
      %and3A_295 = vector.broadcast %and3A_294 : i32 to vector<16xi32>
      %and3A_296 = arith.andi %get3A_293, %and3A_295 : vector<16xi32>
      %swap3A_297 = arith.constant 64 : index
      %swap3A_298 = tpu.vector_load %arg6[%swap3A_297] {strides = array<i32>} : memref<128xi32, #tpu.memory_space<vmem>>, vector<16xi32>,
      %swap3A_299 = vector.shape_cast %swap3A_298 : vector<16xi32> to vector<16xi32>
      %swap3A_300 = vector.shape_cast %and3A_296 : vector<16xi32> to vector<16xi32>
      tpu.vector_store %arg6[%swap3A_297], %swap3A_300 {strides = array<i32>} : memref<128xi32, #tpu.memory_space<vmem>>, vector<16xi32>,
      %shift_right_logical3A_301 = arith.constant 15 : i32
      %shift_right_logical3A_302 = vector.broadcast %shift_right_logical3A_301 : i32 to vector<16xi32>
      %shift_right_logical3A_303 = arith.shrui %get3A_293, %shift_right_logical3A_302 : vector<16xi32>
      %swap3A_304 = arith.constant 64 : index
      %swap3A_305 = tpu.vector_load %arg7[%swap3A_304] {strides = array<i32>} : memref<128xi32, #tpu.memory_space<vmem>>, vector<16xi32>,
      %swap3A_306 = vector.shape_cast %swap3A_305 : vector<16xi32> to vector<16xi32>
      %swap3A_307 = vector.shape_cast %shift_right_logical3A_303 : vector<16xi32> to vector<16xi32>
      tpu.vector_store %arg7[%swap3A_304], %swap3A_307 {strides = array<i32>} : memref<128xi32, #tpu.memory_space<vmem>>, vector<16xi32>,
      %get3A_308 = arith.constant 1 : i32
      %get3A_309 = arith.index_cast %get3A_308 : i32 to index
      %get3A_310 = arith.constant 80 : index
      %get3A_311 = tpu.vector_load %arg5[%get3A_309, %get3A_310] {strides = array<i32>} : memref<2x128xi32, #tpu.memory_space<vmem>>, vector<1x16xi32>,
      %get3A_312 = vector.shape_cast %get3A_311 : vector<1x16xi32> to vector<16xi32>
      %and3A_313 = arith.constant 32767 : i32
      %and3A_314 = vector.broadcast %and3A_313 : i32 to vector<16xi32>
      %and3A_315 = arith.andi %get3A_312, %and3A_314 : vector<16xi32>
      %swap3A_316 = arith.constant 80 : index
      %swap3A_317 = tpu.vector_load %arg6[%swap3A_316] {strides = array<i32>} : memref<128xi32, #tpu.memory_space<vmem>>, vector<16xi32>,
      %swap3A_318 = vector.shape_cast %swap3A_317 : vector<16xi32> to vector<16xi32>
      %swap3A_319 = vector.shape_cast %and3A_315 : vector<16xi32> to vector<16xi32>
      tpu.vector_store %arg6[%swap3A_316], %swap3A_319 {strides = array<i32>} : memref<128xi32, #tpu.memory_space<vmem>>, vector<16xi32>,
      %shift_right_logical3A_320 = arith.constant 15 : i32
      %shift_right_logical3A_321 = vector.broadcast %shift_right_logical3A_320 : i32 to vector<16xi32>
      %shift_right_logical3A_322 = arith.shrui %get3A_312, %shift_right_logical3A_321 : vector<16xi32>
      %swap3A_323 = arith.constant 80 : index
      %swap3A_324 = tpu.vector_load %arg7[%swap3A_323] {strides = array<i32>} : memref<128xi32, #tpu.memory_space<vmem>>, vector<16xi32>,
      %swap3A_325 = vector.shape_cast %swap3A_324 : vector<16xi32> to vector<16xi32>
      %swap3A_326 = vector.shape_cast %shift_right_logical3A_322 : vector<16xi32> to vector<16xi32>
      tpu.vector_store %arg7[%swap3A_323], %swap3A_326 {strides = array<i32>} : memref<128xi32, #tpu.memory_space<vmem>>, vector<16xi32>,
      %get3A_327 = arith.constant 1 : i32
      %get3A_328 = arith.index_cast %get3A_327 : i32 to index
      %get3A_329 = arith.constant 96 : index
      %get3A_330 = tpu.vector_load %arg5[%get3A_328, %get3A_329] {strides = array<i32>} : memref<2x128xi32, #tpu.memory_space<vmem>>, vector<1x16xi32>,
      %get3A_331 = vector.shape_cast %get3A_330 : vector<1x16xi32> to vector<16xi32>
      %and3A_332 = arith.constant 32767 : i32
      %and3A_333 = vector.broadcast %and3A_332 : i32 to vector<16xi32>
      %and3A_334 = arith.andi %get3A_331, %and3A_333 : vector<16xi32>
      %swap3A_335 = arith.constant 96 : index
      %swap3A_336 = tpu.vector_load %arg6[%swap3A_335] {strides = array<i32>} : memref<128xi32, #tpu.memory_space<vmem>>, vector<16xi32>,
      %swap3A_337 = vector.shape_cast %swap3A_336 : vector<16xi32> to vector<16xi32>
      %swap3A_338 = vector.shape_cast %and3A_334 : vector<16xi32> to vector<16xi32>
      tpu.vector_store %arg6[%swap3A_335], %swap3A_338 {strides = array<i32>} : memref<128xi32, #tpu.memory_space<vmem>>, vector<16xi32>,
      %shift_right_logical3A_339 = arith.constant 15 : i32
      %shift_right_logical3A_340 = vector.broadcast %shift_right_logical3A_339 : i32 to vector<16xi32>
      %shift_right_logical3A_341 = arith.shrui %get3A_331, %shift_right_logical3A_340 : vector<16xi32>
      %swap3A_342 = arith.constant 96 : index
      %swap3A_343 = tpu.vector_load %arg7[%swap3A_342] {strides = array<i32>} : memref<128xi32, #tpu.memory_space<vmem>>, vector<16xi32>,
      %swap3A_344 = vector.shape_cast %swap3A_343 : vector<16xi32> to vector<16xi32>
      %swap3A_345 = vector.shape_cast %shift_right_logical3A_341 : vector<16xi32> to vector<16xi32>
      tpu.vector_store %arg7[%swap3A_342], %swap3A_345 {strides = array<i32>} : memref<128xi32, #tpu.memory_space<vmem>>, vector<16xi32>,
      %get3A_346 = arith.constant 1 : i32
      %get3A_347 = arith.index_cast %get3A_346 : i32 to index
      %get3A_348 = arith.constant 112 : index
      %get3A_349 = tpu.vector_load %arg5[%get3A_347, %get3A_348] {strides = array<i32>} : memref<2x128xi32, #tpu.memory_space<vmem>>, vector<1x16xi32>,
      %get3A_350 = vector.shape_cast %get3A_349 : vector<1x16xi32> to vector<16xi32>
      %and3A_351 = arith.constant 32767 : i32
      %and3A_352 = vector.broadcast %and3A_351 : i32 to vector<16xi32>
      %and3A_353 = arith.andi %get3A_350, %and3A_352 : vector<16xi32>
      %swap3A_354 = arith.constant 112 : index
      %swap3A_355 = tpu.vector_load %arg6[%swap3A_354] {strides = array<i32>} : memref<128xi32, #tpu.memory_space<vmem>>, vector<16xi32>,
      %swap3A_356 = vector.shape_cast %swap3A_355 : vector<16xi32> to vector<16xi32>
      %swap3A_357 = vector.shape_cast %and3A_353 : vector<16xi32> to vector<16xi32>
      tpu.vector_store %arg6[%swap3A_354], %swap3A_357 {strides = array<i32>} : memref<128xi32, #tpu.memory_space<vmem>>, vector<16xi32>,
      %shift_right_logical3A_358 = arith.constant 15 : i32
      %shift_right_logical3A_359 = vector.broadcast %shift_right_logical3A_358 : i32 to vector<16xi32>
      %shift_right_logical3A_360 = arith.shrui %get3A_350, %shift_right_logical3A_359 : vector<16xi32>
      %swap3A_361 = arith.constant 112 : index
      %swap3A_362 = tpu.vector_load %arg7[%swap3A_361] {strides = array<i32>} : memref<128xi32, #tpu.memory_space<vmem>>, vector<16xi32>,
      %swap3A_363 = vector.shape_cast %swap3A_362 : vector<16xi32> to vector<16xi32>
      %swap3A_364 = vector.shape_cast %shift_right_logical3A_360 : vector<16xi32> to vector<16xi32>
      tpu.vector_store %arg7[%swap3A_361], %swap3A_364 {strides = array<i32>} : memref<128xi32, #tpu.memory_space<vmem>>, vector<16xi32>,
      "tpu.region"() ({
        %run_scoped3A = tpu.sem_alloc : memref<!tpu.dma_semaphore, #tpu.memory_space<semaphore_mem>>
        %dma_start3A = arith.constant 0 : i32
        %dma_start3A_365 = tpu.memref_slice %arg10[%dma_start3A] : memref<10240xf32, #tpu.memory_space<vmem_shared>> -> memref<10240xf32, #tpu.memory_space<vmem_shared>>
        tpu.enqueue_indirect_dma source(%arg8 : memref<128xf32, #tpu.memory_space<vmem>>) target(%dma_start3A_365 : memref<10240xf32, #tpu.memory_space<vmem_shared>>) offsets(%arg7 : memref<128xi32, #tpu.memory_space<vmem>>) semaphore(%run_scoped3A : memref<!tpu.dma_semaphore, #tpu.memory_space<semaphore_mem>>) {add = true}
        %dma_wait3A = arith.constant 0 : i32
        %dma_wait3A_366 = tpu.memref_slice %arg10[%dma_wait3A] : memref<10240xf32, #tpu.memory_space<vmem_shared>> -> memref<10240xf32, #tpu.memory_space<vmem_shared>>
        tpu.wait_indirect_dma semaphore(%run_scoped3A : memref<!tpu.dma_semaphore, #tpu.memory_space<semaphore_mem>>) src(%arg8 : memref<128xf32, #tpu.memory_space<vmem>>) dst(%dma_wait3A_366 : memref<10240xf32, #tpu.memory_space<vmem_shared>>)
        tpu.yield
      }) : () -> ()
    }
    %scan3A_53 = arith.constant 41 : i32
    %barrier3A_54 = arith.constant 0 : index
    tpu.barrier barrier_id(%barrier3A_54)
    "tpu.region"() ({
      %run_scoped3A = tpu.sem_alloc : memref<!tpu.dma_semaphore, #tpu.memory_space<semaphore_mem>>
      %dma_start3A = tpu.memref_slice %arg10[%mul3A_2] : memref<10240xf32, #tpu.memory_space<vmem_shared>> -> memref<640xf32, #tpu.memory_space<vmem_shared>>
      %dma_start3A_58 = tpu.memref_slice %arg10[%mul3A_2] : memref<10240xf32, #tpu.memory_space<vmem_shared>> -> memref<640xf32, #tpu.memory_space<vmem_shared>>
      tpu.enqueue_dma source(%dma_start3A_58 : memref<640xf32, #tpu.memory_space<vmem_shared>>) target(%arg9 : memref<640xf32, #tpu.memory_space<vmem>>) target_semaphore(%run_scoped3A : memref<!tpu.dma_semaphore, #tpu.memory_space<semaphore_mem>>)
      %dma_wait3A = tpu.memref_slice %arg10[%mul3A_2] : memref<10240xf32, #tpu.memory_space<vmem_shared>> -> memref<640xf32, #tpu.memory_space<vmem_shared>>
      %dma_wait3A_59 = tpu.memref_slice %arg10[%mul3A_2] : memref<10240xf32, #tpu.memory_space<vmem_shared>> -> memref<640xf32, #tpu.memory_space<vmem_shared>>
      tpu.wait_dma2 semaphore(%run_scoped3A : memref<!tpu.dma_semaphore, #tpu.memory_space<semaphore_mem>>) src(%dma_wait3A_59 : memref<640xf32, #tpu.memory_space<vmem_shared>>) dst(%arg9 : memref<640xf32, #tpu.memory_space<vmem>>)
      tpu.yield
    }) : () -> ()
    %mul3A_55 = arith.constant 10240 : i32
    %mul3A_56 = arith.muli %arg0, %mul3A_55 : i32
    %add3A_57 = arith.addi %mul3A_56, %mul3A_2 : i32
    "tpu.region"() ({
      %run_scoped3A = tpu.sem_alloc : memref<!tpu.dma_semaphore, #tpu.memory_space<semaphore_mem>>
      %dma_start3A = tpu.memref_slice %arg4[%add3A_57] : memref<20480xf32, #tpu.memory_space<hbm>> -> memref<640xf32, #tpu.memory_space<hbm>>
      %dma_start3A_58 = tpu.memref_slice %arg4[%add3A_57] : memref<20480xf32, #tpu.memory_space<hbm>> -> memref<640xf32, #tpu.memory_space<hbm>>
      tpu.enqueue_dma source(%arg9 : memref<640xf32, #tpu.memory_space<vmem>>) target(%dma_start3A_58 : memref<640xf32, #tpu.memory_space<hbm>>) target_semaphore(%run_scoped3A : memref<!tpu.dma_semaphore, #tpu.memory_space<semaphore_mem>>)
      %dma_wait3A = tpu.memref_slice %arg4[%add3A_57] : memref<20480xf32, #tpu.memory_space<hbm>> -> memref<640xf32, #tpu.memory_space<hbm>>
      %dma_wait3A_59 = tpu.memref_slice %arg4[%add3A_57] : memref<20480xf32, #tpu.memory_space<hbm>> -> memref<640xf32, #tpu.memory_space<hbm>>
      tpu.wait_dma2 semaphore(%run_scoped3A : memref<!tpu.dma_semaphore, #tpu.memory_space<semaphore_mem>>) src(%arg9 : memref<640xf32, #tpu.memory_space<vmem>>) dst(%dma_wait3A_59 : memref<640xf32, #tpu.memory_space<hbm>>)
      tpu.yield
    }) : () -> ()
    return
  }
}

module attributes {stable_mosaic.version = 14 : i64} {
  func.func @_mm_body(%arg0: i32, %arg1: memref<512x128xf32, #tpu.memory_space<vmem>>, %arg2: memref<128x128xf32, #tpu.memory_space<vmem>>, %arg3: memref<512x128xf32, #tpu.memory_space<vmem>>) attributes {dimension_semantics = [#tpu.dimension_semantics<arbitrary>], iteration_bounds = array<i64: 20>, scalar_prefetch = 0 : i64, scratch_operands = 0 : i64, tpu.core_type = #tpu.core_type<tc>, window_params = [{transform_indices = @transform_0, window_bounds = array<i64: 512, 128>}, {pipeline_mode = #tpu.pipeline_mode<synchronous>, transform_indices = @transform_1, window_bounds = array<i64: 128, 128>}, {transform_indices = @transform_2, window_bounds = array<i64: 512, 128>}]} {
    %get3A = arith.constant 0 : index
    %get3A_0 = arith.constant 0 : index
    %get3A_1 = vector.load %arg1[%get3A, %get3A_0] : memref<512x128xf32, #tpu.memory_space<vmem>>, vector<512x128xf32>
    %get3A_2 = arith.constant 0 : index
    %get3A_3 = arith.constant 0 : index
    %get3A_4 = vector.load %arg2[%get3A_2, %get3A_3] : memref<128x128xf32, #tpu.memory_space<vmem>>, vector<128x128xf32>
    %dot_general3A = arith.constant dense<0.000000e+00> : vector<512x128xf32>
    %dot_general3A_5 = tpu.matmul %get3A_1, %get3A_4, %dot_general3A {dimension_numbers = #tpu.dot_dimension_numbers<[1], [0], [0], [1], [0, 0, 1, 1], [], []>, transpose_lhs_hint = false} : vector<512x128xf32>, vector<128x128xf32>, vector<512x128xf32> -> vector<512x128xf32>
    %swap3A = arith.constant 0 : index
    %swap3A_6 = arith.constant 0 : index
    %swap3A_7 = vector.load %arg3[%swap3A, %swap3A_6] : memref<512x128xf32, #tpu.memory_space<vmem>>, vector<512x128xf32>
    tpu.vector_store %arg3[%swap3A, %swap3A_6], %dot_general3A_5 {strides = array<i32>} : memref<512x128xf32, #tpu.memory_space<vmem>>, vector<512x128xf32>,
    return
  }
  func.func @transform_0(%arg0: i32) -> (i32, i32) {
    %c0_i32 = arith.constant 0 : i32
    %c0_i32_0 = arith.constant 0 : i32
    return %arg0, %c0_i32 : i32, i32
  }
  func.func @transform_1(%arg0: i32) -> (i32, i32) {
    %c0_i32 = arith.constant 0 : i32
    %c0_i32_0 = arith.constant 0 : i32
    %c0_i32_1 = arith.constant 0 : i32
    return %c0_i32, %c0_i32_0 : i32, i32
  }
  func.func @transform_2(%arg0: i32) -> (i32, i32) {
    %c0_i32 = arith.constant 0 : i32
    %c0_i32_0 = arith.constant 0 : i32
    return %arg0, %c0_i32 : i32, i32
  }
}

module attributes {stable_mosaic.version = 14 : i64} {
  func.func @_scale_body(%arg0: i32, %arg1: memref<512x128xf32, #tpu.memory_space<vmem>>, %arg2: memref<1x4x128xf32, #tpu.memory_space<vmem>>, %arg3: memref<1x4x128xf32, #tpu.memory_space<vmem>>, %arg4: memref<512x128xf32, #tpu.memory_space<vmem>>) attributes {dimension_semantics = [#tpu.dimension_semantics<arbitrary>], iteration_bounds = array<i64: 20>, scalar_prefetch = 0 : i64, scratch_operands = 0 : i64, tpu.core_type = #tpu.core_type<tc>, window_params = [{transform_indices = @transform_0, window_bounds = array<i64: 512, 128>}, {transform_indices = @transform_1, window_bounds = array<i64: 1, 4, 128>}, {transform_indices = @transform_2, window_bounds = array<i64: 1, 4, 128>}, {transform_indices = @transform_3, window_bounds = array<i64: 512, 128>}]} {
    %get3A = arith.constant 0 : index
    %get3A_0 = arith.constant 0 : index
    %get3A_1 = arith.constant 0 : index
    %get3A_2 = vector.load %arg2[%get3A, %get3A_0, %get3A_1] : memref<1x4x128xf32, #tpu.memory_space<vmem>>, vector<1x1x128xf32>
    %get3A_3 = vector.shape_cast %get3A_2 : vector<1x1x128xf32> to vector<128xf32>
    %get3A_4 = arith.constant 0 : index
    %get3A_5 = arith.constant 0 : index
    %get3A_6 = arith.constant 0 : index
    %get3A_7 = vector.load %arg3[%get3A_4, %get3A_5, %get3A_6] : memref<1x4x128xf32, #tpu.memory_space<vmem>>, vector<1x1x128xf32>
    %get3A_8 = vector.shape_cast %get3A_7 : vector<1x1x128xf32> to vector<128xf32>
    %add3A = arith.addf %get3A_3, %get3A_8 : vector<128xf32>
    %rsqrt3A = math.rsqrt %add3A : vector<128xf32>
    %reshape3A = vector.shape_cast %rsqrt3A : vector<128xf32> to vector<1x128xf32>
    %iota3A = tpu.iota {dimensions = array<i32: 0>} : vector<128x128xi32>
    %iota3A_9 = tpu.iota {dimensions = array<i32: 1>} : vector<128x128xi32>
    %eq3A = arith.cmpi eq, %iota3A, %iota3A_9 : vector<128x128xi32>
    %broadcast_in_dim3A = vector.shape_cast %reshape3A : vector<1x128xf32> to vector<1x128xf32>
    %broadcast_in_dim3A_10 = vector.broadcast %broadcast_in_dim3A : vector<1x128xf32> to vector<128x128xf32>
    %jit3A = arith.constant 0.000000e+00 : f32
    %broadcast_in_dim3A_11 = vector.broadcast %jit3A : f32 to vector<128x128xf32>
    %select_n3A = arith.select %eq3A, %broadcast_in_dim3A_10, %broadcast_in_dim3A_11 : vector<128x128xi1>, vector<128x128xf32>
    %get3A_12 = arith.constant 0 : index
    %get3A_13 = arith.constant 0 : index
    %get3A_14 = vector.load %arg1[%get3A_12, %get3A_13] : memref<512x128xf32, #tpu.memory_space<vmem>>, vector<128x128xf32>
    %dot_general3A = arith.constant dense<0.000000e+00> : vector<128x128xf32>
    %dot_general3A_15 = tpu.matmul %select_n3A, %get3A_14, %dot_general3A {dimension_numbers = #tpu.dot_dimension_numbers<[1], [0], [0], [1], [0, 0, 1, 1], [], []>, transpose_lhs_hint = false} : vector<128x128xf32>, vector<128x128xf32>, vector<128x128xf32> -> vector<128x128xf32>
    %swap3A = arith.constant 0 : index
    %swap3A_16 = arith.constant 0 : index
    %swap3A_17 = vector.load %arg4[%swap3A, %swap3A_16] : memref<512x128xf32, #tpu.memory_space<vmem>>, vector<128x128xf32>
    tpu.vector_store %arg4[%swap3A, %swap3A_16], %dot_general3A_15 {strides = array<i32>} : memref<512x128xf32, #tpu.memory_space<vmem>>, vector<128x128xf32>,
    %get3A_18 = arith.constant 0 : index
    %get3A_19 = arith.constant 1 : index
    %get3A_20 = arith.constant 0 : index
    %get3A_21 = vector.load %arg2[%get3A_18, %get3A_19, %get3A_20] : memref<1x4x128xf32, #tpu.memory_space<vmem>>, vector<1x1x128xf32>
    %get3A_22 = vector.shape_cast %get3A_21 : vector<1x1x128xf32> to vector<128xf32>
    %get3A_23 = arith.constant 0 : index
    %get3A_24 = arith.constant 1 : index
    %get3A_25 = arith.constant 0 : index
    %get3A_26 = vector.load %arg3[%get3A_23, %get3A_24, %get3A_25] : memref<1x4x128xf32, #tpu.memory_space<vmem>>, vector<1x1x128xf32>
    %get3A_27 = vector.shape_cast %get3A_26 : vector<1x1x128xf32> to vector<128xf32>
    %add3A_28 = arith.addf %get3A_22, %get3A_27 : vector<128xf32>
    %rsqrt3A_29 = math.rsqrt %add3A_28 : vector<128xf32>
    %reshape3A_30 = vector.shape_cast %rsqrt3A_29 : vector<128xf32> to vector<1x128xf32>
    %iota3A_31 = tpu.iota {dimensions = array<i32: 0>} : vector<128x128xi32>
    %iota3A_32 = tpu.iota {dimensions = array<i32: 1>} : vector<128x128xi32>
    %eq3A_33 = arith.cmpi eq, %iota3A_31, %iota3A_32 : vector<128x128xi32>
    %broadcast_in_dim3A_34 = vector.shape_cast %reshape3A_30 : vector<1x128xf32> to vector<1x128xf32>
    %broadcast_in_dim3A_35 = vector.broadcast %broadcast_in_dim3A_34 : vector<1x128xf32> to vector<128x128xf32>
    %jit3A_36 = arith.constant 0.000000e+00 : f32
    %broadcast_in_dim3A_37 = vector.broadcast %jit3A_36 : f32 to vector<128x128xf32>
    %select_n3A_38 = arith.select %eq3A_33, %broadcast_in_dim3A_35, %broadcast_in_dim3A_37 : vector<128x128xi1>, vector<128x128xf32>
    %get3A_39 = arith.constant 128 : index
    %get3A_40 = arith.constant 0 : index
    %get3A_41 = vector.load %arg1[%get3A_39, %get3A_40] : memref<512x128xf32, #tpu.memory_space<vmem>>, vector<128x128xf32>
    %dot_general3A_42 = arith.constant dense<0.000000e+00> : vector<128x128xf32>
    %dot_general3A_43 = tpu.matmul %select_n3A_38, %get3A_41, %dot_general3A_42 {dimension_numbers = #tpu.dot_dimension_numbers<[1], [0], [0], [1], [0, 0, 1, 1], [], []>, transpose_lhs_hint = false} : vector<128x128xf32>, vector<128x128xf32>, vector<128x128xf32> -> vector<128x128xf32>
    %swap3A_44 = arith.constant 128 : index
    %swap3A_45 = arith.constant 0 : index
    %swap3A_46 = vector.load %arg4[%swap3A_44, %swap3A_45] : memref<512x128xf32, #tpu.memory_space<vmem>>, vector<128x128xf32>
    tpu.vector_store %arg4[%swap3A_44, %swap3A_45], %dot_general3A_43 {strides = array<i32>} : memref<512x128xf32, #tpu.memory_space<vmem>>, vector<128x128xf32>,
    %get3A_47 = arith.constant 0 : index
    %get3A_48 = arith.constant 2 : index
    %get3A_49 = arith.constant 0 : index
    %get3A_50 = vector.load %arg2[%get3A_47, %get3A_48, %get3A_49] : memref<1x4x128xf32, #tpu.memory_space<vmem>>, vector<1x1x128xf32>
    %get3A_51 = vector.shape_cast %get3A_50 : vector<1x1x128xf32> to vector<128xf32>
    %get3A_52 = arith.constant 0 : index
    %get3A_53 = arith.constant 2 : index
    %get3A_54 = arith.constant 0 : index
    %get3A_55 = vector.load %arg3[%get3A_52, %get3A_53, %get3A_54] : memref<1x4x128xf32, #tpu.memory_space<vmem>>, vector<1x1x128xf32>
    %get3A_56 = vector.shape_cast %get3A_55 : vector<1x1x128xf32> to vector<128xf32>
    %add3A_57 = arith.addf %get3A_51, %get3A_56 : vector<128xf32>
    %rsqrt3A_58 = math.rsqrt %add3A_57 : vector<128xf32>
    %reshape3A_59 = vector.shape_cast %rsqrt3A_58 : vector<128xf32> to vector<1x128xf32>
    %iota3A_60 = tpu.iota {dimensions = array<i32: 0>} : vector<128x128xi32>
    %iota3A_61 = tpu.iota {dimensions = array<i32: 1>} : vector<128x128xi32>
    %eq3A_62 = arith.cmpi eq, %iota3A_60, %iota3A_61 : vector<128x128xi32>
    %broadcast_in_dim3A_63 = vector.shape_cast %reshape3A_59 : vector<1x128xf32> to vector<1x128xf32>
    %broadcast_in_dim3A_64 = vector.broadcast %broadcast_in_dim3A_63 : vector<1x128xf32> to vector<128x128xf32>
    %jit3A_65 = arith.constant 0.000000e+00 : f32
    %broadcast_in_dim3A_66 = vector.broadcast %jit3A_65 : f32 to vector<128x128xf32>
    %select_n3A_67 = arith.select %eq3A_62, %broadcast_in_dim3A_64, %broadcast_in_dim3A_66 : vector<128x128xi1>, vector<128x128xf32>
    %get3A_68 = arith.constant 256 : index
    %get3A_69 = arith.constant 0 : index
    %get3A_70 = vector.load %arg1[%get3A_68, %get3A_69] : memref<512x128xf32, #tpu.memory_space<vmem>>, vector<128x128xf32>
    %dot_general3A_71 = arith.constant dense<0.000000e+00> : vector<128x128xf32>
    %dot_general3A_72 = tpu.matmul %select_n3A_67, %get3A_70, %dot_general3A_71 {dimension_numbers = #tpu.dot_dimension_numbers<[1], [0], [0], [1], [0, 0, 1, 1], [], []>, transpose_lhs_hint = false} : vector<128x128xf32>, vector<128x128xf32>, vector<128x128xf32> -> vector<128x128xf32>
    %swap3A_73 = arith.constant 256 : index
    %swap3A_74 = arith.constant 0 : index
    %swap3A_75 = vector.load %arg4[%swap3A_73, %swap3A_74] : memref<512x128xf32, #tpu.memory_space<vmem>>, vector<128x128xf32>
    tpu.vector_store %arg4[%swap3A_73, %swap3A_74], %dot_general3A_72 {strides = array<i32>} : memref<512x128xf32, #tpu.memory_space<vmem>>, vector<128x128xf32>,
    %get3A_76 = arith.constant 0 : index
    %get3A_77 = arith.constant 3 : index
    %get3A_78 = arith.constant 0 : index
    %get3A_79 = vector.load %arg2[%get3A_76, %get3A_77, %get3A_78] : memref<1x4x128xf32, #tpu.memory_space<vmem>>, vector<1x1x128xf32>
    %get3A_80 = vector.shape_cast %get3A_79 : vector<1x1x128xf32> to vector<128xf32>
    %get3A_81 = arith.constant 0 : index
    %get3A_82 = arith.constant 3 : index
    %get3A_83 = arith.constant 0 : index
    %get3A_84 = vector.load %arg3[%get3A_81, %get3A_82, %get3A_83] : memref<1x4x128xf32, #tpu.memory_space<vmem>>, vector<1x1x128xf32>
    %get3A_85 = vector.shape_cast %get3A_84 : vector<1x1x128xf32> to vector<128xf32>
    %add3A_86 = arith.addf %get3A_80, %get3A_85 : vector<128xf32>
    %rsqrt3A_87 = math.rsqrt %add3A_86 : vector<128xf32>
    %reshape3A_88 = vector.shape_cast %rsqrt3A_87 : vector<128xf32> to vector<1x128xf32>
    %iota3A_89 = tpu.iota {dimensions = array<i32: 0>} : vector<128x128xi32>
    %iota3A_90 = tpu.iota {dimensions = array<i32: 1>} : vector<128x128xi32>
    %eq3A_91 = arith.cmpi eq, %iota3A_89, %iota3A_90 : vector<128x128xi32>
    %broadcast_in_dim3A_92 = vector.shape_cast %reshape3A_88 : vector<1x128xf32> to vector<1x128xf32>
    %broadcast_in_dim3A_93 = vector.broadcast %broadcast_in_dim3A_92 : vector<1x128xf32> to vector<128x128xf32>
    %jit3A_94 = arith.constant 0.000000e+00 : f32
    %broadcast_in_dim3A_95 = vector.broadcast %jit3A_94 : f32 to vector<128x128xf32>
    %select_n3A_96 = arith.select %eq3A_91, %broadcast_in_dim3A_93, %broadcast_in_dim3A_95 : vector<128x128xi1>, vector<128x128xf32>
    %get3A_97 = arith.constant 384 : index
    %get3A_98 = arith.constant 0 : index
    %get3A_99 = vector.load %arg1[%get3A_97, %get3A_98] : memref<512x128xf32, #tpu.memory_space<vmem>>, vector<128x128xf32>
    %dot_general3A_100 = arith.constant dense<0.000000e+00> : vector<128x128xf32>
    %dot_general3A_101 = tpu.matmul %select_n3A_96, %get3A_99, %dot_general3A_100 {dimension_numbers = #tpu.dot_dimension_numbers<[1], [0], [0], [1], [0, 0, 1, 1], [], []>, transpose_lhs_hint = false} : vector<128x128xf32>, vector<128x128xf32>, vector<128x128xf32> -> vector<128x128xf32>
    %swap3A_102 = arith.constant 384 : index
    %swap3A_103 = arith.constant 0 : index
    %swap3A_104 = vector.load %arg4[%swap3A_102, %swap3A_103] : memref<512x128xf32, #tpu.memory_space<vmem>>, vector<128x128xf32>
    tpu.vector_store %arg4[%swap3A_102, %swap3A_103], %dot_general3A_101 {strides = array<i32>} : memref<512x128xf32, #tpu.memory_space<vmem>>, vector<128x128xf32>,
    return
  }
  func.func @transform_0(%arg0: i32) -> (i32, i32) {
    %c0_i32 = arith.constant 0 : i32
    %c0_i32_0 = arith.constant 0 : i32
    return %arg0, %c0_i32 : i32, i32
  }
  func.func @transform_1(%arg0: i32) -> (i32, i32, i32) {
    %c0_i32 = arith.constant 0 : i32
    %c0_i32_0 = arith.constant 0 : i32
    %c0_i32_1 = arith.constant 0 : i32
    return %arg0, %c0_i32, %c0_i32_0 : i32, i32, i32
  }
  func.func @transform_2(%arg0: i32) -> (i32, i32, i32) {
    %c0_i32 = arith.constant 0 : i32
    %c0_i32_0 = arith.constant 0 : i32
    %c0_i32_1 = arith.constant 0 : i32
    return %arg0, %c0_i32, %c0_i32_0 : i32, i32, i32
  }
  func.func @transform_3(%arg0: i32) -> (i32, i32) {
    %c0_i32 = arith.constant 0 : i32
    %c0_i32_0 = arith.constant 0 : i32
    return %arg0, %c0_i32 : i32, i32
  }
}

module attributes {stable_mosaic.version = 14 : i64} {
  func.func @_tc2_body(%arg0: i32, %arg1: memref<512x128xf32, #tpu.memory_space<vmem>>, %arg2: memref<512x128xf32, #tpu.memory_space<vmem>>, %arg3: memref<1x4x128xf32, #tpu.memory_space<vmem>>, %arg4: memref<1x4x128xf32, #tpu.memory_space<vmem>>, %arg5: memref<1x128xf32, #tpu.memory_space<vmem>>, %arg6: memref<128x128xf32, #tpu.memory_space<vmem>>, %arg7: memref<512x128xf32, #tpu.memory_space<vmem>>, %arg8: memref<512x128xf32, #tpu.memory_space<vmem>>) attributes {dimension_semantics = [#tpu.dimension_semantics<arbitrary>], iteration_bounds = array<i64: 20>, scalar_prefetch = 0 : i64, scratch_operands = 1 : i64, tpu.core_type = #tpu.core_type<tc>, window_params = [{transform_indices = @transform_0, window_bounds = array<i64: 512, 128>}, {transform_indices = @transform_1, window_bounds = array<i64: 512, 128>}, {transform_indices = @transform_2, window_bounds = array<i64: 1, 4, 128>}, {transform_indices = @transform_3, window_bounds = array<i64: 1, 4, 128>}, {pipeline_mode = #tpu.pipeline_mode<synchronous>, transform_indices = @transform_4, window_bounds = array<i64: 1, 128>}, {pipeline_mode = #tpu.pipeline_mode<synchronous>, transform_indices = @transform_5, window_bounds = array<i64: 128, 128>}, {transform_indices = @transform_6, window_bounds = array<i64: 512, 128>}]} {
    %get3A = arith.constant 0 : index
    %get3A_0 = arith.constant 0 : index
    %get3A_1 = arith.constant 0 : index
    %get3A_2 = vector.load %arg3[%get3A, %get3A_0, %get3A_1] : memref<1x4x128xf32, #tpu.memory_space<vmem>>, vector<1x1x128xf32>
    %get3A_3 = vector.shape_cast %get3A_2 : vector<1x1x128xf32> to vector<128xf32>
    %get3A_4 = arith.constant 0 : index
    %get3A_5 = arith.constant 0 : index
    %get3A_6 = arith.constant 0 : index
    %get3A_7 = vector.load %arg4[%get3A_4, %get3A_5, %get3A_6] : memref<1x4x128xf32, #tpu.memory_space<vmem>>, vector<1x1x128xf32>
    %get3A_8 = vector.shape_cast %get3A_7 : vector<1x1x128xf32> to vector<128xf32>
    %add3A = arith.addf %get3A_3, %get3A_8 : vector<128xf32>
    %rsqrt3A = math.rsqrt %add3A : vector<128xf32>
    %reshape3A = vector.shape_cast %rsqrt3A : vector<128xf32> to vector<1x128xf32>
    %iota3A = tpu.iota {dimensions = array<i32: 0>} : vector<128x128xi32>
    %iota3A_9 = tpu.iota {dimensions = array<i32: 1>} : vector<128x128xi32>
    %eq3A = arith.cmpi eq, %iota3A, %iota3A_9 : vector<128x128xi32>
    %broadcast_in_dim3A = vector.shape_cast %reshape3A : vector<1x128xf32> to vector<1x128xf32>
    %broadcast_in_dim3A_10 = vector.broadcast %broadcast_in_dim3A : vector<1x128xf32> to vector<128x128xf32>
    %jit3A = arith.constant 0.000000e+00 : f32
    %broadcast_in_dim3A_11 = vector.broadcast %jit3A : f32 to vector<128x128xf32>
    %select_n3A = arith.select %eq3A, %broadcast_in_dim3A_10, %broadcast_in_dim3A_11 : vector<128x128xi1>, vector<128x128xf32>
    %get3A_12 = arith.constant 0 : index
    %get3A_13 = arith.constant 0 : index
    %get3A_14 = vector.load %arg1[%get3A_12, %get3A_13] : memref<512x128xf32, #tpu.memory_space<vmem>>, vector<128x128xf32>
    %get3A_15 = arith.constant 0 : index
    %get3A_16 = arith.constant 0 : index
    %get3A_17 = vector.load %arg2[%get3A_15, %get3A_16] : memref<512x128xf32, #tpu.memory_space<vmem>>, vector<128x128xf32>
    %add3A_18 = arith.addf %get3A_14, %get3A_17 : vector<128x128xf32>
    %dot_general3A = arith.constant dense<0.000000e+00> : vector<128x128xf32>
    %dot_general3A_19 = tpu.matmul %select_n3A, %add3A_18, %dot_general3A {dimension_numbers = #tpu.dot_dimension_numbers<[1], [0], [0], [1], [0, 0, 1, 1], [], []>, transpose_lhs_hint = false} : vector<128x128xf32>, vector<128x128xf32>, vector<128x128xf32> -> vector<128x128xf32>
    %get3A_20 = arith.constant 0 : index
    %get3A_21 = arith.constant 0 : index
    %get3A_22 = vector.load %arg5[%get3A_20, %get3A_21] : memref<1x128xf32, #tpu.memory_space<vmem>>, vector<1x128xf32>
    %add3A_23 = vector.broadcast %get3A_22 : vector<1x128xf32> to vector<128x128xf32>
    %add3A_24 = arith.addf %dot_general3A_19, %add3A_23 : vector<128x128xf32>
    %max3A = arith.constant 0.000000e+00 : f32
    %max3A_25 = vector.broadcast %max3A : f32 to vector<128x128xf32>
    %max3A_26 = arith.maximumf %add3A_24, %max3A_25 : vector<128x128xf32>
    %swap3A = arith.constant 0 : index
    %swap3A_27 = arith.constant 0 : index
    %swap3A_28 = vector.load %arg8[%swap3A, %swap3A_27] : memref<512x128xf32, #tpu.memory_space<vmem>>, vector<128x128xf32>
    tpu.vector_store %arg8[%swap3A, %swap3A_27], %max3A_26 {strides = array<i32>} : memref<512x128xf32, #tpu.memory_space<vmem>>, vector<128x128xf32>,
    %get3A_29 = arith.constant 0 : index
    %get3A_30 = arith.constant 1 : index
    %get3A_31 = arith.constant 0 : index
    %get3A_32 = vector.load %arg3[%get3A_29, %get3A_30, %get3A_31] : memref<1x4x128xf32, #tpu.memory_space<vmem>>, vector<1x1x128xf32>
    %get3A_33 = vector.shape_cast %get3A_32 : vector<1x1x128xf32> to vector<128xf32>
    %get3A_34 = arith.constant 0 : index
    %get3A_35 = arith.constant 1 : index
    %get3A_36 = arith.constant 0 : index
    %get3A_37 = vector.load %arg4[%get3A_34, %get3A_35, %get3A_36] : memref<1x4x128xf32, #tpu.memory_space<vmem>>, vector<1x1x128xf32>
    %get3A_38 = vector.shape_cast %get3A_37 : vector<1x1x128xf32> to vector<128xf32>
    %add3A_39 = arith.addf %get3A_33, %get3A_38 : vector<128xf32>
    %rsqrt3A_40 = math.rsqrt %add3A_39 : vector<128xf32>
    %reshape3A_41 = vector.shape_cast %rsqrt3A_40 : vector<128xf32> to vector<1x128xf32>
    %iota3A_42 = tpu.iota {dimensions = array<i32: 0>} : vector<128x128xi32>
    %iota3A_43 = tpu.iota {dimensions = array<i32: 1>} : vector<128x128xi32>
    %eq3A_44 = arith.cmpi eq, %iota3A_42, %iota3A_43 : vector<128x128xi32>
    %broadcast_in_dim3A_45 = vector.shape_cast %reshape3A_41 : vector<1x128xf32> to vector<1x128xf32>
    %broadcast_in_dim3A_46 = vector.broadcast %broadcast_in_dim3A_45 : vector<1x128xf32> to vector<128x128xf32>
    %jit3A_47 = arith.constant 0.000000e+00 : f32
    %broadcast_in_dim3A_48 = vector.broadcast %jit3A_47 : f32 to vector<128x128xf32>
    %select_n3A_49 = arith.select %eq3A_44, %broadcast_in_dim3A_46, %broadcast_in_dim3A_48 : vector<128x128xi1>, vector<128x128xf32>
    %get3A_50 = arith.constant 128 : index
    %get3A_51 = arith.constant 0 : index
    %get3A_52 = vector.load %arg1[%get3A_50, %get3A_51] : memref<512x128xf32, #tpu.memory_space<vmem>>, vector<128x128xf32>
    %get3A_53 = arith.constant 128 : index
    %get3A_54 = arith.constant 0 : index
    %get3A_55 = vector.load %arg2[%get3A_53, %get3A_54] : memref<512x128xf32, #tpu.memory_space<vmem>>, vector<128x128xf32>
    %add3A_56 = arith.addf %get3A_52, %get3A_55 : vector<128x128xf32>
    %dot_general3A_57 = arith.constant dense<0.000000e+00> : vector<128x128xf32>
    %dot_general3A_58 = tpu.matmul %select_n3A_49, %add3A_56, %dot_general3A_57 {dimension_numbers = #tpu.dot_dimension_numbers<[1], [0], [0], [1], [0, 0, 1, 1], [], []>, transpose_lhs_hint = false} : vector<128x128xf32>, vector<128x128xf32>, vector<128x128xf32> -> vector<128x128xf32>
    %get3A_59 = arith.constant 0 : index
    %get3A_60 = arith.constant 0 : index
    %get3A_61 = vector.load %arg5[%get3A_59, %get3A_60] : memref<1x128xf32, #tpu.memory_space<vmem>>, vector<1x128xf32>
    %add3A_62 = vector.broadcast %get3A_61 : vector<1x128xf32> to vector<128x128xf32>
    %add3A_63 = arith.addf %dot_general3A_58, %add3A_62 : vector<128x128xf32>
    %max3A_64 = arith.constant 0.000000e+00 : f32
    %max3A_65 = vector.broadcast %max3A_64 : f32 to vector<128x128xf32>
    %max3A_66 = arith.maximumf %add3A_63, %max3A_65 : vector<128x128xf32>
    %swap3A_67 = arith.constant 128 : index
    %swap3A_68 = arith.constant 0 : index
    %swap3A_69 = vector.load %arg8[%swap3A_67, %swap3A_68] : memref<512x128xf32, #tpu.memory_space<vmem>>, vector<128x128xf32>
    tpu.vector_store %arg8[%swap3A_67, %swap3A_68], %max3A_66 {strides = array<i32>} : memref<512x128xf32, #tpu.memory_space<vmem>>, vector<128x128xf32>,
    %get3A_70 = arith.constant 0 : index
    %get3A_71 = arith.constant 2 : index
    %get3A_72 = arith.constant 0 : index
    %get3A_73 = vector.load %arg3[%get3A_70, %get3A_71, %get3A_72] : memref<1x4x128xf32, #tpu.memory_space<vmem>>, vector<1x1x128xf32>
    %get3A_74 = vector.shape_cast %get3A_73 : vector<1x1x128xf32> to vector<128xf32>
    %get3A_75 = arith.constant 0 : index
    %get3A_76 = arith.constant 2 : index
    %get3A_77 = arith.constant 0 : index
    %get3A_78 = vector.load %arg4[%get3A_75, %get3A_76, %get3A_77] : memref<1x4x128xf32, #tpu.memory_space<vmem>>, vector<1x1x128xf32>
    %get3A_79 = vector.shape_cast %get3A_78 : vector<1x1x128xf32> to vector<128xf32>
    %add3A_80 = arith.addf %get3A_74, %get3A_79 : vector<128xf32>
    %rsqrt3A_81 = math.rsqrt %add3A_80 : vector<128xf32>
    %reshape3A_82 = vector.shape_cast %rsqrt3A_81 : vector<128xf32> to vector<1x128xf32>
    %iota3A_83 = tpu.iota {dimensions = array<i32: 0>} : vector<128x128xi32>
    %iota3A_84 = tpu.iota {dimensions = array<i32: 1>} : vector<128x128xi32>
    %eq3A_85 = arith.cmpi eq, %iota3A_83, %iota3A_84 : vector<128x128xi32>
    %broadcast_in_dim3A_86 = vector.shape_cast %reshape3A_82 : vector<1x128xf32> to vector<1x128xf32>
    %broadcast_in_dim3A_87 = vector.broadcast %broadcast_in_dim3A_86 : vector<1x128xf32> to vector<128x128xf32>
    %jit3A_88 = arith.constant 0.000000e+00 : f32
    %broadcast_in_dim3A_89 = vector.broadcast %jit3A_88 : f32 to vector<128x128xf32>
    %select_n3A_90 = arith.select %eq3A_85, %broadcast_in_dim3A_87, %broadcast_in_dim3A_89 : vector<128x128xi1>, vector<128x128xf32>
    %get3A_91 = arith.constant 256 : index
    %get3A_92 = arith.constant 0 : index
    %get3A_93 = vector.load %arg1[%get3A_91, %get3A_92] : memref<512x128xf32, #tpu.memory_space<vmem>>, vector<128x128xf32>
    %get3A_94 = arith.constant 256 : index
    %get3A_95 = arith.constant 0 : index
    %get3A_96 = vector.load %arg2[%get3A_94, %get3A_95] : memref<512x128xf32, #tpu.memory_space<vmem>>, vector<128x128xf32>
    %add3A_97 = arith.addf %get3A_93, %get3A_96 : vector<128x128xf32>
    %dot_general3A_98 = arith.constant dense<0.000000e+00> : vector<128x128xf32>
    %dot_general3A_99 = tpu.matmul %select_n3A_90, %add3A_97, %dot_general3A_98 {dimension_numbers = #tpu.dot_dimension_numbers<[1], [0], [0], [1], [0, 0, 1, 1], [], []>, transpose_lhs_hint = false} : vector<128x128xf32>, vector<128x128xf32>, vector<128x128xf32> -> vector<128x128xf32>
    %get3A_100 = arith.constant 0 : index
    %get3A_101 = arith.constant 0 : index
    %get3A_102 = vector.load %arg5[%get3A_100, %get3A_101] : memref<1x128xf32, #tpu.memory_space<vmem>>, vector<1x128xf32>
    %add3A_103 = vector.broadcast %get3A_102 : vector<1x128xf32> to vector<128x128xf32>
    %add3A_104 = arith.addf %dot_general3A_99, %add3A_103 : vector<128x128xf32>
    %max3A_105 = arith.constant 0.000000e+00 : f32
    %max3A_106 = vector.broadcast %max3A_105 : f32 to vector<128x128xf32>
    %max3A_107 = arith.maximumf %add3A_104, %max3A_106 : vector<128x128xf32>
    %swap3A_108 = arith.constant 256 : index
    %swap3A_109 = arith.constant 0 : index
    %swap3A_110 = vector.load %arg8[%swap3A_108, %swap3A_109] : memref<512x128xf32, #tpu.memory_space<vmem>>, vector<128x128xf32>
    tpu.vector_store %arg8[%swap3A_108, %swap3A_109], %max3A_107 {strides = array<i32>} : memref<512x128xf32, #tpu.memory_space<vmem>>, vector<128x128xf32>,
    %get3A_111 = arith.constant 0 : index
    %get3A_112 = arith.constant 3 : index
    %get3A_113 = arith.constant 0 : index
    %get3A_114 = vector.load %arg3[%get3A_111, %get3A_112, %get3A_113] : memref<1x4x128xf32, #tpu.memory_space<vmem>>, vector<1x1x128xf32>
    %get3A_115 = vector.shape_cast %get3A_114 : vector<1x1x128xf32> to vector<128xf32>
    %get3A_116 = arith.constant 0 : index
    %get3A_117 = arith.constant 3 : index
    %get3A_118 = arith.constant 0 : index
    %get3A_119 = vector.load %arg4[%get3A_116, %get3A_117, %get3A_118] : memref<1x4x128xf32, #tpu.memory_space<vmem>>, vector<1x1x128xf32>
    %get3A_120 = vector.shape_cast %get3A_119 : vector<1x1x128xf32> to vector<128xf32>
    %add3A_121 = arith.addf %get3A_115, %get3A_120 : vector<128xf32>
    %rsqrt3A_122 = math.rsqrt %add3A_121 : vector<128xf32>
    %reshape3A_123 = vector.shape_cast %rsqrt3A_122 : vector<128xf32> to vector<1x128xf32>
    %iota3A_124 = tpu.iota {dimensions = array<i32: 0>} : vector<128x128xi32>
    %iota3A_125 = tpu.iota {dimensions = array<i32: 1>} : vector<128x128xi32>
    %eq3A_126 = arith.cmpi eq, %iota3A_124, %iota3A_125 : vector<128x128xi32>
    %broadcast_in_dim3A_127 = vector.shape_cast %reshape3A_123 : vector<1x128xf32> to vector<1x128xf32>
    %broadcast_in_dim3A_128 = vector.broadcast %broadcast_in_dim3A_127 : vector<1x128xf32> to vector<128x128xf32>
    %jit3A_129 = arith.constant 0.000000e+00 : f32
    %broadcast_in_dim3A_130 = vector.broadcast %jit3A_129 : f32 to vector<128x128xf32>
    %select_n3A_131 = arith.select %eq3A_126, %broadcast_in_dim3A_128, %broadcast_in_dim3A_130 : vector<128x128xi1>, vector<128x128xf32>
    %get3A_132 = arith.constant 384 : index
    %get3A_133 = arith.constant 0 : index
    %get3A_134 = vector.load %arg1[%get3A_132, %get3A_133] : memref<512x128xf32, #tpu.memory_space<vmem>>, vector<128x128xf32>
    %get3A_135 = arith.constant 384 : index
    %get3A_136 = arith.constant 0 : index
    %get3A_137 = vector.load %arg2[%get3A_135, %get3A_136] : memref<512x128xf32, #tpu.memory_space<vmem>>, vector<128x128xf32>
    %add3A_138 = arith.addf %get3A_134, %get3A_137 : vector<128x128xf32>
    %dot_general3A_139 = arith.constant dense<0.000000e+00> : vector<128x128xf32>
    %dot_general3A_140 = tpu.matmul %select_n3A_131, %add3A_138, %dot_general3A_139 {dimension_numbers = #tpu.dot_dimension_numbers<[1], [0], [0], [1], [0, 0, 1, 1], [], []>, transpose_lhs_hint = false} : vector<128x128xf32>, vector<128x128xf32>, vector<128x128xf32> -> vector<128x128xf32>
    %get3A_141 = arith.constant 0 : index
    %get3A_142 = arith.constant 0 : index
    %get3A_143 = vector.load %arg5[%get3A_141, %get3A_142] : memref<1x128xf32, #tpu.memory_space<vmem>>, vector<1x128xf32>
    %add3A_144 = vector.broadcast %get3A_143 : vector<1x128xf32> to vector<128x128xf32>
    %add3A_145 = arith.addf %dot_general3A_140, %add3A_144 : vector<128x128xf32>
    %max3A_146 = arith.constant 0.000000e+00 : f32
    %max3A_147 = vector.broadcast %max3A_146 : f32 to vector<128x128xf32>
    %max3A_148 = arith.maximumf %add3A_145, %max3A_147 : vector<128x128xf32>
    %swap3A_149 = arith.constant 384 : index
    %swap3A_150 = arith.constant 0 : index
    %swap3A_151 = vector.load %arg8[%swap3A_149, %swap3A_150] : memref<512x128xf32, #tpu.memory_space<vmem>>, vector<128x128xf32>
    tpu.vector_store %arg8[%swap3A_149, %swap3A_150], %max3A_148 {strides = array<i32>} : memref<512x128xf32, #tpu.memory_space<vmem>>, vector<128x128xf32>,
    %get3A_152 = arith.constant 0 : index
    %get3A_153 = arith.constant 0 : index
    %get3A_154 = vector.load %arg8[%get3A_152, %get3A_153] : memref<512x128xf32, #tpu.memory_space<vmem>>, vector<512x128xf32>
    %get3A_155 = arith.constant 0 : index
    %get3A_156 = arith.constant 0 : index
    %get3A_157 = vector.load %arg6[%get3A_155, %get3A_156] : memref<128x128xf32, #tpu.memory_space<vmem>>, vector<128x128xf32>
    %dot_general3A_158 = arith.constant dense<0.000000e+00> : vector<512x128xf32>
    %dot_general3A_159 = tpu.matmul %get3A_154, %get3A_157, %dot_general3A_158 {dimension_numbers = #tpu.dot_dimension_numbers<[1], [0], [0], [1], [0, 0, 1, 1], [], []>, transpose_lhs_hint = false} : vector<512x128xf32>, vector<128x128xf32>, vector<512x128xf32> -> vector<512x128xf32>
    %get3A_160 = arith.constant 0 : index
    %get3A_161 = arith.constant 0 : index
    %get3A_162 = arith.constant 0 : index
    %get3A_163 = vector.load %arg3[%get3A_160, %get3A_161, %get3A_162] : memref<1x4x128xf32, #tpu.memory_space<vmem>>, vector<1x1x128xf32>
    %get3A_164 = vector.shape_cast %get3A_163 : vector<1x1x128xf32> to vector<128xf32>
    %get3A_165 = arith.constant 0 : index
    %get3A_166 = arith.constant 0 : index
    %get3A_167 = arith.constant 0 : index
    %get3A_168 = vector.load %arg4[%get3A_165, %get3A_166, %get3A_167] : memref<1x4x128xf32, #tpu.memory_space<vmem>>, vector<1x1x128xf32>
    %get3A_169 = vector.shape_cast %get3A_168 : vector<1x1x128xf32> to vector<128xf32>
    %add3A_170 = arith.addf %get3A_164, %get3A_169 : vector<128xf32>
    %rsqrt3A_171 = math.rsqrt %add3A_170 : vector<128xf32>
    %reshape3A_172 = vector.shape_cast %rsqrt3A_171 : vector<128xf32> to vector<1x128xf32>
    %iota3A_173 = tpu.iota {dimensions = array<i32: 0>} : vector<128x128xi32>
    %iota3A_174 = tpu.iota {dimensions = array<i32: 1>} : vector<128x128xi32>
    %eq3A_175 = arith.cmpi eq, %iota3A_173, %iota3A_174 : vector<128x128xi32>
    %broadcast_in_dim3A_176 = vector.shape_cast %reshape3A_172 : vector<1x128xf32> to vector<1x128xf32>
    %broadcast_in_dim3A_177 = vector.broadcast %broadcast_in_dim3A_176 : vector<1x128xf32> to vector<128x128xf32>
    %jit3A_178 = arith.constant 0.000000e+00 : f32
    %broadcast_in_dim3A_179 = vector.broadcast %jit3A_178 : f32 to vector<128x128xf32>
    %select_n3A_180 = arith.select %eq3A_175, %broadcast_in_dim3A_177, %broadcast_in_dim3A_179 : vector<128x128xi1>, vector<128x128xf32>
    %slice3A = vector.extract_strided_slice %dot_general3A_159 {offsets = [0, 0], sizes = [128, 128], strides = [1, 1]} : vector<512x128xf32> to vector<128x128xf32>
    %dot_general3A_181 = arith.constant dense<0.000000e+00> : vector<128x128xf32>
    %dot_general3A_182 = tpu.matmul %select_n3A_180, %slice3A, %dot_general3A_181 {dimension_numbers = #tpu.dot_dimension_numbers<[1], [0], [0], [1], [0, 0, 1, 1], [], []>, transpose_lhs_hint = false} : vector<128x128xf32>, vector<128x128xf32>, vector<128x128xf32> -> vector<128x128xf32>
    %swap3A_183 = arith.constant 0 : index
    %swap3A_184 = arith.constant 0 : index
    %swap3A_185 = vector.load %arg7[%swap3A_183, %swap3A_184] : memref<512x128xf32, #tpu.memory_space<vmem>>, vector<128x128xf32>
    tpu.vector_store %arg7[%swap3A_183, %swap3A_184], %dot_general3A_182 {strides = array<i32>} : memref<512x128xf32, #tpu.memory_space<vmem>>, vector<128x128xf32>,
    %get3A_186 = arith.constant 0 : index
    %get3A_187 = arith.constant 1 : index
    %get3A_188 = arith.constant 0 : index
    %get3A_189 = vector.load %arg3[%get3A_186, %get3A_187, %get3A_188] : memref<1x4x128xf32, #tpu.memory_space<vmem>>, vector<1x1x128xf32>
    %get3A_190 = vector.shape_cast %get3A_189 : vector<1x1x128xf32> to vector<128xf32>
    %get3A_191 = arith.constant 0 : index
    %get3A_192 = arith.constant 1 : index
    %get3A_193 = arith.constant 0 : index
    %get3A_194 = vector.load %arg4[%get3A_191, %get3A_192, %get3A_193] : memref<1x4x128xf32, #tpu.memory_space<vmem>>, vector<1x1x128xf32>
    %get3A_195 = vector.shape_cast %get3A_194 : vector<1x1x128xf32> to vector<128xf32>
    %add3A_196 = arith.addf %get3A_190, %get3A_195 : vector<128xf32>
    %rsqrt3A_197 = math.rsqrt %add3A_196 : vector<128xf32>
    %reshape3A_198 = vector.shape_cast %rsqrt3A_197 : vector<128xf32> to vector<1x128xf32>
    %iota3A_199 = tpu.iota {dimensions = array<i32: 0>} : vector<128x128xi32>
    %iota3A_200 = tpu.iota {dimensions = array<i32: 1>} : vector<128x128xi32>
    %eq3A_201 = arith.cmpi eq, %iota3A_199, %iota3A_200 : vector<128x128xi32>
    %broadcast_in_dim3A_202 = vector.shape_cast %reshape3A_198 : vector<1x128xf32> to vector<1x128xf32>
    %broadcast_in_dim3A_203 = vector.broadcast %broadcast_in_dim3A_202 : vector<1x128xf32> to vector<128x128xf32>
    %jit3A_204 = arith.constant 0.000000e+00 : f32
    %broadcast_in_dim3A_205 = vector.broadcast %jit3A_204 : f32 to vector<128x128xf32>
    %select_n3A_206 = arith.select %eq3A_201, %broadcast_in_dim3A_203, %broadcast_in_dim3A_205 : vector<128x128xi1>, vector<128x128xf32>
    %slice3A_207 = vector.extract_strided_slice %dot_general3A_159 {offsets = [128, 0], sizes = [128, 128], strides = [1, 1]} : vector<512x128xf32> to vector<128x128xf32>
    %dot_general3A_208 = arith.constant dense<0.000000e+00> : vector<128x128xf32>
    %dot_general3A_209 = tpu.matmul %select_n3A_206, %slice3A_207, %dot_general3A_208 {dimension_numbers = #tpu.dot_dimension_numbers<[1], [0], [0], [1], [0, 0, 1, 1], [], []>, transpose_lhs_hint = false} : vector<128x128xf32>, vector<128x128xf32>, vector<128x128xf32> -> vector<128x128xf32>
    %swap3A_210 = arith.constant 128 : index
    %swap3A_211 = arith.constant 0 : index
    %swap3A_212 = vector.load %arg7[%swap3A_210, %swap3A_211] : memref<512x128xf32, #tpu.memory_space<vmem>>, vector<128x128xf32>
    tpu.vector_store %arg7[%swap3A_210, %swap3A_211], %dot_general3A_209 {strides = array<i32>} : memref<512x128xf32, #tpu.memory_space<vmem>>, vector<128x128xf32>,
    %get3A_213 = arith.constant 0 : index
    %get3A_214 = arith.constant 2 : index
    %get3A_215 = arith.constant 0 : index
    %get3A_216 = vector.load %arg3[%get3A_213, %get3A_214, %get3A_215] : memref<1x4x128xf32, #tpu.memory_space<vmem>>, vector<1x1x128xf32>
    %get3A_217 = vector.shape_cast %get3A_216 : vector<1x1x128xf32> to vector<128xf32>
    %get3A_218 = arith.constant 0 : index
    %get3A_219 = arith.constant 2 : index
    %get3A_220 = arith.constant 0 : index
    %get3A_221 = vector.load %arg4[%get3A_218, %get3A_219, %get3A_220] : memref<1x4x128xf32, #tpu.memory_space<vmem>>, vector<1x1x128xf32>
    %get3A_222 = vector.shape_cast %get3A_221 : vector<1x1x128xf32> to vector<128xf32>
    %add3A_223 = arith.addf %get3A_217, %get3A_222 : vector<128xf32>
    %rsqrt3A_224 = math.rsqrt %add3A_223 : vector<128xf32>
    %reshape3A_225 = vector.shape_cast %rsqrt3A_224 : vector<128xf32> to vector<1x128xf32>
    %iota3A_226 = tpu.iota {dimensions = array<i32: 0>} : vector<128x128xi32>
    %iota3A_227 = tpu.iota {dimensions = array<i32: 1>} : vector<128x128xi32>
    %eq3A_228 = arith.cmpi eq, %iota3A_226, %iota3A_227 : vector<128x128xi32>
    %broadcast_in_dim3A_229 = vector.shape_cast %reshape3A_225 : vector<1x128xf32> to vector<1x128xf32>
    %broadcast_in_dim3A_230 = vector.broadcast %broadcast_in_dim3A_229 : vector<1x128xf32> to vector<128x128xf32>
    %jit3A_231 = arith.constant 0.000000e+00 : f32
    %broadcast_in_dim3A_232 = vector.broadcast %jit3A_231 : f32 to vector<128x128xf32>
    %select_n3A_233 = arith.select %eq3A_228, %broadcast_in_dim3A_230, %broadcast_in_dim3A_232 : vector<128x128xi1>, vector<128x128xf32>
    %slice3A_234 = vector.extract_strided_slice %dot_general3A_159 {offsets = [256, 0], sizes = [128, 128], strides = [1, 1]} : vector<512x128xf32> to vector<128x128xf32>
    %dot_general3A_235 = arith.constant dense<0.000000e+00> : vector<128x128xf32>
    %dot_general3A_236 = tpu.matmul %select_n3A_233, %slice3A_234, %dot_general3A_235 {dimension_numbers = #tpu.dot_dimension_numbers<[1], [0], [0], [1], [0, 0, 1, 1], [], []>, transpose_lhs_hint = false} : vector<128x128xf32>, vector<128x128xf32>, vector<128x128xf32> -> vector<128x128xf32>
    %swap3A_237 = arith.constant 256 : index
    %swap3A_238 = arith.constant 0 : index
    %swap3A_239 = vector.load %arg7[%swap3A_237, %swap3A_238] : memref<512x128xf32, #tpu.memory_space<vmem>>, vector<128x128xf32>
    tpu.vector_store %arg7[%swap3A_237, %swap3A_238], %dot_general3A_236 {strides = array<i32>} : memref<512x128xf32, #tpu.memory_space<vmem>>, vector<128x128xf32>,
    %get3A_240 = arith.constant 0 : index
    %get3A_241 = arith.constant 3 : index
    %get3A_242 = arith.constant 0 : index
    %get3A_243 = vector.load %arg3[%get3A_240, %get3A_241, %get3A_242] : memref<1x4x128xf32, #tpu.memory_space<vmem>>, vector<1x1x128xf32>
    %get3A_244 = vector.shape_cast %get3A_243 : vector<1x1x128xf32> to vector<128xf32>
    %get3A_245 = arith.constant 0 : index
    %get3A_246 = arith.constant 3 : index
    %get3A_247 = arith.constant 0 : index
    %get3A_248 = vector.load %arg4[%get3A_245, %get3A_246, %get3A_247] : memref<1x4x128xf32, #tpu.memory_space<vmem>>, vector<1x1x128xf32>
    %get3A_249 = vector.shape_cast %get3A_248 : vector<1x1x128xf32> to vector<128xf32>
    %add3A_250 = arith.addf %get3A_244, %get3A_249 : vector<128xf32>
    %rsqrt3A_251 = math.rsqrt %add3A_250 : vector<128xf32>
    %reshape3A_252 = vector.shape_cast %rsqrt3A_251 : vector<128xf32> to vector<1x128xf32>
    %iota3A_253 = tpu.iota {dimensions = array<i32: 0>} : vector<128x128xi32>
    %iota3A_254 = tpu.iota {dimensions = array<i32: 1>} : vector<128x128xi32>
    %eq3A_255 = arith.cmpi eq, %iota3A_253, %iota3A_254 : vector<128x128xi32>
    %broadcast_in_dim3A_256 = vector.shape_cast %reshape3A_252 : vector<1x128xf32> to vector<1x128xf32>
    %broadcast_in_dim3A_257 = vector.broadcast %broadcast_in_dim3A_256 : vector<1x128xf32> to vector<128x128xf32>
    %jit3A_258 = arith.constant 0.000000e+00 : f32
    %broadcast_in_dim3A_259 = vector.broadcast %jit3A_258 : f32 to vector<128x128xf32>
    %select_n3A_260 = arith.select %eq3A_255, %broadcast_in_dim3A_257, %broadcast_in_dim3A_259 : vector<128x128xi1>, vector<128x128xf32>
    %slice3A_261 = vector.extract_strided_slice %dot_general3A_159 {offsets = [384, 0], sizes = [128, 128], strides = [1, 1]} : vector<512x128xf32> to vector<128x128xf32>
    %dot_general3A_262 = arith.constant dense<0.000000e+00> : vector<128x128xf32>
    %dot_general3A_263 = tpu.matmul %select_n3A_260, %slice3A_261, %dot_general3A_262 {dimension_numbers = #tpu.dot_dimension_numbers<[1], [0], [0], [1], [0, 0, 1, 1], [], []>, transpose_lhs_hint = false} : vector<128x128xf32>, vector<128x128xf32>, vector<128x128xf32> -> vector<128x128xf32>
    %swap3A_264 = arith.constant 384 : index
    %swap3A_265 = arith.constant 0 : index
    %swap3A_266 = vector.load %arg7[%swap3A_264, %swap3A_265] : memref<512x128xf32, #tpu.memory_space<vmem>>, vector<128x128xf32>
    tpu.vector_store %arg7[%swap3A_264, %swap3A_265], %dot_general3A_263 {strides = array<i32>} : memref<512x128xf32, #tpu.memory_space<vmem>>, vector<128x128xf32>,
    return
  }
  func.func @transform_0(%arg0: i32) -> (i32, i32) {
    %c0_i32 = arith.constant 0 : i32
    %c0_i32_0 = arith.constant 0 : i32
    return %arg0, %c0_i32 : i32, i32
  }
  func.func @transform_1(%arg0: i32) -> (i32, i32) {
    %c0_i32 = arith.constant 0 : i32
    %c0_i32_0 = arith.constant 0 : i32
    return %arg0, %c0_i32 : i32, i32
  }
  func.func @transform_2(%arg0: i32) -> (i32, i32, i32) {
    %c0_i32 = arith.constant 0 : i32
    %c0_i32_0 = arith.constant 0 : i32
    %c0_i32_1 = arith.constant 0 : i32
    return %arg0, %c0_i32, %c0_i32_0 : i32, i32, i32
  }
  func.func @transform_3(%arg0: i32) -> (i32, i32, i32) {
    %c0_i32 = arith.constant 0 : i32
    %c0_i32_0 = arith.constant 0 : i32
    %c0_i32_1 = arith.constant 0 : i32
    return %arg0, %c0_i32, %c0_i32_0 : i32, i32, i32
  }
  func.func @transform_4(%arg0: i32) -> (i32, i32) {
    %c0_i32 = arith.constant 0 : i32
    %c0_i32_0 = arith.constant 0 : i32
    %c0_i32_1 = arith.constant 0 : i32
    return %c0_i32, %c0_i32_0 : i32, i32
  }
  func.func @transform_5(%arg0: i32) -> (i32, i32) {
    %c0_i32 = arith.constant 0 : i32
    %c0_i32_0 = arith.constant 0 : i32
    %c0_i32_1 = arith.constant 0 : i32
    return %c0_i32, %c0_i32_0 : i32, i32
  }
  func.func @transform_6(%arg0: i32) -> (i32, i32) {
    %c0_i32 = arith.constant 0 : i32
    %c0_i32_0 = arith.constant 0 : i32
    return %arg0, %c0_i32 : i32, i32
  }
}

module attributes {stable_mosaic.version = 14 : i64} {
  func.func @_tc3_body(%arg0: i32, %arg1: memref<512x128xf32, #tpu.memory_space<vmem>>, %arg2: memref<512x128xf32, #tpu.memory_space<vmem>>, %arg3: memref<1x4x128xf32, #tpu.memory_space<vmem>>, %arg4: memref<1x4x128xf32, #tpu.memory_space<vmem>>, %arg5: memref<1x128xf32, #tpu.memory_space<vmem>>, %arg6: memref<512x128xf32, #tpu.memory_space<vmem>>) attributes {dimension_semantics = [#tpu.dimension_semantics<arbitrary>], iteration_bounds = array<i64: 20>, scalar_prefetch = 0 : i64, scratch_operands = 0 : i64, tpu.core_type = #tpu.core_type<tc>, window_params = [{transform_indices = @transform_0, window_bounds = array<i64: 512, 128>}, {transform_indices = @transform_1, window_bounds = array<i64: 512, 128>}, {transform_indices = @transform_2, window_bounds = array<i64: 1, 4, 128>}, {transform_indices = @transform_3, window_bounds = array<i64: 1, 4, 128>}, {pipeline_mode = #tpu.pipeline_mode<synchronous>, transform_indices = @transform_4, window_bounds = array<i64: 1, 128>}, {transform_indices = @transform_5, window_bounds = array<i64: 512, 128>}]} {
    %get3A = arith.constant 0 : index
    %get3A_0 = arith.constant 0 : index
    %get3A_1 = arith.constant 0 : index
    %get3A_2 = vector.load %arg3[%get3A, %get3A_0, %get3A_1] : memref<1x4x128xf32, #tpu.memory_space<vmem>>, vector<1x1x128xf32>
    %get3A_3 = vector.shape_cast %get3A_2 : vector<1x1x128xf32> to vector<128xf32>
    %get3A_4 = arith.constant 0 : index
    %get3A_5 = arith.constant 0 : index
    %get3A_6 = arith.constant 0 : index
    %get3A_7 = vector.load %arg4[%get3A_4, %get3A_5, %get3A_6] : memref<1x4x128xf32, #tpu.memory_space<vmem>>, vector<1x1x128xf32>
    %get3A_8 = vector.shape_cast %get3A_7 : vector<1x1x128xf32> to vector<128xf32>
    %add3A = arith.addf %get3A_3, %get3A_8 : vector<128xf32>
    %rsqrt3A = math.rsqrt %add3A : vector<128xf32>
    %reshape3A = vector.shape_cast %rsqrt3A : vector<128xf32> to vector<1x128xf32>
    %iota3A = tpu.iota {dimensions = array<i32: 0>} : vector<128x128xi32>
    %iota3A_9 = tpu.iota {dimensions = array<i32: 1>} : vector<128x128xi32>
    %eq3A = arith.cmpi eq, %iota3A, %iota3A_9 : vector<128x128xi32>
    %broadcast_in_dim3A = vector.shape_cast %reshape3A : vector<1x128xf32> to vector<1x128xf32>
    %broadcast_in_dim3A_10 = vector.broadcast %broadcast_in_dim3A : vector<1x128xf32> to vector<128x128xf32>
    %jit3A = arith.constant 0.000000e+00 : f32
    %broadcast_in_dim3A_11 = vector.broadcast %jit3A : f32 to vector<128x128xf32>
    %select_n3A = arith.select %eq3A, %broadcast_in_dim3A_10, %broadcast_in_dim3A_11 : vector<128x128xi1>, vector<128x128xf32>
    %get3A_12 = arith.constant 0 : index
    %get3A_13 = arith.constant 0 : index
    %get3A_14 = vector.load %arg1[%get3A_12, %get3A_13] : memref<512x128xf32, #tpu.memory_space<vmem>>, vector<128x128xf32>
    %get3A_15 = arith.constant 0 : index
    %get3A_16 = arith.constant 0 : index
    %get3A_17 = vector.load %arg2[%get3A_15, %get3A_16] : memref<512x128xf32, #tpu.memory_space<vmem>>, vector<128x128xf32>
    %add3A_18 = arith.addf %get3A_14, %get3A_17 : vector<128x128xf32>
    %dot_general3A = arith.constant dense<0.000000e+00> : vector<128x128xf32>
    %dot_general3A_19 = tpu.matmul %select_n3A, %add3A_18, %dot_general3A {dimension_numbers = #tpu.dot_dimension_numbers<[1], [0], [0], [1], [0, 0, 1, 1], [], []>, transpose_lhs_hint = false} : vector<128x128xf32>, vector<128x128xf32>, vector<128x128xf32> -> vector<128x128xf32>
    %get3A_20 = arith.constant 0 : index
    %get3A_21 = arith.constant 0 : index
    %get3A_22 = vector.load %arg5[%get3A_20, %get3A_21] : memref<1x128xf32, #tpu.memory_space<vmem>>, vector<1x128xf32>
    %add3A_23 = vector.broadcast %get3A_22 : vector<1x128xf32> to vector<128x128xf32>
    %add3A_24 = arith.addf %dot_general3A_19, %add3A_23 : vector<128x128xf32>
    %swap3A = arith.constant 0 : index
    %swap3A_25 = arith.constant 0 : index
    %swap3A_26 = vector.load %arg6[%swap3A, %swap3A_25] : memref<512x128xf32, #tpu.memory_space<vmem>>, vector<128x128xf32>
    tpu.vector_store %arg6[%swap3A, %swap3A_25], %add3A_24 {strides = array<i32>} : memref<512x128xf32, #tpu.memory_space<vmem>>, vector<128x128xf32>,
    %get3A_27 = arith.constant 0 : index
    %get3A_28 = arith.constant 1 : index
    %get3A_29 = arith.constant 0 : index
    %get3A_30 = vector.load %arg3[%get3A_27, %get3A_28, %get3A_29] : memref<1x4x128xf32, #tpu.memory_space<vmem>>, vector<1x1x128xf32>
    %get3A_31 = vector.shape_cast %get3A_30 : vector<1x1x128xf32> to vector<128xf32>
    %get3A_32 = arith.constant 0 : index
    %get3A_33 = arith.constant 1 : index
    %get3A_34 = arith.constant 0 : index
    %get3A_35 = vector.load %arg4[%get3A_32, %get3A_33, %get3A_34] : memref<1x4x128xf32, #tpu.memory_space<vmem>>, vector<1x1x128xf32>
    %get3A_36 = vector.shape_cast %get3A_35 : vector<1x1x128xf32> to vector<128xf32>
    %add3A_37 = arith.addf %get3A_31, %get3A_36 : vector<128xf32>
    %rsqrt3A_38 = math.rsqrt %add3A_37 : vector<128xf32>
    %reshape3A_39 = vector.shape_cast %rsqrt3A_38 : vector<128xf32> to vector<1x128xf32>
    %iota3A_40 = tpu.iota {dimensions = array<i32: 0>} : vector<128x128xi32>
    %iota3A_41 = tpu.iota {dimensions = array<i32: 1>} : vector<128x128xi32>
    %eq3A_42 = arith.cmpi eq, %iota3A_40, %iota3A_41 : vector<128x128xi32>
    %broadcast_in_dim3A_43 = vector.shape_cast %reshape3A_39 : vector<1x128xf32> to vector<1x128xf32>
    %broadcast_in_dim3A_44 = vector.broadcast %broadcast_in_dim3A_43 : vector<1x128xf32> to vector<128x128xf32>
    %jit3A_45 = arith.constant 0.000000e+00 : f32
    %broadcast_in_dim3A_46 = vector.broadcast %jit3A_45 : f32 to vector<128x128xf32>
    %select_n3A_47 = arith.select %eq3A_42, %broadcast_in_dim3A_44, %broadcast_in_dim3A_46 : vector<128x128xi1>, vector<128x128xf32>
    %get3A_48 = arith.constant 128 : index
    %get3A_49 = arith.constant 0 : index
    %get3A_50 = vector.load %arg1[%get3A_48, %get3A_49] : memref<512x128xf32, #tpu.memory_space<vmem>>, vector<128x128xf32>
    %get3A_51 = arith.constant 128 : index
    %get3A_52 = arith.constant 0 : index
    %get3A_53 = vector.load %arg2[%get3A_51, %get3A_52] : memref<512x128xf32, #tpu.memory_space<vmem>>, vector<128x128xf32>
    %add3A_54 = arith.addf %get3A_50, %get3A_53 : vector<128x128xf32>
    %dot_general3A_55 = arith.constant dense<0.000000e+00> : vector<128x128xf32>
    %dot_general3A_56 = tpu.matmul %select_n3A_47, %add3A_54, %dot_general3A_55 {dimension_numbers = #tpu.dot_dimension_numbers<[1], [0], [0], [1], [0, 0, 1, 1], [], []>, transpose_lhs_hint = false} : vector<128x128xf32>, vector<128x128xf32>, vector<128x128xf32> -> vector<128x128xf32>
    %get3A_57 = arith.constant 0 : index
    %get3A_58 = arith.constant 0 : index
    %get3A_59 = vector.load %arg5[%get3A_57, %get3A_58] : memref<1x128xf32, #tpu.memory_space<vmem>>, vector<1x128xf32>
    %add3A_60 = vector.broadcast %get3A_59 : vector<1x128xf32> to vector<128x128xf32>
    %add3A_61 = arith.addf %dot_general3A_56, %add3A_60 : vector<128x128xf32>
    %swap3A_62 = arith.constant 128 : index
    %swap3A_63 = arith.constant 0 : index
    %swap3A_64 = vector.load %arg6[%swap3A_62, %swap3A_63] : memref<512x128xf32, #tpu.memory_space<vmem>>, vector<128x128xf32>
    tpu.vector_store %arg6[%swap3A_62, %swap3A_63], %add3A_61 {strides = array<i32>} : memref<512x128xf32, #tpu.memory_space<vmem>>, vector<128x128xf32>,
    %get3A_65 = arith.constant 0 : index
    %get3A_66 = arith.constant 2 : index
    %get3A_67 = arith.constant 0 : index
    %get3A_68 = vector.load %arg3[%get3A_65, %get3A_66, %get3A_67] : memref<1x4x128xf32, #tpu.memory_space<vmem>>, vector<1x1x128xf32>
    %get3A_69 = vector.shape_cast %get3A_68 : vector<1x1x128xf32> to vector<128xf32>
    %get3A_70 = arith.constant 0 : index
    %get3A_71 = arith.constant 2 : index
    %get3A_72 = arith.constant 0 : index
    %get3A_73 = vector.load %arg4[%get3A_70, %get3A_71, %get3A_72] : memref<1x4x128xf32, #tpu.memory_space<vmem>>, vector<1x1x128xf32>
    %get3A_74 = vector.shape_cast %get3A_73 : vector<1x1x128xf32> to vector<128xf32>
    %add3A_75 = arith.addf %get3A_69, %get3A_74 : vector<128xf32>
    %rsqrt3A_76 = math.rsqrt %add3A_75 : vector<128xf32>
    %reshape3A_77 = vector.shape_cast %rsqrt3A_76 : vector<128xf32> to vector<1x128xf32>
    %iota3A_78 = tpu.iota {dimensions = array<i32: 0>} : vector<128x128xi32>
    %iota3A_79 = tpu.iota {dimensions = array<i32: 1>} : vector<128x128xi32>
    %eq3A_80 = arith.cmpi eq, %iota3A_78, %iota3A_79 : vector<128x128xi32>
    %broadcast_in_dim3A_81 = vector.shape_cast %reshape3A_77 : vector<1x128xf32> to vector<1x128xf32>
    %broadcast_in_dim3A_82 = vector.broadcast %broadcast_in_dim3A_81 : vector<1x128xf32> to vector<128x128xf32>
    %jit3A_83 = arith.constant 0.000000e+00 : f32
    %broadcast_in_dim3A_84 = vector.broadcast %jit3A_83 : f32 to vector<128x128xf32>
    %select_n3A_85 = arith.select %eq3A_80, %broadcast_in_dim3A_82, %broadcast_in_dim3A_84 : vector<128x128xi1>, vector<128x128xf32>
    %get3A_86 = arith.constant 256 : index
    %get3A_87 = arith.constant 0 : index
    %get3A_88 = vector.load %arg1[%get3A_86, %get3A_87] : memref<512x128xf32, #tpu.memory_space<vmem>>, vector<128x128xf32>
    %get3A_89 = arith.constant 256 : index
    %get3A_90 = arith.constant 0 : index
    %get3A_91 = vector.load %arg2[%get3A_89, %get3A_90] : memref<512x128xf32, #tpu.memory_space<vmem>>, vector<128x128xf32>
    %add3A_92 = arith.addf %get3A_88, %get3A_91 : vector<128x128xf32>
    %dot_general3A_93 = arith.constant dense<0.000000e+00> : vector<128x128xf32>
    %dot_general3A_94 = tpu.matmul %select_n3A_85, %add3A_92, %dot_general3A_93 {dimension_numbers = #tpu.dot_dimension_numbers<[1], [0], [0], [1], [0, 0, 1, 1], [], []>, transpose_lhs_hint = false} : vector<128x128xf32>, vector<128x128xf32>, vector<128x128xf32> -> vector<128x128xf32>
    %get3A_95 = arith.constant 0 : index
    %get3A_96 = arith.constant 0 : index
    %get3A_97 = vector.load %arg5[%get3A_95, %get3A_96] : memref<1x128xf32, #tpu.memory_space<vmem>>, vector<1x128xf32>
    %add3A_98 = vector.broadcast %get3A_97 : vector<1x128xf32> to vector<128x128xf32>
    %add3A_99 = arith.addf %dot_general3A_94, %add3A_98 : vector<128x128xf32>
    %swap3A_100 = arith.constant 256 : index
    %swap3A_101 = arith.constant 0 : index
    %swap3A_102 = vector.load %arg6[%swap3A_100, %swap3A_101] : memref<512x128xf32, #tpu.memory_space<vmem>>, vector<128x128xf32>
    tpu.vector_store %arg6[%swap3A_100, %swap3A_101], %add3A_99 {strides = array<i32>} : memref<512x128xf32, #tpu.memory_space<vmem>>, vector<128x128xf32>,
    %get3A_103 = arith.constant 0 : index
    %get3A_104 = arith.constant 3 : index
    %get3A_105 = arith.constant 0 : index
    %get3A_106 = vector.load %arg3[%get3A_103, %get3A_104, %get3A_105] : memref<1x4x128xf32, #tpu.memory_space<vmem>>, vector<1x1x128xf32>
    %get3A_107 = vector.shape_cast %get3A_106 : vector<1x1x128xf32> to vector<128xf32>
    %get3A_108 = arith.constant 0 : index
    %get3A_109 = arith.constant 3 : index
    %get3A_110 = arith.constant 0 : index
    %get3A_111 = vector.load %arg4[%get3A_108, %get3A_109, %get3A_110] : memref<1x4x128xf32, #tpu.memory_space<vmem>>, vector<1x1x128xf32>
    %get3A_112 = vector.shape_cast %get3A_111 : vector<1x1x128xf32> to vector<128xf32>
    %add3A_113 = arith.addf %get3A_107, %get3A_112 : vector<128xf32>
    %rsqrt3A_114 = math.rsqrt %add3A_113 : vector<128xf32>
    %reshape3A_115 = vector.shape_cast %rsqrt3A_114 : vector<128xf32> to vector<1x128xf32>
    %iota3A_116 = tpu.iota {dimensions = array<i32: 0>} : vector<128x128xi32>
    %iota3A_117 = tpu.iota {dimensions = array<i32: 1>} : vector<128x128xi32>
    %eq3A_118 = arith.cmpi eq, %iota3A_116, %iota3A_117 : vector<128x128xi32>
    %broadcast_in_dim3A_119 = vector.shape_cast %reshape3A_115 : vector<1x128xf32> to vector<1x128xf32>
    %broadcast_in_dim3A_120 = vector.broadcast %broadcast_in_dim3A_119 : vector<1x128xf32> to vector<128x128xf32>
    %jit3A_121 = arith.constant 0.000000e+00 : f32
    %broadcast_in_dim3A_122 = vector.broadcast %jit3A_121 : f32 to vector<128x128xf32>
    %select_n3A_123 = arith.select %eq3A_118, %broadcast_in_dim3A_120, %broadcast_in_dim3A_122 : vector<128x128xi1>, vector<128x128xf32>
    %get3A_124 = arith.constant 384 : index
    %get3A_125 = arith.constant 0 : index
    %get3A_126 = vector.load %arg1[%get3A_124, %get3A_125] : memref<512x128xf32, #tpu.memory_space<vmem>>, vector<128x128xf32>
    %get3A_127 = arith.constant 384 : index
    %get3A_128 = arith.constant 0 : index
    %get3A_129 = vector.load %arg2[%get3A_127, %get3A_128] : memref<512x128xf32, #tpu.memory_space<vmem>>, vector<128x128xf32>
    %add3A_130 = arith.addf %get3A_126, %get3A_129 : vector<128x128xf32>
    %dot_general3A_131 = arith.constant dense<0.000000e+00> : vector<128x128xf32>
    %dot_general3A_132 = tpu.matmul %select_n3A_123, %add3A_130, %dot_general3A_131 {dimension_numbers = #tpu.dot_dimension_numbers<[1], [0], [0], [1], [0, 0, 1, 1], [], []>, transpose_lhs_hint = false} : vector<128x128xf32>, vector<128x128xf32>, vector<128x128xf32> -> vector<128x128xf32>
    %get3A_133 = arith.constant 0 : index
    %get3A_134 = arith.constant 0 : index
    %get3A_135 = vector.load %arg5[%get3A_133, %get3A_134] : memref<1x128xf32, #tpu.memory_space<vmem>>, vector<1x128xf32>
    %add3A_136 = vector.broadcast %get3A_135 : vector<1x128xf32> to vector<128x128xf32>
    %add3A_137 = arith.addf %dot_general3A_132, %add3A_136 : vector<128x128xf32>
    %swap3A_138 = arith.constant 384 : index
    %swap3A_139 = arith.constant 0 : index
    %swap3A_140 = vector.load %arg6[%swap3A_138, %swap3A_139] : memref<512x128xf32, #tpu.memory_space<vmem>>, vector<128x128xf32>
    tpu.vector_store %arg6[%swap3A_138, %swap3A_139], %add3A_137 {strides = array<i32>} : memref<512x128xf32, #tpu.memory_space<vmem>>, vector<128x128xf32>,
    return
  }
  func.func @transform_0(%arg0: i32) -> (i32, i32) {
    %c0_i32 = arith.constant 0 : i32
    %c0_i32_0 = arith.constant 0 : i32
    return %arg0, %c0_i32 : i32, i32
  }
  func.func @transform_1(%arg0: i32) -> (i32, i32) {
    %c0_i32 = arith.constant 0 : i32
    %c0_i32_0 = arith.constant 0 : i32
    return %arg0, %c0_i32 : i32, i32
  }
  func.func @transform_2(%arg0: i32) -> (i32, i32, i32) {
    %c0_i32 = arith.constant 0 : i32
    %c0_i32_0 = arith.constant 0 : i32
    %c0_i32_1 = arith.constant 0 : i32
    return %arg0, %c0_i32, %c0_i32_0 : i32, i32, i32
  }
  func.func @transform_3(%arg0: i32) -> (i32, i32, i32) {
    %c0_i32 = arith.constant 0 : i32
    %c0_i32_0 = arith.constant 0 : i32
    %c0_i32_1 = arith.constant 0 : i32
    return %arg0, %c0_i32, %c0_i32_0 : i32, i32, i32
  }
  func.func @transform_4(%arg0: i32) -> (i32, i32) {
    %c0_i32 = arith.constant 0 : i32
    %c0_i32_0 = arith.constant 0 : i32
    %c0_i32_1 = arith.constant 0 : i32
    return %c0_i32, %c0_i32_0 : i32, i32
  }
  func.func @transform_5(%arg0: i32) -> (i32, i32) {
    %c0_i32 = arith.constant 0 : i32
    %c0_i32_0 = arith.constant 0 : i32
    return %arg0, %c0_i32 : i32, i32
  }
}

</mosaic_0001>

<sc_bundles>
// kernel: _run.12.cloned.1.call-start
scs
__scs_entry_jumppad:
0x0: {  	(pc) =	sbr.rel $0x88, $3  }
0x1: {  	(tag) =	ssettag $0x0;
	lr =	simm.s32 $0x1  }
0x2: {  	[smem:$0x3F9B] =	sst lr;
	_ =	strace $0xD0000000  }
0x3: {  	_ = 	snop  }
0x4: {  	_ = 	snop  }
0x5: {  	_ = 	snop  }
0x6: {  	_ = 	snop  }
0x7: {  	_ = 	snop  }
__scs_overlays_trampoline_lowered:
0x8: {  	[smem:$0x3FAA] =	sst s0  }
0x9: {  	[smem:$0x3FAB] =	sst s1  }
0xa: {  	[smem:$0x3FAC] =	sst s2  }
0xb: {  	[smem:$0x3FAD] =	sst s3  }
0xc: {  	[smem:$0x3FAE] =	sst s4  }
0xd: {  	[smem:$0x3FAF] =	sst s5  }
0xe: {  	[smem:$0x3FB0] =	sst s6  }
0xf: {  	[smem:$0x3FB1] =	sst s7  }
0x10: {  	[smem:$0x3FB2] =	sst s8  }
0x11: {  	[smem:$0x3FB3] =	sst s9;
	s0 =	simm.s32 @!p0 $0x0  }
0x12: {  	s1 =	sld [smem:$0x3F99];
	s0 =	simm.s32 @p0 $0x1  }
0x13: {  	[smem:$0x3FB4] =	sst s0;
	s0 =	simm.s32 @!p1 $0x0  }
0x14: {  	s2 =	sld [smem:$0x3F98];
	s0 =	simm.s32 @p1 $0x1  }
0x15: {  	[smem:$0x3FB5] =	sst s0;
	s0 =	simm.s32 @!p2 $0x0  }
0x16: {  	s3 =	sld [smem:$0x3FDB];
	s0 =	simm.s32 @p2 $0x1  }
0x17: {  	s4 =	simm.s32 $0x1BF5;
	[smem:$0x3FB7] =	sst s0  }
0x18: {  	s0 =	sld [smem:$0x3F9A];
	_ =	swait.ge [sflag:s4], $0x0  }
0x19: {  	s7 =	sld [smem:$0x3F9B]  }
0x1a: {  	s8 =	sadd.s32 $0xFFFFE003, lr  }
0x1b: {  	s9 =	sadd.s32 $0xFFFFFEF7, lr;
	s5 =	simm.s32 $0xFFFFFFFF;
	p2 =	slt.u32 s8, $0xFFFFF086  }
0x1c: {  	p1 =	slt.u32 s9, $0xF7A;
	s5 =	simm.s32 @!p2 $0x0  }
0x1d: {  	s5 =	simm.s32 @p1 $0x1;
	p0 =	seq.s32 s7, s2  }
0x1e: {  	s7 =	smul.u32 @!p0 $0xF7A, s2;
	p2 =	seq.s32 @!p0 s5, $0x0  }
0x1f: {  	s9 =	smul.u32 $0xF7A, s1;
	s8 =	simm.s32 @!p0 $0x1BF5;
	p2 =	por !p2, p0  }
0x20: {  	[sflag:s8] =	ssyncset.s32 @!p0 $0xFFFFF086;
	s6 =	sadd.s32 @!p0 s3, s7;
	s7 =	simm.s32 @!p0 $0x108  }
0x21: {  	s3 =	sadd.s32 s3, s9;
	s6 =	sadd.s32 @!p0 $0x88, s6;
	s7 =	simm.s32 @p2 $0x1082  }
0x22: {  	[simem:s7], [sflag:s8] =	dma.local @!p0 [hbm:s6], $0xF7A  }
0x23: {  	s9 =	sor.u32 $0xD0000000, s2;
	s6 =	simm.s32 $0x108;
	_ =	swait.ge @!p0 [sflag:s8], $0x0  }
0x24: {  	s3 =	sadd.s32 $0x88, s3;
	s6 =	simm.s32 @!p1 $0x1082;
	[sflag:s4] =	ssyncset.s32 $0xFFFFF086  }
0x25: {  	[simem:s6], [sflag:s4] =	dma.local [hbm:s3], $0xF7A  }
0x26: {  	[smem:$0x3F9B] =	sst s1;
	(tag) =	ssettag s2;
	_ =	strace s9  }
0x27: {  	s1 =	sld [smem:$0x3FAB]  }
0x28: {  	s2 =	sld [smem:$0x3FAC]  }
0x29: {  	s4 =	sld [smem:$0x3FAE]  }
0x2a: {  	p0 =	seq.s32 s5, $0x0;
	s5 =	sld [smem:$0x3FAF]  }
0x2b: {  	s6 =	sld [smem:$0x3FB0]  }
0x2c: {  	s7 =	sld [smem:$0x3FB1]  }
0x2d: {  	s3 =	simm.s32 $0x108;
	s8 =	sld [smem:$0x3FB2]  }
0x2e: {  	s3 =	simm.s32 @!p0 $0x1082;
	s9 =	sld [smem:$0x3FB3]  }
0x2f: {  	lr =	sadd.s32 s0, s3;
	s0 =	sld [smem:$0x3FAA]  }
0x30: {  	s3 =	sld [smem:$0x3FAD]  }
0x31: {  	[smem:$0x3FB6] =	sst s10  }
0x32: {  	s10 =	sld [smem:$0x3FB4];
	_ =	sdelay $0x3  }
0x33: {  	p0 =	seq.s32 s10, $0x1;
	s10 =	sld [smem:$0x3FB6];
	_ =	sdelay $0x3  }
0x34: {  	[smem:$0x3FB6] =	sst s10  }
0x35: {  	s10 =	sld [smem:$0x3FB5];
	_ =	sdelay $0x3  }
0x36: {  	p1 =	seq.s32 s10, $0x1;
	s10 =	sld [smem:$0x3FB6];
	_ =	sdelay $0x3  }
0x37: {  	[smem:$0x3FB6] =	sst s10  }
0x38: {  	s10 =	sld [smem:$0x3FB7]  }
0x39: {  	_ = 	snop;
	(pc) =	sbr.ind lr, $3  }
0x3a: {  	_ = 	snop  }
0x3b: {  	_ = 	snop  }
0x3c: {  	p2 =	seq.s32 s10, $0x1;
	s10 =	sld [smem:$0x3FB6]  }
0x3d: {  	_ =	shalt  }
0x3e: {  	_ =	shalt  }
0x3f: {  	_ =	shalt  }
0x40: {  	_ =	shalt  }
0x41: {  	_ =	shalt  }
0x42: {  	_ =	shalt  }
0x43: {  	_ =	shalt  }
0x44: {  	_ =	shalt  }
0x45: {  	_ =	shalt  }
0x46: {  	_ =	shalt  }
0x47: {  	_ =	shalt  }
0x48: {  	_ =	shalt  }
0x49: {  	_ =	shalt  }
0x4a: {  	_ =	shalt  }
0x4b: {  	_ =	shalt  }
0x4c: {  	_ =	shalt  }
0x4d: {  	_ =	shalt  }
0x4e: {  	_ =	shalt  }
0x4f: {  	_ =	shalt  }
0x50: {  	_ =	shalt  }
0x51: {  	_ =	shalt  }
0x52: {  	_ =	shalt  }
0x53: {  	_ =	shalt  }
0x54: {  	_ =	shalt  }
0x55: {  	_ =	shalt  }
0x56: {  	_ =	shalt  }
0x57: {  	_ =	shalt  }
0x58: {  	_ =	shalt  }
0x59: {  	_ =	shalt  }
0x5a: {  	_ =	shalt  }
0x5b: {  	_ =	shalt  }
0x5c: {  	_ =	shalt  }
0x5d: {  	_ =	shalt  }
0x5e: {  	_ =	shalt  }
0x5f: {  	_ =	shalt  }
0x60: {  	_ =	shalt  }
0x61: {  	_ =	shalt  }
0x62: {  	_ =	shalt  }
0x63: {  	_ =	shalt  }
0x64: {  	_ =	shalt  }
0x65: {  	_ =	shalt  }
0x66: {  	_ =	shalt  }
0x67: {  	_ =	shalt  }
0x68: {  	_ =	shalt  }
0x69: {  	_ =	shalt  }
0x6a: {  	_ =	shalt  }
0x6b: {  	_ =	shalt  }
0x6c: {  	_ =	shalt  }
0x6d: {  	_ =	shalt  }
0x6e: {  	_ =	shalt  }
0x6f: {  	_ =	shalt  }
0x70: {  	_ =	shalt  }
0x71: {  	_ =	shalt  }
0x72: {  	_ =	shalt  }
0x73: {  	_ =	shalt  }
0x74: {  	_ =	shalt  }
0x75: {  	_ =	shalt  }
0x76: {  	_ =	shalt  }
0x77: {  	_ =	shalt  }
0x78: {  	_ =	shalt  }
0x79: {  	_ =	shalt  }
0x7a: {  	_ =	shalt  }
0x7b: {  	_ =	shalt  }
0x7c: {  	_ =	shalt  }
0x7d: {  	_ =	shalt  }
0x7e: {  	_ =	shalt  }
0x7f: {  	_ =	shalt  }
0x80: {  	_ =	shalt  }
0x81: {  	_ =	shalt  }
0x82: {  	_ =	shalt  }
0x83: {  	_ =	shalt  }
0x84: {  	_ =	shalt  }
0x85: {  	_ =	shalt  }
0x86: {  	_ =	shalt  }
0x87: {  	_ =	shalt  }
.Lfunc_end0:
.L_simem_size_0:
called_computation.1_lowered:
.L_overlay_start_0:
0x88: {  	s2 =	sld [smem:$0x3FD9]  }
0x89: {  	s3 =	sld [smem:$0x3FFE];
	_ =	sdelay $0x1  }
0x8a: {  	s1 =	srdreg.scid  }
0x8b: {  	s0 =	sand.u32 $0x1, s1  }
0x8c: {  	s17 =	sshll.u32 s0, $0xA;
	s2 =	sadd.s32 s3, s2  }
0x8d: {  	s2 =	sadd.s32 s2, s17  }
0x8e: {  	[smem:$0x3FC2] =	sst s2  }
0x8f: {  	_ = 	snop  }
0x90: {  	s2 =	sld [smem:$0x3FD0];
	(tm) =	ssettm $0x1  }
0x91: {  	s18 =	sld [smem:$0x3FFB];
	_ =	sdelay $0x3  }
0x92: {  	_ =	strace s18  }
0x93: {  	s3 =	sld [smem:$0x3FFC];
	_ =	sdelay $0x3  }
0x94: {  	_ =	strace s3  }
0x95: {  	s3 =	sld [smem:$0x3FFD];
	_ =	sdelay $0x3  }
0x96: {  	_ =	strace s3  }
0x97: {  	_ =	strace $0x8FFFFFFF  }
0x98: {  	s19 =	sld [smem:$0x3FDB];
	_ =	sdelay $0x1  }
0x99: {  	s4 =	simm.s32 $_scs_section_size  }
0x9a: {  	s5 =	simm.s32 $_size__tile_overlayer_lowered;
	s6 =	simm.s32 $_tile_overlayer_lowered  }
0x9b: {  	s22 =	simm.s32 $0x1BFF;
	s21 =	sshll.u32 s6, $0x1;
	s3 =	sadd.s32 s4, s19  }
0x9c: {  	s7 =	simm.s32 $0x0;
	s20 =	sshll.u32 s5, $0x1;
	s5 =	sadd.s32 s21, s3  }
0x9d: {  	[timem:s7], [sflag:s22] =	dma.local [hbm:s5], s20  }
0x9e: {  	_ =	swait.ge [sflag:s22], s20  }
0x9f: {  	s4 =	ssub.s32 $0x0, s20;
	[sflag:s22] =	ssyncset.done $0x0  }
0xa0: {  	[sflag:s22] =	ssyncadd.s32 s4;
	_ =	sdelay $0x1  }
0xa1: {  	s23 =	simm.s32 $0x1B8B  }
0xa2: {  	_ =	swait.ge [sflag:s23], $0x1  }
0xa3: {  	[sflag:s23] =	ssyncset.done $0x0  }
0xa4: {  	s25 =	simm.s32 $0x1B8E;
	s24 =	sld [smem:$0x3FFE];
	[sflag:s23] =	ssyncadd.s32 $0xFFFFFFFF  }
0xa5: {  	s26 =	simm.s32 $execute0_lowered;
	[smem:$0x3FD2] =	sst s25  }
0xa6: {  	s5 =	sshll.u32 s26, $0x1;
	_ =	strace $0x80000049;
	[dreg:$0x1] =	wrdreg $0xFFFFFFFF  }
0xa7: {  	s28 =	simm.s32 $_size_execute0_lowered;
	s3 =	sadd.s32 s3, s5;
	[dreg:$0x0] =	wrdreg $0x0  }
0xa8: {  	s5 =	sshll.u32 s28, $0x1;
	[dreg:$0x2] =	wrdreg s3  }
0xa9: {  	[dreg:$0x3] =	wrdreg s5  }
0xaa: {  	[dreg:$0x4] =	wrdreg $0xC0  }
0xab: {  	_ =	task [dreg:s7], $0x5FFFF  }
0xac: {  	[dreg:$0x1] =	wrdreg $0xFFFFFFFF  }
0xad: {  	[dreg:$0x0] =	wrdreg $0x60  }
0xae: {  	[dreg:$0x2] =	wrdreg s24  }
0xaf: {  	[dreg:$0x3] =	wrdreg s2  }
0xb0: {  	[dreg:$0x4] =	wrdreg $0x83000  }
0xb1: {  	[dreg:$0x5] =	wrdreg $0x9  }
0xb2: {  	_ =	task.clear_ibuf [dreg:s7], $0x6FFFF;
	_ =	strace $0x90000049  }
0xb3: {  	s29 =	simm.s32 $0x9;
	_ =	strace $0x8000004B  }
0xb4: {  	_ =	swait.ge [sflag:s29], $0x1  }
0xb5: {  	[sflag:s29] =	ssyncadd.s32 $0xFFFFFFFF  }
0xb6: {  	_ =	strace $0x9000004B  }
0xb7: {  	_ =	sfence  }
0xb8: {  	s30 =	sld [smem:$0x0];
	_ =	sdelay $0x2  }
0xb9: {  	s31 =	sshll.u32 s1, $0xD;
	s1 =	sshrl.u32 s1, $0x2  }
0xba: {  	s3 =	sand.u32 $0x4000, s31;
	s1 =	sadd.s32 s1, s30  }
0xbb: {  	s0 =	sor.u32 s3, s0;
	s1 =	sshll.u32 s1, $0x11  }
0xbc: {  	s0 =	sor.u32 s1, s0  }
0xbd: {  	s0 =	sadd.s32 $0x8F2B, s0  }
0xbe: {  	[sflag:s0] =	ssyncadd.remote.s32 $0x1  }
0xbf: {  	_ =	sfence.sel $0xFFFF  }
0xc0: {  	[dreg:$0x0] =	wrdreg $0xFFFFFFFF;
	(pc) =	sbr.abs _section_cstart, $3  }
0xc1: {  	[dreg:$0x1] =	wrdreg $0xFFFFFFFF  }
0xc2: {  	_ =	task.clear_ibuf [dreg:s7], $0x2FFFF;
	_ =	strace $0x9FFFFFFF  }
0xc3: {  	(tm) =	ssettm $0x7FFFFFFF  }
tec
execute0_lowered:
.L_overlay_start_1:
0x0: {  	(tag) =	ssettag $0x1  }
0x1: {  	s0 =	rddreg [dreg:$0x0]  }
0x2: {  	s1 =	rddreg [dreg:$0x1]  }
0x3: {  	s2 =	rddreg [dreg:$0x2];
	s3 =	simm.s32 $0x0  }
0x4: {  	s10 =	stileid.u32;
	s4 =	srdreg.scid;
	s28 =	simm.s32 $0x200  }
0x5: {  	s29 =	simm.s32 $0x2;
	s30 =	simm.s32 $0x280;
	s5 =	smul.u32 $0x2800, s10  }
0x6: {  	s31 =	simm.s32 $0x3;
	[smem:$0x7FF] =	sst s3;
	s8 =	smul.u32 $0x50000, s10  }
0x7: {  	s6 =	sand.u32 $0x1, s4;
	s4 =	sadd.s32 $0x1C00, s0;
	s14 =	smul.u32 $0x280, s10  }
0x8: {  	s26 =	sshll.u32 s10, $0x6;
	_ =	strace $0x8000004A;
	s7 =	ssub.s32 $0x2, s6  }
0x9: {  	s15 =	smul.u32 $0x2800, s6;
	s6 =	sshll.u32 s6, $0x9;
	s9 =	sadd.s32 s5, s0  }
0xa: {  	s0 =	sadd.s32 $0x51C00, s0;
	s24 =	sshrl.u32 s7, $0x1;
	s25 =	sshrl.u32 s8, $0x2  }
0xb: {  	s8 =	sor.u32 $0x1C05, s26;
	s12 =	sadd.s32 $0x80, s14;
	s17 =	sadd.s32 $0x100, s14  }
0xc: {  	s21 =	sadd.s32 $0x180, s14;
	s23 =	sadd.s32 $0x200, s14;
	s1 =	sadd.s32 s6, s1  }
0xd: {  	s7 =	ssub.s32 s7, s24;
	s5 =	sadd.s32 s25, s2;
	s9 =	sadd.s32 $0x29C00, s9  }
0xe: {  	[dreg:$0x5] =	wrdreg s8;
	s13 =	sshll.u32 s12, $0x7;
	s24 =	sshll.u32 s23, $0x7  }
0xf: {  	[dreg:$0x4] =	wrdreg s9;
	s9 =	sshll.u32 s10, $0x5;
	s10 =	sadd.s32 s14, s15  }
0x10: {  	s18 =	sand.u32 $0x180, s9;
	s19 =	sand.u32 $0x60, s9;
	s11 =	sshll.u32 s10, $0x4  }
0x11: {  	s9 =	sadd.s32 s13, s2;
	s13 =	sadd.s32 s15, s17;
	s8 =	sadd.s32 s0, s11  }
0x12: {  	s11 =	sadd.s32 s15, s12;
	s12 =	sshll.u32 s17, $0x7;
	s20 =	sshll.u32 s13, $0x4  }
0x13: {  	s17 =	sadd.s32 s15, s21;
	s26 =	sadd.s32 s18, s1;
	s1 =	simm.s32 $0x0  }
0x14: {  	[dreg:$0x6] =	wrdreg s8;
	s16 =	sshll.u32 s11, $0x4;
	s11 =	sadd.s32 s12, s2  }
0x15: {  	s12 =	sadd.s32 s0, s20;
	s22 =	sshll.u32 s17, $0x4;
	s17 =	sadd.s32 s15, s23  }
0x16: {  	s15 =	sadd.s32 s24, s2;
	s18 =	sadd.s32 s19, s26;
	s19 =	sshrl.u32 s5, $0x3  }
0x17: {  	s20 =	simm.s32 $0x5;
	s23 =	simm.s32 $0x300;
	s24 =	simm.s32 $0x180  }
0x18: {  	s26 =	simm.s32 $0x1;
	s10 =	sadd.s32 s0, s16;
	s16 =	sshll.u32 s21, $0x7  }
0x19: {  	s14 =	sadd.s32 s0, s22;
	s25 =	sshll.u32 s17, $0x4;
	s17 =	smax.u32 s7, $0x1  }
0x1a: {  	s21 =	simm.s32 $0x80;
	s22 =	simm.s32 $0x100;
	s13 =	sadd.s32 s16, s2  }
0x1b: {  	s16 =	sadd.s32 s0, s25;
	s25 =	simm.s32 $0x4300;
	s0 =	simm.s32 $0x4  }
.LBB2_1:
0x1c: {  	s6 =	rddreg [dreg:$0x4]  }
0x1d: {  	s7 =	rddreg [dreg:$0x5]  }
0x1e: {  	[spmem:s19], [sflag:s7] =	dma.local [hbm:s6], $0x2800  }
0x1f: {  	_ =	swait.ge [sflag:s20], $0x2800  }
0x20: {  	[sflag:s20] =	ssyncset.done $0x0  }
0x21: {  	p0 =	por $0x1, $0x1;
	[sflag:s20] =	ssyncadd.s32 $0xFFFFD800  }
0x22: {  	s6 =	simm.s32 @!p0 $0x3;
	[bflag:$0x0] =	sbarrier.arrive $0xFFFF  }
0x23: {  	_ =	swait.ge @!p0 [sflag:s6], $0x4000  }
0x24: {  	[sflag:s6] =	ssyncset.done @!p0 $0x0  }
0x25: {  	[sflag:s6] =	ssyncadd.s32 @!p0 $0xFFFFC000;
	s6 =	simm.s32 @!p0 $0x4  }
0x26: {  	_ =	swait.ge @!p0 [sflag:s6], $0x4000  }
0x27: {  	[sflag:s6] =	ssyncset.done @!p0 $0x0  }
0x28: {  	s8 =	sadd.s32 $0x0, s18;
	[sflag:s6] =	ssyncadd.s32 @!p0 $0xFFFFC000  }
0x29: {  	[tilespmem:s3], [sflag:$0x5] =	stream.linear.gather [hbm4b:s8+s3], $0x100, $0x38;
	[tilespmem:$0x1C300] =	vst v63  }
0x2a: {  	_ =	swait.ge [sflag:s20], $0x100  }
0x2b: {  	[sflag:s20] =	ssyncset.done $0x0  }
0x2c: {  	[sflag:s20] =	ssyncadd.s32 $0xFFFFFF00  }
0x2d: {  	v1 =	vld [tilespmem:$0x0]  }
0x2e: {  	v0 =	vld [tilespmem:$0x30]  }
0x2f: {  	v2 =	vld [tilespmem:$0x60]  }
0x30: {  	v6 =	vld [tilespmem:$0x50]  }
0x31: {  	v7 =	vld [tilespmem:$0x10]  }
0x32: {  	v8 =	vld [tilespmem:$0x40]  }
0x33: {  	v3 =	vld [tilespmem:$0x20]  }
0x34: {  	v11 =	vld [tilespmem:$0x70]  }
0x35: {  	v9 =	vand.u32 $0x7FFF, v6;
	v4 =	vand.u32 $0x7FFF, v2;
	v12 =	vshrl.u32 v2, $0xF  }
0x36: {  	v2 =	vand.u32 $0x7FFF, v0;
	v5 =	vshrl.u32 v0, $0xF;
	v6 =	vshrl.u32 v6, $0xF;
	[tilespmem:$0x150] =	vst v9  }
0x37: {  	v0 =	vand.u32 $0x7FFF, v1;
	v1 =	vshrl.u32 v1, $0xF;
	v13 =	vshrl.u32 v8, $0xF;
	[tilespmem:$0x250] =	vst v6  }
0x38: {  	v10 =	vshrl.u32 v7, $0xF;
	v6 =	vand.u32 $0x7FFF, v7;
	v9 =	vand.u32 $0x7FFF, v8;
	[tilespmem:$0x260] =	vst v12  }
0x39: {  	s6 =	simm.s32 $0x400;
	v8 =	vand.u32 $0x7FFF, v3;
	[tilespmem:$0x240] =	vst v13;
	v7 =	vand.u32 $0x7FFF, v11;
	v11 =	vshrl.u32 v11, $0xF  }
.LBB2_2:
0x3a: {  	[tilespmem:$0x210] =	vst v10;
	v3 =	vshrl.u32 v3, $0xF;
	s7 =	smov.u32 s6;
	s6 =	sadd.s32 $0x400, s6  }
0x3b: {  	p0 =	sne.s32 s6, $0xA400;
	[tilespmem:$0x140] =	vst v9  }
0x3c: {  	[tilespmem:$0x160] =	vst v4  }
0x3d: {  	[tilespmem:$0x270] =	vst v11  }
0x3e: {  	[tilespmem:$0x230] =	vst v5  }
0x3f: {  	[tilespmem:$0x130] =	vst v2  }
0x40: {  	[tilespmem:$0x220] =	vst v3  }
0x41: {  	[tilespmem:$0x120] =	vst v8  }
0x42: {  	[tilespmem:$0x110] =	vst v6  }
0x43: {  	[tilespmem:$0x170] =	vst v7  }
0x44: {  	[tilespmem:$0x200] =	vst v1  }
0x45: {  	[tilespmem:$0x100] =	vst v0  }
0x46: {  	[tilespmem:s23], [sflag:$0x1] =	stream.indirect.gather [hbm4b:s4+s21], $0x80, s22, s21, $0xb8;
	[tilespmem:$0x1C300] =	vst v63  }
0x47: {  	v0 =	vld [tilespmem:$0x80]  }
0x48: {  	v1 =	vld [tilespmem:$0x90]  }
0x49: {  	v2 =	vld [tilespmem:$0xA0]  }
0x4a: {  	v3 =	vld [tilespmem:$0xB0]  }
0x4b: {  	v4 =	vld [tilespmem:$0xC0]  }
0x4c: {  	v5 =	vand.u32 $0x7FFF, v0;
	v0 =	vshrl.u32 v0, $0xF;
	v6 =	vld [tilespmem:$0xD0]  }
0x4d: {  	[tilespmem:$0x180] =	vst v5;
	v5 =	vand.u32 $0x7FFF, v1;
	v1 =	vshrl.u32 v1, $0xF;
	v7 =	vld [tilespmem:$0xF0]  }
0x4e: {  	[tilespmem:$0x190] =	vst v5;
	v5 =	vand.u32 $0x7FFF, v2;
	v2 =	vshrl.u32 v2, $0xF  }
0x4f: {  	[tilespmem:$0x1A0] =	vst v5;
	v5 =	vand.u32 $0x7FFF, v3;
	v3 =	vshrl.u32 v3, $0xF  }
0x50: {  	[tilespmem:$0x1B0] =	vst v5;
	v5 =	vand.u32 $0x7FFF, v4;
	v4 =	vshrl.u32 v4, $0xF  }
0x51: {  	[tilespmem:$0x1C0] =	vst v5;
	v5 =	vand.u32 $0x7FFF, v6;
	v6 =	vshrl.u32 v6, $0xF  }
0x52: {  	[tilespmem:$0x2C0] =	vst v4;
	v4 =	vand.u32 $0x7FFF, v7;
	v7 =	vshrl.u32 v7, $0xF  }
0x53: {  	[tilespmem:$0x2B0] =	vst v3  }
0x54: {  	[tilespmem:$0x2A0] =	vst v2  }
0x55: {  	[tilespmem:$0x290] =	vst v1;
	v1 =	vld [tilespmem:$0xE0]  }
0x56: {  	[tilespmem:$0x1F0] =	vst v4  }
0x57: {  	[tilespmem:$0x1D0] =	vst v5  }
0x58: {  	[tilespmem:$0x2D0] =	vst v6  }
0x59: {  	[tilespmem:$0x2F0] =	vst v7  }
0x5a: {  	[tilespmem:$0x280] =	vst v0;
	v0 =	vand.u32 $0x7FFF, v1;
	v1 =	vshrl.u32 v1, $0xF  }
0x5b: {  	[tilespmem:$0x1E0] =	vst v0  }
0x5c: {  	[tilespmem:$0x2E0] =	vst v1  }
0x5d: {  	[tilespmem:s25], [sflag:$0x2] =	stream.indirect.gather [hbm4b:s4+s21], $0x80, s24, s21, $0xb8;
	[tilespmem:$0x1C300] =	vst v63  }
0x5e: {  	_ =	swait.ge [sflag:s26], $0x4000  }
0x5f: {  	[sflag:s26] =	ssyncset.done $0x0  }
0x60: {  	[sflag:s26] =	ssyncadd.s32 $0xFFFFC000  }
0x61: {  	[spmem:s2] =	stream.indirect.scatter.add.f32 [tilespmem:s23], [sflag:$0x3], $0x80, s28, s21, $0xb8;
	[tilespmem:$0x1C300] =	vst v63  }
0x62: {  	_ =	swait.ge [sflag:s29], $0x4000  }
0x63: {  	[sflag:s29] =	ssyncset.done $0x0  }
0x64: {  	p1 =	seq.s32 s7, $0x0;
	[sflag:s29] =	ssyncadd.s32 $0xFFFFC000  }
0x65: {  	[spmem:s2] =	stream.indirect.scatter.add.f32 [tilespmem:s25], [sflag:$0x4], $0x80, s30, s21, $0xb8;
	[tilespmem:$0x1C300] =	vst v63  }
0x66: {  	s8 =	simm.s32 @!p1 $0x3  }
0x67: {  	_ =	swait.ge @!p1 [sflag:s8], $0x4000  }
0x68: {  	[sflag:s8] =	ssyncset.done @!p1 $0x0  }
0x69: {  	[sflag:s8] =	ssyncadd.s32 @!p1 $0xFFFFC000;
	s8 =	simm.s32 @!p1 $0x4  }
0x6a: {  	_ =	swait.ge @!p1 [sflag:s8], $0x4000  }
0x6b: {  	[sflag:s8] =	ssyncset.done @!p1 $0x0  }
0x6c: {  	s7 =	sadd.s32 s7, s18;
	[sflag:s8] =	ssyncadd.s32 @!p1 $0xFFFFC000  }
0x6d: {  	[tilespmem:s3], [sflag:$0x5] =	stream.linear.gather [hbm4b:s7+s3], $0x100, $0x38;
	[tilespmem:$0x1C300] =	vst v63  }
0x6e: {  	_ =	swait.ge [sflag:s20], $0x100  }
0x6f: {  	[sflag:s20] =	ssyncset.done $0x0  }
0x70: {  	[sflag:s20] =	ssyncadd.s32 $0xFFFFFF00  }
0x71: {  	v1 =	vld [tilespmem:$0x0]  }
0x72: {  	v0 =	vld [tilespmem:$0x30]  }
0x73: {  	v2 =	vld [tilespmem:$0x60]  }
0x74: {  	v6 =	vld [tilespmem:$0x50]  }
0x75: {  	v7 =	vld [tilespmem:$0x10]  }
0x76: {  	v8 =	vld [tilespmem:$0x40]  }
0x77: {  	v3 =	vld [tilespmem:$0x20]  }
0x78: {  	v11 =	vld [tilespmem:$0x70]  }
.Ltmp0:
0x79: {  	v4 =	vand.u32 $0x7FFF, v2;
	v12 =	vshrl.u32 v2, $0xF;
	v9 =	vand.u32 $0x7FFF, v6;
	(pc) =	sbr.rel @p0 .LBB2_2-.Ltmp0, $4  }
0x7a: {  	v5 =	vshrl.u32 v0, $0xF;
	v2 =	vand.u32 $0x7FFF, v0;
	v6 =	vshrl.u32 v6, $0xF;
	[tilespmem:$0x150] =	vst v9  }
0x7b: {  	v0 =	vand.u32 $0x7FFF, v1;
	v1 =	vshrl.u32 v1, $0xF;
	v13 =	vshrl.u32 v8, $0xF;
	[tilespmem:$0x250] =	vst v6  }
0x7c: {  	v10 =	vshrl.u32 v7, $0xF;
	v6 =	vand.u32 $0x7FFF, v7;
	v9 =	vand.u32 $0x7FFF, v8;
	[tilespmem:$0x260] =	vst v12  }
0x7d: {  	v8 =	vand.u32 $0x7FFF, v3;
	[tilespmem:$0x240] =	vst v13;
	v7 =	vand.u32 $0x7FFF, v11;
	v11 =	vshrl.u32 v11, $0xF  }
0x7e: {  	[tilespmem:$0x210] =	vst v10  }
0x7f: {  	[tilespmem:$0x140] =	vst v9  }
0x80: {  	[tilespmem:$0x160] =	vst v4  }
0x81: {  	[tilespmem:$0x270] =	vst v11  }
0x82: {  	[tilespmem:$0x230] =	vst v5  }
0x83: {  	[tilespmem:$0x130] =	vst v2  }
0x84: {  	[tilespmem:$0x120] =	vst v8  }
0x85: {  	[tilespmem:$0x110] =	vst v6  }
0x86: {  	[tilespmem:$0x170] =	vst v7  }
0x87: {  	[tilespmem:$0x200] =	vst v1  }
0x88: {  	v3 =	vshrl.u32 v3, $0xF;
	[tilespmem:$0x100] =	vst v0  }
0x89: {  	[tilespmem:$0x220] =	vst v3  }
0x8a: {  	[tilespmem:s23], [sflag:$0x1] =	stream.indirect.gather [hbm4b:s4+s21], $0x80, s22, s21, $0xb8;
	[tilespmem:$0x1C300] =	vst v63  }
0x8b: {  	v46 =	vld [tilespmem:$0x80]  }
0x8c: {  	v47 =	vld [tilespmem:$0x90]  }
0x8d: {  	v48 =	vld [tilespmem:$0xA0]  }
0x8e: {  	v49 =	vld [tilespmem:$0xB0]  }
0x8f: {  	v50 =	vld [tilespmem:$0xC0]  }
0x90: {  	v51 =	vand.u32 $0x7FFF, v46  }
0x91: {  	v52 =	vand.u32 $0x7FFF, v47;
	[tilespmem:$0x180] =	vst v51  }
0x92: {  	v53 =	vand.u32 $0x7FFF, v48;
	[tilespmem:$0x190] =	vst v52  }
0x93: {  	v54 =	vand.u32 $0x7FFF, v49;
	[tilespmem:$0x1A0] =	vst v53  }
0x94: {  	v55 =	vld [tilespmem:$0xF0];
	v56 =	vand.u32 $0x7FFF, v50;
	[tilespmem:$0x1B0] =	vst v54  }
0x95: {  	v57 =	vld [tilespmem:$0xD0];
	v4 =	vshrl.u32 v50, $0xF;
	[tilespmem:$0x1C0] =	vst v56  }
0x96: {  	v3 =	vshrl.u32 v49, $0xF;
	[tilespmem:$0x2C0] =	vst v4  }
0x97: {  	v2 =	vshrl.u32 v48, $0xF;
	[tilespmem:$0x2B0] =	vst v3  }
0x98: {  	v1 =	vshrl.u32 v47, $0xF;
	[tilespmem:$0x2A0] =	vst v2  }
0x99: {  	v59 =	vld [tilespmem:$0xE0];
	v58 =	vand.u32 $0x7FFF, v55;
	[tilespmem:$0x290] =	vst v1  }
0x9a: {  	v60 =	vand.u32 $0x7FFF, v57;
	[tilespmem:$0x1F0] =	vst v58  }
0x9b: {  	v61 =	vshrl.u32 v57, $0xF;
	[tilespmem:$0x1D0] =	vst v60  }
0x9c: {  	v62 =	vshrl.u32 v55, $0xF;
	[tilespmem:$0x2D0] =	vst v61  }
0x9d: {  	v0 =	vshrl.u32 v46, $0xF;
	[tilespmem:$0x2F0] =	vst v62  }
0x9e: {  	v63 =	vand.u32 $0x7FFF, v59;
	[tilespmem:$0x280] =	vst v0  }
0x9f: {  	v1 =	vshrl.u32 v59, $0xF;
	[tilespmem:$0x1E0] =	vst v63  }
0xa0: {  	[tilespmem:$0x2E0] =	vst v1  }
0xa1: {  	[tilespmem:s25], [sflag:$0x2] =	stream.indirect.gather [hbm4b:s4+s21], $0x80, s24, s21, $0xb8;
	[tilespmem:$0x1C300] =	vst v63  }
0xa2: {  	_ =	swait.ge [sflag:s26], $0x4000  }
0xa3: {  	[sflag:s26] =	ssyncset.done $0x0  }
0xa4: {  	[sflag:s26] =	ssyncadd.s32 $0xFFFFC000  }
0xa5: {  	[spmem:s2] =	stream.indirect.scatter.add.f32 [tilespmem:s23], [sflag:$0x3], $0x80, s28, s21, $0xb8;
	[tilespmem:$0x1C300] =	vst v63  }
0xa6: {  	_ =	swait.ge [sflag:s29], $0x4000  }
0xa7: {  	[sflag:s29] =	ssyncset.done $0x0  }
0xa8: {  	[sflag:s29] =	ssyncadd.s32 $0xFFFFC000  }
0xa9: {  	[spmem:s2] =	stream.indirect.scatter.add.f32 [tilespmem:s25], [sflag:$0x4], $0x80, s30, s21, $0xb8;
	[tilespmem:$0x1C300] =	vst v63  }
0xaa: {  	_ =	swait.ge [sflag:s31], $0x4000  }
0xab: {  	[sflag:s31] =	ssyncset.done $0x0  }
0xac: {  	[sflag:s31] =	ssyncadd.s32 $0xFFFFC000  }
0xad: {  	_ =	swait.ge [sflag:s0], $0x4000  }
0xae: {  	[sflag:s0] =	ssyncset.done $0x0  }
0xaf: {  	[sflag:s0] =	ssyncadd.s32 $0xFFFFC000  }
0xb0: {  	[bflag:$0x0] =	sbarrier.arrive $0xFFFF  }
0xb1: {  	[tilespmem:s23], [sflag:$0x5] =	stream.linear.gather [spmem:s5], $0x4000, $0x38;
	[tilespmem:$0x1C300] =	vst v63  }
0xb2: {  	_ =	swait.ge [sflag:s20], $0x4000  }
0xb3: {  	[sflag:s20] =	ssyncset.done $0x0  }
0xb4: {  	s6 =	rddreg [dreg:$0x6];
	[sflag:s20] =	ssyncadd.s32 $0xFFFFC000  }
0xb5: {  	[hbm4b:s6+s3] =	stream.linear.scatter [tilespmem:s23], [sflag:$0x5], $0x4000, $0x38;
	[tilespmem:$0x1C300] =	vst v63  }
0xb6: {  	_ =	swait.ge [sflag:s20], $0x4000  }
0xb7: {  	[sflag:s20] =	ssyncset.done $0x0  }
0xb8: {  	[sflag:s20] =	ssyncadd.s32 $0xFFFFC000  }
0xb9: {  	[tilespmem:s25], [sflag:$0x5] =	stream.linear.gather [spmem:s9], $0x4000, $0x38;
	[tilespmem:$0x1C300] =	vst v63  }
0xba: {  	_ =	swait.ge [sflag:s20], $0x4000  }
0xbb: {  	[sflag:s20] =	ssyncset.done $0x0  }
0xbc: {  	[sflag:s20] =	ssyncadd.s32 $0xFFFFC000  }
0xbd: {  	[hbm4b:s10+s3] =	stream.linear.scatter [tilespmem:s25], [sflag:$0x5], $0x4000, $0x38;
	[tilespmem:$0x1C300] =	vst v63  }
0xbe: {  	_ =	swait.ge [sflag:s20], $0x4000  }
0xbf: {  	[sflag:s20] =	ssyncset.done $0x0  }
0xc0: {  	[sflag:s20] =	ssyncadd.s32 $0xFFFFC000  }
0xc1: {  	[tilespmem:s23], [sflag:$0x5] =	stream.linear.gather [spmem:s11], $0x4000, $0x38;
	[tilespmem:$0x1C300] =	vst v63  }
0xc2: {  	_ =	swait.ge [sflag:s20], $0x4000  }
0xc3: {  	[sflag:s20] =	ssyncset.done $0x0  }
0xc4: {  	[sflag:s20] =	ssyncadd.s32 $0xFFFFC000  }
0xc5: {  	[hbm4b:s12+s3] =	stream.linear.scatter [tilespmem:s23], [sflag:$0x5], $0x4000, $0x38;
	[tilespmem:$0x1C300] =	vst v63  }
0xc6: {  	_ =	swait.ge [sflag:s20], $0x4000  }
0xc7: {  	[sflag:s20] =	ssyncset.done $0x0  }
0xc8: {  	[sflag:s20] =	ssyncadd.s32 $0xFFFFC000  }
0xc9: {  	[tilespmem:s25], [sflag:$0x5] =	stream.linear.gather [spmem:s13], $0x4000, $0x38;
	[tilespmem:$0x1C300] =	vst v63  }
0xca: {  	_ =	swait.ge [sflag:s20], $0x4000  }
0xcb: {  	[sflag:s20] =	ssyncset.done $0x0  }
0xcc: {  	[sflag:s20] =	ssyncadd.s32 $0xFFFFC000  }
0xcd: {  	[hbm4b:s14+s3] =	stream.linear.scatter [tilespmem:s25], [sflag:$0x5], $0x4000, $0x38;
	[tilespmem:$0x1C300] =	vst v63  }
0xce: {  	_ =	swait.ge [sflag:s20], $0x4000  }
0xcf: {  	[sflag:s20] =	ssyncset.done $0x0  }
0xd0: {  	[sflag:s20] =	ssyncadd.s32 $0xFFFFC000  }
0xd1: {  	[tilespmem:s23], [sflag:$0x5] =	stream.linear.gather [spmem:s15], $0x4000, $0x38;
	[tilespmem:$0x1C300] =	vst v63  }
0xd2: {  	s1 =	sadd.s32 $0x1, s1;
	_ =	swait.ge [sflag:s20], $0x4000  }
0xd3: {  	p0 =	sne.s32 s1, s17;
	[sflag:s20] =	ssyncset.done $0x0  }
.Ltmp1:
0xd4: {  	[sflag:s20] =	ssyncadd.s32 $0xFFFFC000;
	(pc) =	sbr.rel @p0 .LBB2_1-.Ltmp1, $4  }
0xd5: {  	[hbm4b:s16+s3] =	stream.linear.scatter [tilespmem:s23], [sflag:$0x5], $0x4000, $0x38;
	[tilespmem:$0x1C300] =	vst v63  }
0xd6: {  	_ =	swait.ge [sflag:s20], $0x4000  }
0xd7: {  	[sflag:s20] =	ssyncset.done $0x0  }
0xd8: {  	[sflag:s20] =	ssyncadd.s32 $0xFFFFC000  }
0xd9: {  	_ =	sfence.sel $0x180000  }
0xda: {  	[bflag:$0x0] =	sbarrier.arrive $0xFFFF  }
0xdb: {  	_ =	strace $0x9000004A  }
0xdc: {  	s0 =	stileid.u32;
	[bflag:$0x2] =	sbarrier.arrive $0xFFFF  }
0xdd: {  	p0 =	sne.s32 s0, $0x0;
	s0 =	rddreg [dreg:$0x3]  }
0xde: {  	s0 =	sadd.s32 @!p0 $0x100000, s0  }
0xdf: {  	[sflag:s0] =	ssyncadd.tile.s32 @!p0 $0x1;
	_ =	shalt  }
.Lfunc_end2:
_tile_overlayer_lowered:
.L_overlay_start_2:
0xe0: {  	(tag) =	ssettag $0x2  }
0xe1: {  	s0 =	rddreg [dreg:$0x0];
	s2 =	stileid.u32  }
0xe2: {  	s1 =	rddreg [dreg:$0x1];
	p0 =	sne.s32 s2, $0x0  }
0xe3: {  	s3 =	rddreg [dreg:$0x2];
	[bflag:$0x3] =	sbarrier.arrive $0xFFFF;
	s2 =	simm.s32 @!p0 $0x1C05  }
0xe4: {  	[timem:s3], [sflag:s2] =	dma.local @!p0 [hbm:s0], s1  }
0xe5: {  	s0 =	simm.s32 @!p0 $0x5  }
0xe6: {  	_ =	swait.ge @!p0 [sflag:s0], s1  }
0xe7: {  	s1 =	ssub.s32 @!p0 $0x0, s1;
	[sflag:s0] =	ssyncset.done @!p0 $0x0  }
0xe8: {  	[sflag:s0] =	ssyncadd.s32 @!p0 s1  }
0xe9: {  	[bflag:$0x3] =	sbarrier.arrive $0xFFFF  }
0xea: {  	_ =	shalt  }

// kernel: _run.15.cloned.1.call-start
scs
__scs_entry_jumppad:
0x0: {  	(pc) =	sbr.rel $0x88, $3  }
0x1: {  	(tag) =	ssettag $0x0;
	lr =	simm.s32 $0x1  }
0x2: {  	[smem:$0x3F9B] =	sst lr;
	_ =	strace $0xD0000000  }
0x3: {  	_ = 	snop  }
0x4: {  	_ = 	snop  }
0x5: {  	_ = 	snop  }
0x6: {  	_ = 	snop  }
0x7: {  	_ = 	snop  }
__scs_overlays_trampoline_lowered:
0x8: {  	[smem:$0x3FAA] =	sst s0  }
0x9: {  	[smem:$0x3FAB] =	sst s1  }
0xa: {  	[smem:$0x3FAC] =	sst s2  }
0xb: {  	[smem:$0x3FAD] =	sst s3  }
0xc: {  	[smem:$0x3FAE] =	sst s4  }
0xd: {  	[smem:$0x3FAF] =	sst s5  }
0xe: {  	[smem:$0x3FB0] =	sst s6  }
0xf: {  	[smem:$0x3FB1] =	sst s7  }
0x10: {  	[smem:$0x3FB2] =	sst s8  }
0x11: {  	[smem:$0x3FB3] =	sst s9;
	s0 =	simm.s32 @!p0 $0x0  }
0x12: {  	s1 =	sld [smem:$0x3F99];
	s0 =	simm.s32 @p0 $0x1  }
0x13: {  	[smem:$0x3FB4] =	sst s0;
	s0 =	simm.s32 @!p1 $0x0  }
0x14: {  	s2 =	sld [smem:$0x3F98];
	s0 =	simm.s32 @p1 $0x1  }
0x15: {  	[smem:$0x3FB5] =	sst s0;
	s0 =	simm.s32 @!p2 $0x0  }
0x16: {  	s3 =	sld [smem:$0x3FDB];
	s0 =	simm.s32 @p2 $0x1  }
0x17: {  	s4 =	simm.s32 $0x1BF5;
	[smem:$0x3FB7] =	sst s0  }
0x18: {  	s0 =	sld [smem:$0x3F9A];
	_ =	swait.ge [sflag:s4], $0x0  }
0x19: {  	s7 =	sld [smem:$0x3F9B]  }
0x1a: {  	s8 =	sadd.s32 $0xFFFFE003, lr  }
0x1b: {  	s9 =	sadd.s32 $0xFFFFFEF7, lr;
	s5 =	simm.s32 $0xFFFFFFFF;
	p2 =	slt.u32 s8, $0xFFFFF086  }
0x1c: {  	p1 =	slt.u32 s9, $0xF7A;
	s5 =	simm.s32 @!p2 $0x0  }
0x1d: {  	s5 =	simm.s32 @p1 $0x1;
	p0 =	seq.s32 s7, s2  }
0x1e: {  	s7 =	smul.u32 @!p0 $0xF7A, s2;
	p2 =	seq.s32 @!p0 s5, $0x0  }
0x1f: {  	s9 =	smul.u32 $0xF7A, s1;
	s8 =	simm.s32 @!p0 $0x1BF5;
	p2 =	por !p2, p0  }
0x20: {  	[sflag:s8] =	ssyncset.s32 @!p0 $0xFFFFF086;
	s6 =	sadd.s32 @!p0 s3, s7;
	s7 =	simm.s32 @!p0 $0x108  }
0x21: {  	s3 =	sadd.s32 s3, s9;
	s6 =	sadd.s32 @!p0 $0x88, s6;
	s7 =	simm.s32 @p2 $0x1082  }
0x22: {  	[simem:s7], [sflag:s8] =	dma.local @!p0 [hbm:s6], $0xF7A  }
0x23: {  	s9 =	sor.u32 $0xD0000000, s2;
	s6 =	simm.s32 $0x108;
	_ =	swait.ge @!p0 [sflag:s8], $0x0  }
0x24: {  	s3 =	sadd.s32 $0x88, s3;
	s6 =	simm.s32 @!p1 $0x1082;
	[sflag:s4] =	ssyncset.s32 $0xFFFFF086  }
0x25: {  	[simem:s6], [sflag:s4] =	dma.local [hbm:s3], $0xF7A  }
0x26: {  	[smem:$0x3F9B] =	sst s1;
	(tag) =	ssettag s2;
	_ =	strace s9  }
0x27: {  	s1 =	sld [smem:$0x3FAB]  }
0x28: {  	s2 =	sld [smem:$0x3FAC]  }
0x29: {  	s4 =	sld [smem:$0x3FAE]  }
0x2a: {  	p0 =	seq.s32 s5, $0x0;
	s5 =	sld [smem:$0x3FAF]  }
0x2b: {  	s6 =	sld [smem:$0x3FB0]  }
0x2c: {  	s7 =	sld [smem:$0x3FB1]  }
0x2d: {  	s3 =	simm.s32 $0x108;
	s8 =	sld [smem:$0x3FB2]  }
0x2e: {  	s3 =	simm.s32 @!p0 $0x1082;
	s9 =	sld [smem:$0x3FB3]  }
0x2f: {  	lr =	sadd.s32 s0, s3;
	s0 =	sld [smem:$0x3FAA]  }
0x30: {  	s3 =	sld [smem:$0x3FAD]  }
0x31: {  	[smem:$0x3FB6] =	sst s10  }
0x32: {  	s10 =	sld [smem:$0x3FB4];
	_ =	sdelay $0x3  }
0x33: {  	p0 =	seq.s32 s10, $0x1;
	s10 =	sld [smem:$0x3FB6];
	_ =	sdelay $0x3  }
0x34: {  	[smem:$0x3FB6] =	sst s10  }
0x35: {  	s10 =	sld [smem:$0x3FB5];
	_ =	sdelay $0x3  }
0x36: {  	p1 =	seq.s32 s10, $0x1;
	s10 =	sld [smem:$0x3FB6];
	_ =	sdelay $0x3  }
0x37: {  	[smem:$0x3FB6] =	sst s10  }
0x38: {  	s10 =	sld [smem:$0x3FB7]  }
0x39: {  	_ = 	snop;
	(pc) =	sbr.ind lr, $3  }
0x3a: {  	_ = 	snop  }
0x3b: {  	_ = 	snop  }
0x3c: {  	p2 =	seq.s32 s10, $0x1;
	s10 =	sld [smem:$0x3FB6]  }
0x3d: {  	_ =	shalt  }
0x3e: {  	_ =	shalt  }
0x3f: {  	_ =	shalt  }
0x40: {  	_ =	shalt  }
0x41: {  	_ =	shalt  }
0x42: {  	_ =	shalt  }
0x43: {  	_ =	shalt  }
0x44: {  	_ =	shalt  }
0x45: {  	_ =	shalt  }
0x46: {  	_ =	shalt  }
0x47: {  	_ =	shalt  }
0x48: {  	_ =	shalt  }
0x49: {  	_ =	shalt  }
0x4a: {  	_ =	shalt  }
0x4b: {  	_ =	shalt  }
0x4c: {  	_ =	shalt  }
0x4d: {  	_ =	shalt  }
0x4e: {  	_ =	shalt  }
0x4f: {  	_ =	shalt  }
0x50: {  	_ =	shalt  }
0x51: {  	_ =	shalt  }
0x52: {  	_ =	shalt  }
0x53: {  	_ =	shalt  }
0x54: {  	_ =	shalt  }
0x55: {  	_ =	shalt  }
0x56: {  	_ =	shalt  }
0x57: {  	_ =	shalt  }
0x58: {  	_ =	shalt  }
0x59: {  	_ =	shalt  }
0x5a: {  	_ =	shalt  }
0x5b: {  	_ =	shalt  }
0x5c: {  	_ =	shalt  }
0x5d: {  	_ =	shalt  }
0x5e: {  	_ =	shalt  }
0x5f: {  	_ =	shalt  }
0x60: {  	_ =	shalt  }
0x61: {  	_ =	shalt  }
0x62: {  	_ =	shalt  }
0x63: {  	_ =	shalt  }
0x64: {  	_ =	shalt  }
0x65: {  	_ =	shalt  }
0x66: {  	_ =	shalt  }
0x67: {  	_ =	shalt  }
0x68: {  	_ =	shalt  }
0x69: {  	_ =	shalt  }
0x6a: {  	_ =	shalt  }
0x6b: {  	_ =	shalt  }
0x6c: {  	_ =	shalt  }
0x6d: {  	_ =	shalt  }
0x6e: {  	_ =	shalt  }
0x6f: {  	_ =	shalt  }
0x70: {  	_ =	shalt  }
0x71: {  	_ =	shalt  }
0x72: {  	_ =	shalt  }
0x73: {  	_ =	shalt  }
0x74: {  	_ =	shalt  }
0x75: {  	_ =	shalt  }
0x76: {  	_ =	shalt  }
0x77: {  	_ =	shalt  }
0x78: {  	_ =	shalt  }
0x79: {  	_ =	shalt  }
0x7a: {  	_ =	shalt  }
0x7b: {  	_ =	shalt  }
0x7c: {  	_ =	shalt  }
0x7d: {  	_ =	shalt  }
0x7e: {  	_ =	shalt  }
0x7f: {  	_ =	shalt  }
0x80: {  	_ =	shalt  }
0x81: {  	_ =	shalt  }
0x82: {  	_ =	shalt  }
0x83: {  	_ =	shalt  }
0x84: {  	_ =	shalt  }
0x85: {  	_ =	shalt  }
0x86: {  	_ =	shalt  }
0x87: {  	_ =	shalt  }
.Lfunc_end0:
.L_simem_size_0:
called_computation.2_lowered:
.L_overlay_start_0:
0x88: {  	s2 =	sld [smem:$0x3FD9]  }
0x89: {  	s3 =	sld [smem:$0x3FFE];
	_ =	sdelay $0x1  }
0x8a: {  	s1 =	srdreg.scid  }
0x8b: {  	s0 =	sand.u32 $0x1, s1  }
0x8c: {  	s17 =	sshll.u32 s0, $0xA;
	s2 =	sadd.s32 s3, s2  }
0x8d: {  	s2 =	sadd.s32 s2, s17  }
0x8e: {  	[smem:$0x3FC2] =	sst s2  }
0x8f: {  	_ = 	snop  }
0x90: {  	s2 =	sld [smem:$0x3FD0];
	(tm) =	ssettm $0x1  }
0x91: {  	s18 =	sld [smem:$0x3FFB];
	_ =	sdelay $0x3  }
0x92: {  	_ =	strace s18  }
0x93: {  	s3 =	sld [smem:$0x3FFC];
	_ =	sdelay $0x3  }
0x94: {  	_ =	strace s3  }
0x95: {  	s3 =	sld [smem:$0x3FFD];
	_ =	sdelay $0x3  }
0x96: {  	_ =	strace s3  }
0x97: {  	_ =	strace $0x8FFFFFFF  }
0x98: {  	s19 =	sld [smem:$0x3FDB];
	_ =	sdelay $0x1  }
0x99: {  	s4 =	simm.s32 $_scs_section_size  }
0x9a: {  	s5 =	simm.s32 $_size__tile_overlayer_lowered;
	s6 =	simm.s32 $_tile_overlayer_lowered  }
0x9b: {  	s22 =	simm.s32 $0x1BFF;
	s21 =	sshll.u32 s6, $0x1;
	s3 =	sadd.s32 s4, s19  }
0x9c: {  	s7 =	simm.s32 $0x0;
	s20 =	sshll.u32 s5, $0x1;
	s5 =	sadd.s32 s21, s3  }
0x9d: {  	[timem:s7], [sflag:s22] =	dma.local [hbm:s5], s20  }
0x9e: {  	_ =	swait.ge [sflag:s22], s20  }
0x9f: {  	s4 =	ssub.s32 $0x0, s20;
	[sflag:s22] =	ssyncset.done $0x0  }
0xa0: {  	[sflag:s22] =	ssyncadd.s32 s4;
	_ =	sdelay $0x1  }
0xa1: {  	s23 =	simm.s32 $0x1B8B  }
0xa2: {  	_ =	swait.ge [sflag:s23], $0x1  }
0xa3: {  	[sflag:s23] =	ssyncset.done $0x0  }
0xa4: {  	s25 =	simm.s32 $0x1B8E;
	s24 =	sld [smem:$0x3FFE];
	[sflag:s23] =	ssyncadd.s32 $0xFFFFFFFF  }
0xa5: {  	s26 =	simm.s32 $execute0_lowered;
	[smem:$0x3FD2] =	sst s25  }
0xa6: {  	s5 =	sshll.u32 s26, $0x1;
	_ =	strace $0x8000004C;
	[dreg:$0x1] =	wrdreg $0xFFFFFFFF  }
0xa7: {  	s28 =	simm.s32 $_size_execute0_lowered;
	s3 =	sadd.s32 s3, s5;
	[dreg:$0x0] =	wrdreg $0x0  }
0xa8: {  	s5 =	sshll.u32 s28, $0x1;
	[dreg:$0x2] =	wrdreg s3  }
0xa9: {  	[dreg:$0x3] =	wrdreg s5  }
0xaa: {  	[dreg:$0x4] =	wrdreg $0xC0  }
0xab: {  	_ =	task [dreg:s7], $0x5FFFF  }
0xac: {  	[dreg:$0x1] =	wrdreg $0xFFFFFFFF  }
0xad: {  	[dreg:$0x0] =	wrdreg $0x60  }
0xae: {  	[dreg:$0x2] =	wrdreg s24  }
0xaf: {  	[dreg:$0x3] =	wrdreg s2  }
0xb0: {  	[dreg:$0x4] =	wrdreg $0x83000  }
0xb1: {  	[dreg:$0x5] =	wrdreg $0x9  }
0xb2: {  	_ =	task.clear_ibuf [dreg:s7], $0x6FFFF;
	_ =	strace $0x9000004C  }
0xb3: {  	s29 =	simm.s32 $0x9;
	_ =	strace $0x8000004E  }
0xb4: {  	_ =	swait.ge [sflag:s29], $0x1  }
0xb5: {  	[sflag:s29] =	ssyncadd.s32 $0xFFFFFFFF  }
0xb6: {  	_ =	strace $0x9000004E  }
0xb7: {  	_ =	sfence  }
0xb8: {  	s30 =	sld [smem:$0x0];
	_ =	sdelay $0x2  }
0xb9: {  	s31 =	sshll.u32 s1, $0xD;
	s1 =	sshrl.u32 s1, $0x2  }
0xba: {  	s3 =	sand.u32 $0x4000, s31;
	s1 =	sadd.s32 s1, s30  }
0xbb: {  	s0 =	sor.u32 s3, s0;
	s1 =	sshll.u32 s1, $0x11  }
0xbc: {  	s0 =	sor.u32 s1, s0  }
0xbd: {  	s0 =	sadd.s32 $0x8F2B, s0  }
0xbe: {  	[sflag:s0] =	ssyncadd.remote.s32 $0x1  }
0xbf: {  	_ =	sfence.sel $0xFFFF  }
0xc0: {  	[dreg:$0x0] =	wrdreg $0xFFFFFFFF;
	(pc) =	sbr.abs _section_cstart, $3  }
0xc1: {  	[dreg:$0x1] =	wrdreg $0xFFFFFFFF  }
0xc2: {  	_ =	task.clear_ibuf [dreg:s7], $0x2FFFF;
	_ =	strace $0x9FFFFFFF  }
0xc3: {  	(tm) =	ssettm $0x7FFFFFFF  }
tec
execute0_lowered:
.L_overlay_start_1:
0x0: {  	(tag) =	ssettag $0x1  }
0x1: {  	s0 =	rddreg [dreg:$0x0]  }
0x2: {  	s1 =	rddreg [dreg:$0x1]  }
0x3: {  	s2 =	rddreg [dreg:$0x2];
	s3 =	simm.s32 $0x0  }
0x4: {  	s10 =	stileid.u32;
	s4 =	srdreg.scid;
	s28 =	simm.s32 $0x200  }
0x5: {  	s29 =	simm.s32 $0x2;
	s30 =	simm.s32 $0x280;
	s5 =	smul.u32 $0x2800, s10  }
0x6: {  	s31 =	simm.s32 $0x3;
	[smem:$0x7FF] =	sst s3;
	s8 =	smul.u32 $0x50000, s10  }
0x7: {  	s6 =	sand.u32 $0x1, s4;
	s4 =	sadd.s32 $0x1C00, s0;
	s14 =	smul.u32 $0x280, s10  }
0x8: {  	s26 =	sshll.u32 s10, $0x6;
	_ =	strace $0x8000004D;
	s7 =	ssub.s32 $0x2, s6  }
0x9: {  	s15 =	smul.u32 $0x2800, s6;
	s6 =	sshll.u32 s6, $0x9;
	s9 =	sadd.s32 s5, s0  }
0xa: {  	s0 =	sadd.s32 $0x51C00, s0;
	s24 =	sshrl.u32 s7, $0x1;
	s25 =	sshrl.u32 s8, $0x2  }
0xb: {  	s8 =	sor.u32 $0x1C05, s26;
	s12 =	sadd.s32 $0x80, s14;
	s17 =	sadd.s32 $0x100, s14  }
0xc: {  	s21 =	sadd.s32 $0x180, s14;
	s23 =	sadd.s32 $0x200, s14;
	s1 =	sadd.s32 s6, s1  }
0xd: {  	s7 =	ssub.s32 s7, s24;
	s5 =	sadd.s32 s25, s2;
	s9 =	sadd.s32 $0x29C00, s9  }
0xe: {  	[dreg:$0x5] =	wrdreg s8;
	s13 =	sshll.u32 s12, $0x7;
	s24 =	sshll.u32 s23, $0x7  }
0xf: {  	[dreg:$0x4] =	wrdreg s9;
	s9 =	sshll.u32 s10, $0x5;
	s10 =	sadd.s32 s14, s15  }
0x10: {  	s18 =	sand.u32 $0x180, s9;
	s19 =	sand.u32 $0x60, s9;
	s11 =	sshll.u32 s10, $0x4  }
0x11: {  	s9 =	sadd.s32 s13, s2;
	s13 =	sadd.s32 s15, s17;
	s8 =	sadd.s32 s0, s11  }
0x12: {  	s11 =	sadd.s32 s15, s12;
	s12 =	sshll.u32 s17, $0x7;
	s20 =	sshll.u32 s13, $0x4  }
0x13: {  	s17 =	sadd.s32 s15, s21;
	s26 =	sadd.s32 s18, s1;
	s1 =	simm.s32 $0x0  }
0x14: {  	[dreg:$0x6] =	wrdreg s8;
	s16 =	sshll.u32 s11, $0x4;
	s11 =	sadd.s32 s12, s2  }
0x15: {  	s12 =	sadd.s32 s0, s20;
	s22 =	sshll.u32 s17, $0x4;
	s17 =	sadd.s32 s15, s23  }
0x16: {  	s15 =	sadd.s32 s24, s2;
	s18 =	sadd.s32 s19, s26;
	s19 =	sshrl.u32 s5, $0x3  }
0x17: {  	s20 =	simm.s32 $0x5;
	s23 =	simm.s32 $0x300;
	s24 =	simm.s32 $0x180  }
0x18: {  	s26 =	simm.s32 $0x1;
	s10 =	sadd.s32 s0, s16;
	s16 =	sshll.u32 s21, $0x7  }
0x19: {  	s14 =	sadd.s32 s0, s22;
	s25 =	sshll.u32 s17, $0x4;
	s17 =	smax.u32 s7, $0x1  }
0x1a: {  	s21 =	simm.s32 $0x80;
	s22 =	simm.s32 $0x100;
	s13 =	sadd.s32 s16, s2  }
0x1b: {  	s16 =	sadd.s32 s0, s25;
	s25 =	simm.s32 $0x4300;
	s0 =	simm.s32 $0x4  }
.LBB2_1:
0x1c: {  	s6 =	rddreg [dreg:$0x4]  }
0x1d: {  	s7 =	rddreg [dreg:$0x5]  }
0x1e: {  	[spmem:s19], [sflag:s7] =	dma.local [hbm:s6], $0x2800  }
0x1f: {  	_ =	swait.ge [sflag:s20], $0x2800  }
0x20: {  	[sflag:s20] =	ssyncset.done $0x0  }
0x21: {  	p0 =	por $0x1, $0x1;
	[sflag:s20] =	ssyncadd.s32 $0xFFFFD800  }
0x22: {  	s6 =	simm.s32 @!p0 $0x3;
	[bflag:$0x0] =	sbarrier.arrive $0xFFFF  }
0x23: {  	_ =	swait.ge @!p0 [sflag:s6], $0x4000  }
0x24: {  	[sflag:s6] =	ssyncset.done @!p0 $0x0  }
0x25: {  	[sflag:s6] =	ssyncadd.s32 @!p0 $0xFFFFC000;
	s6 =	simm.s32 @!p0 $0x4  }
0x26: {  	_ =	swait.ge @!p0 [sflag:s6], $0x4000  }
0x27: {  	[sflag:s6] =	ssyncset.done @!p0 $0x0  }
0x28: {  	s8 =	sadd.s32 $0x0, s18;
	[sflag:s6] =	ssyncadd.s32 @!p0 $0xFFFFC000  }
0x29: {  	[tilespmem:s3], [sflag:$0x5] =	stream.linear.gather [hbm4b:s8+s3], $0x100, $0x38;
	[tilespmem:$0x1C300] =	vst v63  }
0x2a: {  	_ =	swait.ge [sflag:s20], $0x100  }
0x2b: {  	[sflag:s20] =	ssyncset.done $0x0  }
0x2c: {  	[sflag:s20] =	ssyncadd.s32 $0xFFFFFF00  }
0x2d: {  	v1 =	vld [tilespmem:$0x0]  }
0x2e: {  	v0 =	vld [tilespmem:$0x30]  }
0x2f: {  	v2 =	vld [tilespmem:$0x60]  }
0x30: {  	v6 =	vld [tilespmem:$0x50]  }
0x31: {  	v7 =	vld [tilespmem:$0x10]  }
0x32: {  	v8 =	vld [tilespmem:$0x40]  }
0x33: {  	v3 =	vld [tilespmem:$0x20]  }
0x34: {  	v11 =	vld [tilespmem:$0x70]  }
0x35: {  	v9 =	vand.u32 $0x7FFF, v6;
	v4 =	vand.u32 $0x7FFF, v2;
	v12 =	vshrl.u32 v2, $0xF  }
0x36: {  	v2 =	vand.u32 $0x7FFF, v0;
	v5 =	vshrl.u32 v0, $0xF;
	v6 =	vshrl.u32 v6, $0xF;
	[tilespmem:$0x150] =	vst v9  }
0x37: {  	v0 =	vand.u32 $0x7FFF, v1;
	v1 =	vshrl.u32 v1, $0xF;
	v13 =	vshrl.u32 v8, $0xF;
	[tilespmem:$0x250] =	vst v6  }
0x38: {  	v10 =	vshrl.u32 v7, $0xF;
	v6 =	vand.u32 $0x7FFF, v7;
	v9 =	vand.u32 $0x7FFF, v8;
	[tilespmem:$0x260] =	vst v12  }
0x39: {  	s6 =	simm.s32 $0x400;
	v8 =	vand.u32 $0x7FFF, v3;
	[tilespmem:$0x240] =	vst v13;
	v7 =	vand.u32 $0x7FFF, v11;
	v11 =	vshrl.u32 v11, $0xF  }
.LBB2_2:
0x3a: {  	[tilespmem:$0x210] =	vst v10;
	v3 =	vshrl.u32 v3, $0xF;
	s7 =	smov.u32 s6;
	s6 =	sadd.s32 $0x400, s6  }
0x3b: {  	p0 =	sne.s32 s6, $0xA400;
	[tilespmem:$0x140] =	vst v9  }
0x3c: {  	[tilespmem:$0x160] =	vst v4  }
0x3d: {  	[tilespmem:$0x270] =	vst v11  }
0x3e: {  	[tilespmem:$0x230] =	vst v5  }
0x3f: {  	[tilespmem:$0x130] =	vst v2  }
0x40: {  	[tilespmem:$0x220] =	vst v3  }
0x41: {  	[tilespmem:$0x120] =	vst v8  }
0x42: {  	[tilespmem:$0x110] =	vst v6  }
0x43: {  	[tilespmem:$0x170] =	vst v7  }
0x44: {  	[tilespmem:$0x200] =	vst v1  }
0x45: {  	[tilespmem:$0x100] =	vst v0  }
0x46: {  	[tilespmem:s23], [sflag:$0x1] =	stream.indirect.gather [hbm4b:s4+s21], $0x80, s22, s21, $0xb8;
	[tilespmem:$0x1C300] =	vst v63  }
0x47: {  	v0 =	vld [tilespmem:$0x80]  }
0x48: {  	v1 =	vld [tilespmem:$0x90]  }
0x49: {  	v2 =	vld [tilespmem:$0xA0]  }
0x4a: {  	v3 =	vld [tilespmem:$0xB0]  }
0x4b: {  	v4 =	vld [tilespmem:$0xC0]  }
0x4c: {  	v5 =	vand.u32 $0x7FFF, v0;
	v0 =	vshrl.u32 v0, $0xF;
	v6 =	vld [tilespmem:$0xD0]  }
0x4d: {  	[tilespmem:$0x180] =	vst v5;
	v5 =	vand.u32 $0x7FFF, v1;
	v1 =	vshrl.u32 v1, $0xF;
	v7 =	vld [tilespmem:$0xF0]  }
0x4e: {  	[tilespmem:$0x190] =	vst v5;
	v5 =	vand.u32 $0x7FFF, v2;
	v2 =	vshrl.u32 v2, $0xF  }
0x4f: {  	[tilespmem:$0x1A0] =	vst v5;
	v5 =	vand.u32 $0x7FFF, v3;
	v3 =	vshrl.u32 v3, $0xF  }
0x50: {  	[tilespmem:$0x1B0] =	vst v5;
	v5 =	vand.u32 $0x7FFF, v4;
	v4 =	vshrl.u32 v4, $0xF  }
0x51: {  	[tilespmem:$0x1C0] =	vst v5;
	v5 =	vand.u32 $0x7FFF, v6;
	v6 =	vshrl.u32 v6, $0xF  }
0x52: {  	[tilespmem:$0x2C0] =	vst v4;
	v4 =	vand.u32 $0x7FFF, v7;
	v7 =	vshrl.u32 v7, $0xF  }
0x53: {  	[tilespmem:$0x2B0] =	vst v3  }
0x54: {  	[tilespmem:$0x2A0] =	vst v2  }
0x55: {  	[tilespmem:$0x290] =	vst v1;
	v1 =	vld [tilespmem:$0xE0]  }
0x56: {  	[tilespmem:$0x1F0] =	vst v4  }
0x57: {  	[tilespmem:$0x1D0] =	vst v5  }
0x58: {  	[tilespmem:$0x2D0] =	vst v6  }
0x59: {  	[tilespmem:$0x2F0] =	vst v7  }
0x5a: {  	[tilespmem:$0x280] =	vst v0;
	v0 =	vand.u32 $0x7FFF, v1;
	v1 =	vshrl.u32 v1, $0xF  }
0x5b: {  	[tilespmem:$0x1E0] =	vst v0  }
0x5c: {  	[tilespmem:$0x2E0] =	vst v1  }
0x5d: {  	[tilespmem:s25], [sflag:$0x2] =	stream.indirect.gather [hbm4b:s4+s21], $0x80, s24, s21, $0xb8;
	[tilespmem:$0x1C300] =	vst v63  }
0x5e: {  	_ =	swait.ge [sflag:s26], $0x4000  }
0x5f: {  	[sflag:s26] =	ssyncset.done $0x0  }
0x60: {  	[sflag:s26] =	ssyncadd.s32 $0xFFFFC000  }
0x61: {  	[spmem:s2] =	stream.indirect.scatter.add.f32 [tilespmem:s23], [sflag:$0x3], $0x80, s28, s21, $0xb8;
	[tilespmem:$0x1C300] =	vst v63  }
0x62: {  	_ =	swait.ge [sflag:s29], $0x4000  }
0x63: {  	[sflag:s29] =	ssyncset.done $0x0  }
0x64: {  	p1 =	seq.s32 s7, $0x0;
	[sflag:s29] =	ssyncadd.s32 $0xFFFFC000  }
0x65: {  	[spmem:s2] =	stream.indirect.scatter.add.f32 [tilespmem:s25], [sflag:$0x4], $0x80, s30, s21, $0xb8;
	[tilespmem:$0x1C300] =	vst v63  }
0x66: {  	s8 =	simm.s32 @!p1 $0x3  }
0x67: {  	_ =	swait.ge @!p1 [sflag:s8], $0x4000  }
0x68: {  	[sflag:s8] =	ssyncset.done @!p1 $0x0  }
0x69: {  	[sflag:s8] =	ssyncadd.s32 @!p1 $0xFFFFC000;
	s8 =	simm.s32 @!p1 $0x4  }
0x6a: {  	_ =	swait.ge @!p1 [sflag:s8], $0x4000  }
0x6b: {  	[sflag:s8] =	ssyncset.done @!p1 $0x0  }
0x6c: {  	s7 =	sadd.s32 s7, s18;
	[sflag:s8] =	ssyncadd.s32 @!p1 $0xFFFFC000  }
0x6d: {  	[tilespmem:s3], [sflag:$0x5] =	stream.linear.gather [hbm4b:s7+s3], $0x100, $0x38;
	[tilespmem:$0x1C300] =	vst v63  }
0x6e: {  	_ =	swait.ge [sflag:s20], $0x100  }
0x6f: {  	[sflag:s20] =	ssyncset.done $0x0  }
0x70: {  	[sflag:s20] =	ssyncadd.s32 $0xFFFFFF00  }
0x71: {  	v1 =	vld [tilespmem:$0x0]  }
0x72: {  	v0 =	vld [tilespmem:$0x30]  }
0x73: {  	v2 =	vld [tilespmem:$0x60]  }
0x74: {  	v6 =	vld [tilespmem:$0x50]  }
0x75: {  	v7 =	vld [tilespmem:$0x10]  }
0x76: {  	v8 =	vld [tilespmem:$0x40]  }
0x77: {  	v3 =	vld [tilespmem:$0x20]  }
0x78: {  	v11 =	vld [tilespmem:$0x70]  }
.Ltmp0:
0x79: {  	v4 =	vand.u32 $0x7FFF, v2;
	v12 =	vshrl.u32 v2, $0xF;
	v9 =	vand.u32 $0x7FFF, v6;
	(pc) =	sbr.rel @p0 .LBB2_2-.Ltmp0, $4  }
0x7a: {  	v5 =	vshrl.u32 v0, $0xF;
	v2 =	vand.u32 $0x7FFF, v0;
	v6 =	vshrl.u32 v6, $0xF;
	[tilespmem:$0x150] =	vst v9  }
0x7b: {  	v0 =	vand.u32 $0x7FFF, v1;
	v1 =	vshrl.u32 v1, $0xF;
	v13 =	vshrl.u32 v8, $0xF;
	[tilespmem:$0x250] =	vst v6  }
0x7c: {  	v10 =	vshrl.u32 v7, $0xF;
	v6 =	vand.u32 $0x7FFF, v7;
	v9 =	vand.u32 $0x7FFF, v8;
	[tilespmem:$0x260] =	vst v12  }
0x7d: {  	v8 =	vand.u32 $0x7FFF, v3;
	[tilespmem:$0x240] =	vst v13;
	v7 =	vand.u32 $0x7FFF, v11;
	v11 =	vshrl.u32 v11, $0xF  }
0x7e: {  	[tilespmem:$0x210] =	vst v10  }
0x7f: {  	[tilespmem:$0x140] =	vst v9  }
0x80: {  	[tilespmem:$0x160] =	vst v4  }
0x81: {  	[tilespmem:$0x270] =	vst v11  }
0x82: {  	[tilespmem:$0x230] =	vst v5  }
0x83: {  	[tilespmem:$0x130] =	vst v2  }
0x84: {  	[tilespmem:$0x120] =	vst v8  }
0x85: {  	[tilespmem:$0x110] =	vst v6  }
0x86: {  	[tilespmem:$0x170] =	vst v7  }
0x87: {  	[tilespmem:$0x200] =	vst v1  }
0x88: {  	v3 =	vshrl.u32 v3, $0xF;
	[tilespmem:$0x100] =	vst v0  }
0x89: {  	[tilespmem:$0x220] =	vst v3  }
0x8a: {  	[tilespmem:s23], [sflag:$0x1] =	stream.indirect.gather [hbm4b:s4+s21], $0x80, s22, s21, $0xb8;
	[tilespmem:$0x1C300] =	vst v63  }
0x8b: {  	v46 =	vld [tilespmem:$0x80]  }
0x8c: {  	v47 =	vld [tilespmem:$0x90]  }
0x8d: {  	v48 =	vld [tilespmem:$0xA0]  }
0x8e: {  	v49 =	vld [tilespmem:$0xB0]  }
0x8f: {  	v50 =	vld [tilespmem:$0xC0]  }
0x90: {  	v51 =	vand.u32 $0x7FFF, v46  }
0x91: {  	v52 =	vand.u32 $0x7FFF, v47;
	[tilespmem:$0x180] =	vst v51  }
0x92: {  	v53 =	vand.u32 $0x7FFF, v48;
	[tilespmem:$0x190] =	vst v52  }
0x93: {  	v54 =	vand.u32 $0x7FFF, v49;
	[tilespmem:$0x1A0] =	vst v53  }
0x94: {  	v55 =	vld [tilespmem:$0xF0];
	v56 =	vand.u32 $0x7FFF, v50;
	[tilespmem:$0x1B0] =	vst v54  }
0x95: {  	v57 =	vld [tilespmem:$0xD0];
	v4 =	vshrl.u32 v50, $0xF;
	[tilespmem:$0x1C0] =	vst v56  }
0x96: {  	v3 =	vshrl.u32 v49, $0xF;
	[tilespmem:$0x2C0] =	vst v4  }
0x97: {  	v2 =	vshrl.u32 v48, $0xF;
	[tilespmem:$0x2B0] =	vst v3  }
0x98: {  	v1 =	vshrl.u32 v47, $0xF;
	[tilespmem:$0x2A0] =	vst v2  }
0x99: {  	v59 =	vld [tilespmem:$0xE0];
	v58 =	vand.u32 $0x7FFF, v55;
	[tilespmem:$0x290] =	vst v1  }
0x9a: {  	v60 =	vand.u32 $0x7FFF, v57;
	[tilespmem:$0x1F0] =	vst v58  }
0x9b: {  	v61 =	vshrl.u32 v57, $0xF;
	[tilespmem:$0x1D0] =	vst v60  }
0x9c: {  	v62 =	vshrl.u32 v55, $0xF;
	[tilespmem:$0x2D0] =	vst v61  }
0x9d: {  	v0 =	vshrl.u32 v46, $0xF;
	[tilespmem:$0x2F0] =	vst v62  }
0x9e: {  	v63 =	vand.u32 $0x7FFF, v59;
	[tilespmem:$0x280] =	vst v0  }
0x9f: {  	v1 =	vshrl.u32 v59, $0xF;
	[tilespmem:$0x1E0] =	vst v63  }
0xa0: {  	[tilespmem:$0x2E0] =	vst v1  }
0xa1: {  	[tilespmem:s25], [sflag:$0x2] =	stream.indirect.gather [hbm4b:s4+s21], $0x80, s24, s21, $0xb8;
	[tilespmem:$0x1C300] =	vst v63  }
0xa2: {  	_ =	swait.ge [sflag:s26], $0x4000  }
0xa3: {  	[sflag:s26] =	ssyncset.done $0x0  }
0xa4: {  	[sflag:s26] =	ssyncadd.s32 $0xFFFFC000  }
0xa5: {  	[spmem:s2] =	stream.indirect.scatter.add.f32 [tilespmem:s23], [sflag:$0x3], $0x80, s28, s21, $0xb8;
	[tilespmem:$0x1C300] =	vst v63  }
0xa6: {  	_ =	swait.ge [sflag:s29], $0x4000  }
0xa7: {  	[sflag:s29] =	ssyncset.done $0x0  }
0xa8: {  	[sflag:s29] =	ssyncadd.s32 $0xFFFFC000  }
0xa9: {  	[spmem:s2] =	stream.indirect.scatter.add.f32 [tilespmem:s25], [sflag:$0x4], $0x80, s30, s21, $0xb8;
	[tilespmem:$0x1C300] =	vst v63  }
0xaa: {  	_ =	swait.ge [sflag:s31], $0x4000  }
0xab: {  	[sflag:s31] =	ssyncset.done $0x0  }
0xac: {  	[sflag:s31] =	ssyncadd.s32 $0xFFFFC000  }
0xad: {  	_ =	swait.ge [sflag:s0], $0x4000  }
0xae: {  	[sflag:s0] =	ssyncset.done $0x0  }
0xaf: {  	[sflag:s0] =	ssyncadd.s32 $0xFFFFC000  }
0xb0: {  	[bflag:$0x0] =	sbarrier.arrive $0xFFFF  }
0xb1: {  	[tilespmem:s23], [sflag:$0x5] =	stream.linear.gather [spmem:s5], $0x4000, $0x38;
	[tilespmem:$0x1C300] =	vst v63  }
0xb2: {  	_ =	swait.ge [sflag:s20], $0x4000  }
0xb3: {  	[sflag:s20] =	ssyncset.done $0x0  }
0xb4: {  	s6 =	rddreg [dreg:$0x6];
	[sflag:s20] =	ssyncadd.s32 $0xFFFFC000  }
0xb5: {  	[hbm4b:s6+s3] =	stream.linear.scatter [tilespmem:s23], [sflag:$0x5], $0x4000, $0x38;
	[tilespmem:$0x1C300] =	vst v63  }
0xb6: {  	_ =	swait.ge [sflag:s20], $0x4000  }
0xb7: {  	[sflag:s20] =	ssyncset.done $0x0  }
0xb8: {  	[sflag:s20] =	ssyncadd.s32 $0xFFFFC000  }
0xb9: {  	[tilespmem:s25], [sflag:$0x5] =	stream.linear.gather [spmem:s9], $0x4000, $0x38;
	[tilespmem:$0x1C300] =	vst v63  }
0xba: {  	_ =	swait.ge [sflag:s20], $0x4000  }
0xbb: {  	[sflag:s20] =	ssyncset.done $0x0  }
0xbc: {  	[sflag:s20] =	ssyncadd.s32 $0xFFFFC000  }
0xbd: {  	[hbm4b:s10+s3] =	stream.linear.scatter [tilespmem:s25], [sflag:$0x5], $0x4000, $0x38;
	[tilespmem:$0x1C300] =	vst v63  }
0xbe: {  	_ =	swait.ge [sflag:s20], $0x4000  }
0xbf: {  	[sflag:s20] =	ssyncset.done $0x0  }
0xc0: {  	[sflag:s20] =	ssyncadd.s32 $0xFFFFC000  }
0xc1: {  	[tilespmem:s23], [sflag:$0x5] =	stream.linear.gather [spmem:s11], $0x4000, $0x38;
	[tilespmem:$0x1C300] =	vst v63  }
0xc2: {  	_ =	swait.ge [sflag:s20], $0x4000  }
0xc3: {  	[sflag:s20] =	ssyncset.done $0x0  }
0xc4: {  	[sflag:s20] =	ssyncadd.s32 $0xFFFFC000  }
0xc5: {  	[hbm4b:s12+s3] =	stream.linear.scatter [tilespmem:s23], [sflag:$0x5], $0x4000, $0x38;
	[tilespmem:$0x1C300] =	vst v63  }
0xc6: {  	_ =	swait.ge [sflag:s20], $0x4000  }
0xc7: {  	[sflag:s20] =	ssyncset.done $0x0  }
0xc8: {  	[sflag:s20] =	ssyncadd.s32 $0xFFFFC000  }
0xc9: {  	[tilespmem:s25], [sflag:$0x5] =	stream.linear.gather [spmem:s13], $0x4000, $0x38;
	[tilespmem:$0x1C300] =	vst v63  }
0xca: {  	_ =	swait.ge [sflag:s20], $0x4000  }
0xcb: {  	[sflag:s20] =	ssyncset.done $0x0  }
0xcc: {  	[sflag:s20] =	ssyncadd.s32 $0xFFFFC000  }
0xcd: {  	[hbm4b:s14+s3] =	stream.linear.scatter [tilespmem:s25], [sflag:$0x5], $0x4000, $0x38;
	[tilespmem:$0x1C300] =	vst v63  }
0xce: {  	_ =	swait.ge [sflag:s20], $0x4000  }
0xcf: {  	[sflag:s20] =	ssyncset.done $0x0  }
0xd0: {  	[sflag:s20] =	ssyncadd.s32 $0xFFFFC000  }
0xd1: {  	[tilespmem:s23], [sflag:$0x5] =	stream.linear.gather [spmem:s15], $0x4000, $0x38;
	[tilespmem:$0x1C300] =	vst v63  }
0xd2: {  	s1 =	sadd.s32 $0x1, s1;
	_ =	swait.ge [sflag:s20], $0x4000  }
0xd3: {  	p0 =	sne.s32 s1, s17;
	[sflag:s20] =	ssyncset.done $0x0  }
.Ltmp1:
0xd4: {  	[sflag:s20] =	ssyncadd.s32 $0xFFFFC000;
	(pc) =	sbr.rel @p0 .LBB2_1-.Ltmp1, $4  }
0xd5: {  	[hbm4b:s16+s3] =	stream.linear.scatter [tilespmem:s23], [sflag:$0x5], $0x4000, $0x38;
	[tilespmem:$0x1C300] =	vst v63  }
0xd6: {  	_ =	swait.ge [sflag:s20], $0x4000  }
0xd7: {  	[sflag:s20] =	ssyncset.done $0x0  }
0xd8: {  	[sflag:s20] =	ssyncadd.s32 $0xFFFFC000  }
0xd9: {  	_ =	sfence.sel $0x180000  }
0xda: {  	[bflag:$0x0] =	sbarrier.arrive $0xFFFF  }
0xdb: {  	_ =	strace $0x9000004D  }
0xdc: {  	s0 =	stileid.u32;
	[bflag:$0x2] =	sbarrier.arrive $0xFFFF  }
0xdd: {  	p0 =	sne.s32 s0, $0x0;
	s0 =	rddreg [dreg:$0x3]  }
0xde: {  	s0 =	sadd.s32 @!p0 $0x100000, s0  }
0xdf: {  	[sflag:s0] =	ssyncadd.tile.s32 @!p0 $0x1;
	_ =	shalt  }
.Lfunc_end2:
_tile_overlayer_lowered:
.L_overlay_start_2:
0xe0: {  	(tag) =	ssettag $0x2  }
0xe1: {  	s0 =	rddreg [dreg:$0x0];
	s2 =	stileid.u32  }
0xe2: {  	s1 =	rddreg [dreg:$0x1];
	p0 =	sne.s32 s2, $0x0  }
0xe3: {  	s3 =	rddreg [dreg:$0x2];
	[bflag:$0x3] =	sbarrier.arrive $0xFFFF;
	s2 =	simm.s32 @!p0 $0x1C05  }
0xe4: {  	[timem:s3], [sflag:s2] =	dma.local @!p0 [hbm:s0], s1  }
0xe5: {  	s0 =	simm.s32 @!p0 $0x5  }
0xe6: {  	_ =	swait.ge @!p0 [sflag:s0], s1  }
0xe7: {  	s1 =	ssub.s32 @!p0 $0x0, s1;
	[sflag:s0] =	ssyncset.done @!p0 $0x0  }
0xe8: {  	[sflag:s0] =	ssyncadd.s32 @!p0 s1  }
0xe9: {  	[bflag:$0x3] =	sbarrier.arrive $0xFFFF  }
0xea: {  	_ =	shalt  }

// kernel: _run.9.cloned.1.call-start
scs
__scs_entry_jumppad:
0x0: {  	(pc) =	sbr.rel $0x88, $3  }
0x1: {  	(tag) =	ssettag $0x0;
	lr =	simm.s32 $0x1  }
0x2: {  	[smem:$0x3F9B] =	sst lr;
	_ =	strace $0xD0000000  }
0x3: {  	_ = 	snop  }
0x4: {  	_ = 	snop  }
0x5: {  	_ = 	snop  }
0x6: {  	_ = 	snop  }
0x7: {  	_ = 	snop  }
__scs_overlays_trampoline_lowered:
0x8: {  	[smem:$0x3FAA] =	sst s0  }
0x9: {  	[smem:$0x3FAB] =	sst s1  }
0xa: {  	[smem:$0x3FAC] =	sst s2  }
0xb: {  	[smem:$0x3FAD] =	sst s3  }
0xc: {  	[smem:$0x3FAE] =	sst s4  }
0xd: {  	[smem:$0x3FAF] =	sst s5  }
0xe: {  	[smem:$0x3FB0] =	sst s6  }
0xf: {  	[smem:$0x3FB1] =	sst s7  }
0x10: {  	[smem:$0x3FB2] =	sst s8  }
0x11: {  	[smem:$0x3FB3] =	sst s9;
	s0 =	simm.s32 @!p0 $0x0  }
0x12: {  	s1 =	sld [smem:$0x3F99];
	s0 =	simm.s32 @p0 $0x1  }
0x13: {  	[smem:$0x3FB4] =	sst s0;
	s0 =	simm.s32 @!p1 $0x0  }
0x14: {  	s2 =	sld [smem:$0x3F98];
	s0 =	simm.s32 @p1 $0x1  }
0x15: {  	[smem:$0x3FB5] =	sst s0;
	s0 =	simm.s32 @!p2 $0x0  }
0x16: {  	s3 =	sld [smem:$0x3FDB];
	s0 =	simm.s32 @p2 $0x1  }
0x17: {  	s4 =	simm.s32 $0x1BF5;
	[smem:$0x3FB7] =	sst s0  }
0x18: {  	s0 =	sld [smem:$0x3F9A];
	_ =	swait.ge [sflag:s4], $0x0  }
0x19: {  	s7 =	sld [smem:$0x3F9B]  }
0x1a: {  	s8 =	sadd.s32 $0xFFFFE003, lr  }
0x1b: {  	s9 =	sadd.s32 $0xFFFFFEF7, lr;
	s5 =	simm.s32 $0xFFFFFFFF;
	p2 =	slt.u32 s8, $0xFFFFF086  }
0x1c: {  	p1 =	slt.u32 s9, $0xF7A;
	s5 =	simm.s32 @!p2 $0x0  }
0x1d: {  	s5 =	simm.s32 @p1 $0x1;
	p0 =	seq.s32 s7, s2  }
0x1e: {  	s7 =	smul.u32 @!p0 $0xF7A, s2;
	p2 =	seq.s32 @!p0 s5, $0x0  }
0x1f: {  	s9 =	smul.u32 $0xF7A, s1;
	s8 =	simm.s32 @!p0 $0x1BF5;
	p2 =	por !p2, p0  }
0x20: {  	[sflag:s8] =	ssyncset.s32 @!p0 $0xFFFFF086;
	s6 =	sadd.s32 @!p0 s3, s7;
	s7 =	simm.s32 @!p0 $0x108  }
0x21: {  	s3 =	sadd.s32 s3, s9;
	s6 =	sadd.s32 @!p0 $0x88, s6;
	s7 =	simm.s32 @p2 $0x1082  }
0x22: {  	[simem:s7], [sflag:s8] =	dma.local @!p0 [hbm:s6], $0xF7A  }
0x23: {  	s9 =	sor.u32 $0xD0000000, s2;
	s6 =	simm.s32 $0x108;
	_ =	swait.ge @!p0 [sflag:s8], $0x0  }
0x24: {  	s3 =	sadd.s32 $0x88, s3;
	s6 =	simm.s32 @!p1 $0x1082;
	[sflag:s4] =	ssyncset.s32 $0xFFFFF086  }
0x25: {  	[simem:s6], [sflag:s4] =	dma.local [hbm:s3], $0xF7A  }
0x26: {  	[smem:$0x3F9B] =	sst s1;
	(tag) =	ssettag s2;
	_ =	strace s9  }
0x27: {  	s1 =	sld [smem:$0x3FAB]  }
0x28: {  	s2 =	sld [smem:$0x3FAC]  }
0x29: {  	s4 =	sld [smem:$0x3FAE]  }
0x2a: {  	p0 =	seq.s32 s5, $0x0;
	s5 =	sld [smem:$0x3FAF]  }
0x2b: {  	s6 =	sld [smem:$0x3FB0]  }
0x2c: {  	s7 =	sld [smem:$0x3FB1]  }
0x2d: {  	s3 =	simm.s32 $0x108;
	s8 =	sld [smem:$0x3FB2]  }
0x2e: {  	s3 =	simm.s32 @!p0 $0x1082;
	s9 =	sld [smem:$0x3FB3]  }
0x2f: {  	lr =	sadd.s32 s0, s3;
	s0 =	sld [smem:$0x3FAA]  }
0x30: {  	s3 =	sld [smem:$0x3FAD]  }
0x31: {  	[smem:$0x3FB6] =	sst s10  }
0x32: {  	s10 =	sld [smem:$0x3FB4];
	_ =	sdelay $0x3  }
0x33: {  	p0 =	seq.s32 s10, $0x1;
	s10 =	sld [smem:$0x3FB6];
	_ =	sdelay $0x3  }
0x34: {  	[smem:$0x3FB6] =	sst s10  }
0x35: {  	s10 =	sld [smem:$0x3FB5];
	_ =	sdelay $0x3  }
0x36: {  	p1 =	seq.s32 s10, $0x1;
	s10 =	sld [smem:$0x3FB6];
	_ =	sdelay $0x3  }
0x37: {  	[smem:$0x3FB6] =	sst s10  }
0x38: {  	s10 =	sld [smem:$0x3FB7]  }
0x39: {  	_ = 	snop;
	(pc) =	sbr.ind lr, $3  }
0x3a: {  	_ = 	snop  }
0x3b: {  	_ = 	snop  }
0x3c: {  	p2 =	seq.s32 s10, $0x1;
	s10 =	sld [smem:$0x3FB6]  }
0x3d: {  	_ =	shalt  }
0x3e: {  	_ =	shalt  }
0x3f: {  	_ =	shalt  }
0x40: {  	_ =	shalt  }
0x41: {  	_ =	shalt  }
0x42: {  	_ =	shalt  }
0x43: {  	_ =	shalt  }
0x44: {  	_ =	shalt  }
0x45: {  	_ =	shalt  }
0x46: {  	_ =	shalt  }
0x47: {  	_ =	shalt  }
0x48: {  	_ =	shalt  }
0x49: {  	_ =	shalt  }
0x4a: {  	_ =	shalt  }
0x4b: {  	_ =	shalt  }
0x4c: {  	_ =	shalt  }
0x4d: {  	_ =	shalt  }
0x4e: {  	_ =	shalt  }
0x4f: {  	_ =	shalt  }
0x50: {  	_ =	shalt  }
0x51: {  	_ =	shalt  }
0x52: {  	_ =	shalt  }
0x53: {  	_ =	shalt  }
0x54: {  	_ =	shalt  }
0x55: {  	_ =	shalt  }
0x56: {  	_ =	shalt  }
0x57: {  	_ =	shalt  }
0x58: {  	_ =	shalt  }
0x59: {  	_ =	shalt  }
0x5a: {  	_ =	shalt  }
0x5b: {  	_ =	shalt  }
0x5c: {  	_ =	shalt  }
0x5d: {  	_ =	shalt  }
0x5e: {  	_ =	shalt  }
0x5f: {  	_ =	shalt  }
0x60: {  	_ =	shalt  }
0x61: {  	_ =	shalt  }
0x62: {  	_ =	shalt  }
0x63: {  	_ =	shalt  }
0x64: {  	_ =	shalt  }
0x65: {  	_ =	shalt  }
0x66: {  	_ =	shalt  }
0x67: {  	_ =	shalt  }
0x68: {  	_ =	shalt  }
0x69: {  	_ =	shalt  }
0x6a: {  	_ =	shalt  }
0x6b: {  	_ =	shalt  }
0x6c: {  	_ =	shalt  }
0x6d: {  	_ =	shalt  }
0x6e: {  	_ =	shalt  }
0x6f: {  	_ =	shalt  }
0x70: {  	_ =	shalt  }
0x71: {  	_ =	shalt  }
0x72: {  	_ =	shalt  }
0x73: {  	_ =	shalt  }
0x74: {  	_ =	shalt  }
0x75: {  	_ =	shalt  }
0x76: {  	_ =	shalt  }
0x77: {  	_ =	shalt  }
0x78: {  	_ =	shalt  }
0x79: {  	_ =	shalt  }
0x7a: {  	_ =	shalt  }
0x7b: {  	_ =	shalt  }
0x7c: {  	_ =	shalt  }
0x7d: {  	_ =	shalt  }
0x7e: {  	_ =	shalt  }
0x7f: {  	_ =	shalt  }
0x80: {  	_ =	shalt  }
0x81: {  	_ =	shalt  }
0x82: {  	_ =	shalt  }
0x83: {  	_ =	shalt  }
0x84: {  	_ =	shalt  }
0x85: {  	_ =	shalt  }
0x86: {  	_ =	shalt  }
0x87: {  	_ =	shalt  }
.Lfunc_end0:
.L_simem_size_0:
called_computation_lowered:
.L_overlay_start_0:
0x88: {  	s2 =	sld [smem:$0x3FD9]  }
0x89: {  	s3 =	sld [smem:$0x3FFE];
	_ =	sdelay $0x1  }
0x8a: {  	s1 =	srdreg.scid  }
0x8b: {  	s0 =	sand.u32 $0x1, s1  }
0x8c: {  	s17 =	sshll.u32 s0, $0xA;
	s2 =	sadd.s32 s3, s2  }
0x8d: {  	s2 =	sadd.s32 s2, s17  }
0x8e: {  	[smem:$0x3FC2] =	sst s2  }
0x8f: {  	_ = 	snop  }
0x90: {  	s2 =	sld [smem:$0x3FD0];
	(tm) =	ssettm $0x1  }
0x91: {  	s18 =	sld [smem:$0x3FFB];
	_ =	sdelay $0x3  }
0x92: {  	_ =	strace s18  }
0x93: {  	s3 =	sld [smem:$0x3FFC];
	_ =	sdelay $0x3  }
0x94: {  	_ =	strace s3  }
0x95: {  	s3 =	sld [smem:$0x3FFD];
	_ =	sdelay $0x3  }
0x96: {  	_ =	strace s3  }
0x97: {  	_ =	strace $0x8FFFFFFF  }
0x98: {  	s19 =	sld [smem:$0x3FDB];
	_ =	sdelay $0x1  }
0x99: {  	s4 =	simm.s32 $_scs_section_size  }
0x9a: {  	s5 =	simm.s32 $_size__tile_overlayer_lowered;
	s6 =	simm.s32 $_tile_overlayer_lowered  }
0x9b: {  	s22 =	simm.s32 $0x1BFF;
	s21 =	sshll.u32 s6, $0x1;
	s3 =	sadd.s32 s4, s19  }
0x9c: {  	s7 =	simm.s32 $0x0;
	s20 =	sshll.u32 s5, $0x1;
	s5 =	sadd.s32 s21, s3  }
0x9d: {  	[timem:s7], [sflag:s22] =	dma.local [hbm:s5], s20  }
0x9e: {  	_ =	swait.ge [sflag:s22], s20  }
0x9f: {  	s4 =	ssub.s32 $0x0, s20;
	[sflag:s22] =	ssyncset.done $0x0  }
0xa0: {  	[sflag:s22] =	ssyncadd.s32 s4;
	_ =	sdelay $0x1  }
0xa1: {  	s23 =	simm.s32 $0x1B8B  }
0xa2: {  	_ =	swait.ge [sflag:s23], $0x1  }
0xa3: {  	[sflag:s23] =	ssyncset.done $0x0  }
0xa4: {  	s25 =	simm.s32 $0x1B8E;
	s24 =	sld [smem:$0x3FFE];
	[sflag:s23] =	ssyncadd.s32 $0xFFFFFFFF  }
0xa5: {  	s26 =	simm.s32 $execute0_lowered;
	[smem:$0x3FD2] =	sst s25  }
0xa6: {  	s5 =	sshll.u32 s26, $0x1;
	_ =	strace $0x80000046;
	[dreg:$0x1] =	wrdreg $0xFFFFFFFF  }
0xa7: {  	s28 =	simm.s32 $_size_execute0_lowered;
	s3 =	sadd.s32 s3, s5;
	[dreg:$0x0] =	wrdreg $0x0  }
0xa8: {  	s5 =	sshll.u32 s28, $0x1;
	[dreg:$0x2] =	wrdreg s3  }
0xa9: {  	[dreg:$0x3] =	wrdreg s5  }
0xaa: {  	[dreg:$0x4] =	wrdreg $0xC0  }
0xab: {  	_ =	task [dreg:s7], $0x5FFFF  }
0xac: {  	[dreg:$0x1] =	wrdreg $0xFFFFFFFF  }
0xad: {  	[dreg:$0x0] =	wrdreg $0x60  }
0xae: {  	[dreg:$0x2] =	wrdreg s2  }
0xaf: {  	[dreg:$0x3] =	wrdreg s24  }
0xb0: {  	[dreg:$0x4] =	wrdreg $0x5000  }
0xb1: {  	[dreg:$0x5] =	wrdreg $0x9  }
0xb2: {  	_ =	task.clear_ibuf [dreg:s7], $0x6FFFF;
	_ =	strace $0x90000046  }
0xb3: {  	s29 =	simm.s32 $0x9;
	_ =	strace $0x80000048  }
0xb4: {  	_ =	swait.ge [sflag:s29], $0x1  }
0xb5: {  	[sflag:s29] =	ssyncadd.s32 $0xFFFFFFFF  }
0xb6: {  	_ =	strace $0x90000048  }
0xb7: {  	_ =	sfence  }
0xb8: {  	s30 =	sld [smem:$0x0];
	_ =	sdelay $0x2  }
0xb9: {  	s31 =	sshll.u32 s1, $0xD;
	s1 =	sshrl.u32 s1, $0x2  }
0xba: {  	s3 =	sand.u32 $0x4000, s31;
	s1 =	sadd.s32 s1, s30  }
0xbb: {  	s0 =	sor.u32 s3, s0;
	s1 =	sshll.u32 s1, $0x11  }
0xbc: {  	s0 =	sor.u32 s1, s0  }
0xbd: {  	s0 =	sadd.s32 $0x8F2B, s0  }
0xbe: {  	[sflag:s0] =	ssyncadd.remote.s32 $0x1  }
0xbf: {  	_ =	sfence.sel $0xFFFF  }
0xc0: {  	[dreg:$0x0] =	wrdreg $0xFFFFFFFF;
	(pc) =	sbr.abs _section_cstart, $3  }
0xc1: {  	[dreg:$0x1] =	wrdreg $0xFFFFFFFF  }
0xc2: {  	_ =	task.clear_ibuf [dreg:s7], $0x2FFFF;
	_ =	strace $0x9FFFFFFF  }
0xc3: {  	(tm) =	ssettm $0x7FFFFFFF  }
tec
execute0_lowered:
.L_overlay_start_1:
0x0: {  	(tag) =	ssettag $0x1  }
0x1: {  	s7 =	rddreg [dreg:$0x0]  }
0x2: {  	s4 =	rddreg [dreg:$0x1]  }
0x3: {  	s0 =	stileid.u32;
	s1 =	srdreg.scid  }
0x4: {  	s2 =	rddreg [dreg:$0x2];
	s3 =	simm.s32 $0x0;
	s13 =	simm.s32 $0x180  }
0x5: {  	s14 =	simm.s32 $0x200;
	s15 =	simm.s32 $0x280;
	s16 =	simm.s32 $0x0  }
0x6: {  	s5 =	smul.u32 $0x280, s0;
	s6 =	sand.u32 $0x1, s1;
	s1 =	rddreg [dreg:$0x3]  }
0x7: {  	[smem:$0x7FF] =	sst s3;
	s30 =	sshll.u32 s0, $0x6;
	s12 =	sshll.u32 s0, $0x5  }
0x8: {  	s8 =	smul.u32 $0x2800, s6;
	_ =	strace $0x80000047;
	s10 =	ssub.s32 $0x2, s6  }
0x9: {  	s11 =	sshll.u32 s6, $0x9;
	s6 =	sor.u32 $0x1C01, s30;
	s31 =	sand.u32 $0x180, s12  }
0xa: {  	s12 =	sand.u32 $0x60, s12;
	s9 =	sshrl.u32 s5, $0x3;
	s8 =	sadd.s32 s5, s8  }
0xb: {  	s29 =	sshrl.u32 s10, $0x1;
	s11 =	sadd.s32 s11, s7;
	s8 =	sshrl.u32 s8, $0x3  }
0xc: {  	s9 =	sadd.s32 s9, s4;
	s10 =	ssub.s32 s10, s29;
	s8 =	sadd.s32 s8, s4  }
0xd: {  	s4 =	sadd.s32 s5, s2;
	s5 =	sadd.s32 $0x1C00, s9;
	s9 =	sadd.s32 s31, s11  }
0xe: {  	s11 =	simm.s32 $0x1;
	s7 =	sadd.s32 $0x2200, s8;
	s8 =	smax.u32 s10, $0x1  }
0xf: {  	v0 =	vimm.f32 $1.000000000e+00;
	s9 =	sadd.s32 s12, s9;
	s10 =	sshrl.u32 s4, $0x3;
	s12 =	simm.s32 $0x80  }
.LBB2_1:
0x10: {  	[spmem:s10], [sflag:s6] =	dma.local [hbm:s5], $0x50  }
0x11: {  	_ =	swait.ge [sflag:s11], $0x50  }
0x12: {  	[sflag:s11] =	ssyncset.done $0x0  }
0x13: {  	[sflag:s11] =	ssyncadd.s32 $0xFFFFFFB0  }
0x14: {  	[tilespmem:$0x200] =	vst v0  }
0x15: {  	[tilespmem:$0x210] =	vst v0  }
0x16: {  	[tilespmem:$0x220] =	vst v0  }
0x17: {  	[tilespmem:$0x230] =	vst v0  }
0x18: {  	[tilespmem:$0x240] =	vst v0  }
0x19: {  	[tilespmem:$0x250] =	vst v0  }
0x1a: {  	[tilespmem:$0x260] =	vst v0  }
0x1b: {  	[tilespmem:$0x270] =	vst v0  }
0x1c: {  	s17 =	sadd.s32 $0x0, s9;
	[bflag:$0x0] =	sbarrier.arrive $0xFFFF  }
0x1d: {  	[tilespmem:s3], [sflag:$0x1] =	stream.linear.gather [hbm4b:s17+s3], $0x100, $0x38;
	[tilespmem:$0x780] =	vst v63  }
0x1e: {  	_ =	swait.ge [sflag:s11], $0x100  }
0x1f: {  	[sflag:s11] =	ssyncset.done $0x0  }
0x20: {  	[sflag:s11] =	ssyncadd.s32 $0xFFFFFF00  }
0x21: {  	v1 =	vld [tilespmem:$0x0]  }
0x22: {  	v3 =	vld [tilespmem:$0x60];
	_ =	sdelay $0x2  }
0x23: {  	v2 =	vld [tilespmem:$0x70]  }
0x24: {  	v5 =	vld [tilespmem:$0x50];
	v4 =	vshrl.u32 v1, $0xF  }
0x25: {  	v6 =	vld [tilespmem:$0x20];
	v8 =	vand.u32 $0x7FFF, v3;
	[tilespmem:$0x180] =	vst v4  }
0x26: {  	v3 =	vshrl.u32 v3, $0xF;
	[tilespmem:$0x160] =	vst v8  }
0x27: {  	v7 =	vld [tilespmem:$0x10];
	v1 =	vand.u32 $0x7FFF, v1;
	[tilespmem:$0x1E0] =	vst v3  }
0x28: {  	v4 =	vand.u32 $0x7FFF, v2;
	[tilespmem:$0x100] =	vst v1  }
0x29: {  	v1 =	vshrl.u32 v5, $0xF;
	[tilespmem:$0x170] =	vst v4  }
0x2a: {  	v8 =	vand.u32 $0x7FFF, v6;
	v4 =	vld [tilespmem:$0x30];
	[tilespmem:$0x1D0] =	vst v1  }
0x2b: {  	v2 =	vshrl.u32 v2, $0xF;
	[tilespmem:$0x120] =	vst v8  }
0x2c: {  	v3 =	vld [tilespmem:$0x40];
	v1 =	vshrl.u32 v7, $0xF;
	[tilespmem:$0x1F0] =	vst v2  }
0x2d: {  	v2 =	vshrl.u32 v6, $0xF;
	[tilespmem:$0x190] =	vst v1  }
0x2e: {  	[tilespmem:$0x1A0] =	vst v2;
	v2 =	vand.u32 $0x7FFF, v7  }
0x2f: {  	[tilespmem:$0x110] =	vst v2;
	v8 =	vand.u32 $0x7FFF, v4  }
0x30: {  	v1 =	vshrl.u32 v4, $0xF;
	[tilespmem:$0x130] =	vst v8  }
0x31: {  	[tilespmem:$0x1B0] =	vst v1;
	v1 =	vand.u32 $0x7FFF, v3  }
0x32: {  	[tilespmem:$0x140] =	vst v1;
	v1 =	vand.u32 $0x7FFF, v5  }
0x33: {  	[tilespmem:$0x150] =	vst v1;
	v1 =	vshrl.u32 v3, $0xF  }
0x34: {  	[tilespmem:$0x1C0] =	vst v1  }
0x35: {  	[spmem:s2] =	stream.indirect.scatter.add.f32 [tilespmem:s14], [sflag:$0x1], $0x1, s13, s12, $0xb8;
	[tilespmem:$0x780] =	vst v63  }
0x36: {  	_ =	swait.ge [sflag:s11], $0x80  }
0x37: {  	[sflag:s11] =	ssyncset.done $0x0  }
0x38: {  	[sflag:s11] =	ssyncadd.s32 $0xFFFFFF80  }
0x39: {  	v3 =	vld [tilespmem:$0x80]  }
0x3a: {  	v5 =	vld [tilespmem:$0x90]  }
0x3b: {  	v1 =	vld [tilespmem:$0xA0]  }
0x3c: {  	v4 =	vld [tilespmem:$0xB0]  }
0x3d: {  	v6 =	vld [tilespmem:$0xC0]  }
0x3e: {  	v2 =	vld [tilespmem:$0xD0];
	v8 =	vand.u32 $0x7FFF, v3  }
0x3f: {  	s18 =	simm.s32 $0x800;
	s17 =	simm.s32 $0x400;
	v7 =	vshrl.u32 v3, $0xF;
	v3 =	vand.u32 $0x7FFF, v5;
	[tilespmem:$0x100] =	vst v8;
	v8 =	vshrl.u32 v5, $0xF;
	v5 =	vld [tilespmem:$0xE0]  }
.LBB2_2:
0x40: {  	p0 =	sne.s32 s18, $0xA000;
	[tilespmem:$0x190] =	vst v8;
	v8 =	vand.u32 $0x7FFF, v1;
	v9 =	vld [tilespmem:$0xF0];
	s19 =	smov.u32 s18;
	s18 =	sadd.s32 $0x400, s18  }
0x41: {  	[tilespmem:$0x120] =	vst v8;
	v8 =	vand.u32 $0x7FFF, v4;
	v4 =	vshrl.u32 v4, $0xF  }
0x42: {  	[tilespmem:$0x180] =	vst v7;
	v7 =	vand.u32 $0x7FFF, v6;
	v6 =	vshrl.u32 v6, $0xF  }
0x43: {  	[tilespmem:$0x1B0] =	vst v4  }
0x44: {  	[tilespmem:$0x140] =	vst v7;
	v4 =	vand.u32 $0x7FFF, v5;
	v5 =	vshrl.u32 v5, $0xF  }
0x45: {  	[tilespmem:$0x1C0] =	vst v6;
	v6 =	vand.u32 $0x7FFF, v9;
	v7 =	vshrl.u32 v9, $0xF  }
0x46: {  	[tilespmem:$0x170] =	vst v6  }
0x47: {  	v6 =	vand.u32 $0x7FFF, v2;
	[tilespmem:$0x1F0] =	vst v7  }
0x48: {  	v2 =	vshrl.u32 v2, $0xF;
	[tilespmem:$0x150] =	vst v6  }
0x49: {  	[tilespmem:$0x1D0] =	vst v2  }
0x4a: {  	v1 =	vshrl.u32 v1, $0xF;
	[tilespmem:$0x110] =	vst v3  }
0x4b: {  	[tilespmem:$0x1A0] =	vst v1  }
0x4c: {  	[tilespmem:$0x1E0] =	vst v5  }
0x4d: {  	[tilespmem:$0x160] =	vst v4  }
0x4e: {  	[tilespmem:$0x130] =	vst v8  }
0x4f: {  	[spmem:s2] =	stream.indirect.scatter.add.f32 [tilespmem:s14], [sflag:$0x1], $0x1, s13, s12, $0xb8;
	[tilespmem:$0x780] =	vst v63  }
0x50: {  	_ =	swait.ge [sflag:s11], $0x80  }
0x51: {  	[sflag:s11] =	ssyncset.done $0x0  }
0x52: {  	s20 =	sadd.s32 s17, s9;
	s17 =	smov.u32 s19;
	[sflag:s11] =	ssyncadd.s32 $0xFFFFFF80  }
0x53: {  	[tilespmem:s3], [sflag:$0x1] =	stream.linear.gather [hbm4b:s20+s3], $0x100, $0x38;
	[tilespmem:$0x780] =	vst v63  }
0x54: {  	_ =	swait.ge [sflag:s11], $0x100  }
0x55: {  	[sflag:s11] =	ssyncset.done $0x0  }
0x56: {  	[sflag:s11] =	ssyncadd.s32 $0xFFFFFF00  }
0x57: {  	v1 =	vld [tilespmem:$0x40]  }
0x58: {  	v2 =	vld [tilespmem:$0x0]  }
0x59: {  	v3 =	vld [tilespmem:$0x70]  }
0x5a: {  	v4 =	vld [tilespmem:$0x60]  }
0x5b: {  	v5 =	vld [tilespmem:$0x30]  }
0x5c: {  	v6 =	vld [tilespmem:$0x20]  }
0x5d: {  	v7 =	vand.u32 $0x7FFF, v2;
	v2 =	vshrl.u32 v2, $0xF;
	v8 =	vld [tilespmem:$0x50]  }
0x5e: {  	v9 =	vand.u32 $0x7FFF, v1;
	v1 =	vshrl.u32 v1, $0xF;
	[tilespmem:$0x180] =	vst v2;
	v2 =	vld [tilespmem:$0x10];
	v10 =	vand.u32 $0x7FFF, v3  }
0x5f: {  	v3 =	vshrl.u32 v3, $0xF;
	v11 =	vand.u32 $0x7FFF, v4;
	v4 =	vshrl.u32 v4, $0xF;
	[tilespmem:$0x170] =	vst v10  }
0x60: {  	v10 =	vand.u32 $0x7FFF, v5;
	v5 =	vshrl.u32 v5, $0xF;
	[tilespmem:$0x160] =	vst v11  }
0x61: {  	v11 =	vand.u32 $0x7FFF, v6;
	v6 =	vshrl.u32 v6, $0xF;
	[tilespmem:$0x1E0] =	vst v4  }
0x62: {  	[tilespmem:$0x100] =	vst v7;
	v4 =	vand.u32 $0x7FFF, v8;
	v7 =	vshrl.u32 v8, $0xF  }
0x63: {  	v8 =	vshrl.u32 v2, $0xF;
	[tilespmem:$0x1D0] =	vst v7  }
0x64: {  	v2 =	vand.u32 $0x7FFF, v2;
	[tilespmem:$0x120] =	vst v11  }
0x65: {  	[tilespmem:$0x190] =	vst v8  }
0x66: {  	[tilespmem:$0x130] =	vst v10  }
0x67: {  	[tilespmem:$0x1B0] =	vst v5  }
0x68: {  	[tilespmem:$0x1F0] =	vst v3  }
0x69: {  	[tilespmem:$0x140] =	vst v9  }
0x6a: {  	[tilespmem:$0x1A0] =	vst v6  }
0x6b: {  	[tilespmem:$0x150] =	vst v4  }
0x6c: {  	[tilespmem:$0x110] =	vst v2  }
0x6d: {  	[tilespmem:$0x1C0] =	vst v1  }
0x6e: {  	[spmem:s2] =	stream.indirect.scatter.add.f32 [tilespmem:s14], [sflag:$0x1], $0x1, s13, s12, $0xb8;
	[tilespmem:$0x780] =	vst v63  }
0x6f: {  	_ =	swait.ge [sflag:s11], $0x80  }
0x70: {  	[sflag:s11] =	ssyncset.done $0x0  }
0x71: {  	[sflag:s11] =	ssyncadd.s32 $0xFFFFFF80  }
0x72: {  	v2 =	vld [tilespmem:$0x80]  }
0x73: {  	v5 =	vld [tilespmem:$0x90]  }
.Ltmp0:
0x74: {  	v1 =	vld [tilespmem:$0xA0];
	(pc) =	sbr.rel @p0 .LBB2_2-.Ltmp0, $4  }
0x75: {  	v4 =	vld [tilespmem:$0xB0]  }
0x76: {  	v6 =	vld [tilespmem:$0xC0]  }
0x77: {  	v3 =	vand.u32 $0x7FFF, v2;
	v7 =	vshrl.u32 v2, $0xF;
	v2 =	vld [tilespmem:$0xD0]  }
0x78: {  	[tilespmem:$0x100] =	vst v3;
	v3 =	vand.u32 $0x7FFF, v5;
	v8 =	vshrl.u32 v5, $0xF;
	v5 =	vld [tilespmem:$0xE0]  }
0x79: {  	[tilespmem:$0x190] =	vst v8  }
0x7a: {  	[tilespmem:$0x180] =	vst v7  }
0x7b: {  	v39 =	vand.u32 $0x7FFF, v1;
	[tilespmem:$0x110] =	vst v3  }
0x7c: {  	v1 =	vshrl.u32 v1, $0xF;
	[tilespmem:$0x120] =	vst v39  }
0x7d: {  	v40 =	vshrl.u32 v4, $0xF;
	[tilespmem:$0x1A0] =	vst v1  }
0x7e: {  	v41 =	vand.u32 $0x7FFF, v6;
	[tilespmem:$0x1B0] =	vst v40  }
0x7f: {  	v9 =	vld [tilespmem:$0xF0];
	v42 =	vshrl.u32 v6, $0xF;
	[tilespmem:$0x140] =	vst v41  }
0x80: {  	[tilespmem:$0x1C0] =	vst v42;
	v45 =	vand.u32 $0x7FFF, v2  }
0x81: {  	v2 =	vshrl.u32 v2, $0xF;
	[tilespmem:$0x150] =	vst v45  }
0x82: {  	[tilespmem:$0x1D0] =	vst v2;
	v2 =	vshrl.u32 v5, $0xF  }
0x83: {  	v1 =	vand.u32 $0x7FFF, v5;
	[tilespmem:$0x1E0] =	vst v2  }
0x84: {  	v43 =	vand.u32 $0x7FFF, v9;
	[tilespmem:$0x160] =	vst v1  }
0x85: {  	v44 =	vshrl.u32 v9, $0xF;
	[tilespmem:$0x170] =	vst v43  }
0x86: {  	v2 =	vand.u32 $0x7FFF, v4;
	[tilespmem:$0x1F0] =	vst v44  }
0x87: {  	[tilespmem:$0x130] =	vst v2  }
0x88: {  	[spmem:s2] =	stream.indirect.scatter.add.f32 [tilespmem:s14], [sflag:$0x1], $0x1, s13, s12, $0xb8;
	[tilespmem:$0x780] =	vst v63  }
0x89: {  	_ =	swait.ge [sflag:s11], $0x80  }
0x8a: {  	[sflag:s11] =	ssyncset.done $0x0  }
0x8b: {  	s17 =	sadd.s32 s17, s9;
	[sflag:s11] =	ssyncadd.s32 $0xFFFFFF80  }
0x8c: {  	[tilespmem:s3], [sflag:$0x1] =	stream.linear.gather [hbm4b:s17+s3], $0x100, $0x38;
	[tilespmem:$0x780] =	vst v63  }
0x8d: {  	_ =	swait.ge [sflag:s11], $0x100  }
0x8e: {  	[sflag:s11] =	ssyncset.done $0x0  }
0x8f: {  	[sflag:s11] =	ssyncadd.s32 $0xFFFFFF00  }
0x90: {  	v1 =	vld [tilespmem:$0x0]  }
0x91: {  	v2 =	vld [tilespmem:$0x70]  }
0x92: {  	v3 =	vld [tilespmem:$0x60];
	_ =	sdelay $0x2  }
0x93: {  	v48 =	vld [tilespmem:$0x20];
	v46 =	vshrl.u32 v1, $0xF  }
0x94: {  	v52 =	vld [tilespmem:$0x30];
	v49 =	vand.u32 $0x7FFF, v2;
	[tilespmem:$0x180] =	vst v46  }
0x95: {  	v51 =	vand.u32 $0x7FFF, v3;
	[tilespmem:$0x170] =	vst v49  }
0x96: {  	v47 =	vld [tilespmem:$0x50];
	v3 =	vshrl.u32 v3, $0xF;
	[tilespmem:$0x160] =	vst v51  }
0x97: {  	v1 =	vand.u32 $0x7FFF, v1;
	[tilespmem:$0x1E0] =	vst v3  }
0x98: {  	v50 =	vld [tilespmem:$0x10];
	v53 =	vand.u32 $0x7FFF, v48;
	[tilespmem:$0x100] =	vst v1  }
0x99: {  	v54 =	vand.u32 $0x7FFF, v52;
	[tilespmem:$0x120] =	vst v53  }
0x9a: {  	v2 =	vshrl.u32 v2, $0xF;
	[tilespmem:$0x130] =	vst v54  }
0x9b: {  	v1 =	vshrl.u32 v47, $0xF;
	v3 =	vld [tilespmem:$0x40];
	[tilespmem:$0x1F0] =	vst v2  }
0x9c: {  	v2 =	vshrl.u32 v48, $0xF;
	[tilespmem:$0x1D0] =	vst v1  }
0x9d: {  	v1 =	vshrl.u32 v50, $0xF;
	[tilespmem:$0x1A0] =	vst v2  }
0x9e: {  	v2 =	vand.u32 $0x7FFF, v50;
	[tilespmem:$0x190] =	vst v1  }
0x9f: {  	v1 =	vshrl.u32 v52, $0xF;
	[tilespmem:$0x110] =	vst v2  }
0xa0: {  	[tilespmem:$0x1B0] =	vst v1;
	v1 =	vand.u32 $0x7FFF, v3  }
0xa1: {  	[tilespmem:$0x140] =	vst v1;
	v1 =	vand.u32 $0x7FFF, v47  }
0xa2: {  	[tilespmem:$0x150] =	vst v1;
	v1 =	vshrl.u32 v3, $0xF  }
0xa3: {  	[tilespmem:$0x1C0] =	vst v1  }
0xa4: {  	[spmem:s2] =	stream.indirect.scatter.add.f32 [tilespmem:s14], [sflag:$0x1], $0x1, s13, s12, $0xb8;
	[tilespmem:$0x780] =	vst v63  }
0xa5: {  	_ =	swait.ge [sflag:s11], $0x80  }
0xa6: {  	[sflag:s11] =	ssyncset.done $0x0  }
0xa7: {  	[sflag:s11] =	ssyncadd.s32 $0xFFFFFF80  }
0xa8: {  	v1 =	vld [tilespmem:$0x80]  }
0xa9: {  	v2 =	vld [tilespmem:$0x90]  }
0xaa: {  	v3 =	vld [tilespmem:$0xA0];
	_ =	sdelay $0x1  }
0xab: {  	v55 =	vld [tilespmem:$0xB0]  }
0xac: {  	v56 =	vld [tilespmem:$0xC0];
	v57 =	vand.u32 $0x7FFF, v1  }
0xad: {  	v60 =	vld [tilespmem:$0xF0];
	v58 =	vshrl.u32 v2, $0xF;
	[tilespmem:$0x100] =	vst v57  }
0xae: {  	v59 =	vand.u32 $0x7FFF, v3;
	[tilespmem:$0x190] =	vst v58  }
0xaf: {  	v1 =	vshrl.u32 v1, $0xF;
	[tilespmem:$0x120] =	vst v59  }
0xb0: {  	v63 =	vld [tilespmem:$0xE0];
	v62 =	vshrl.u32 v55, $0xF;
	[tilespmem:$0x180] =	vst v1  }
0xb1: {  	v5 =	vshrl.u32 v56, $0xF;
	[tilespmem:$0x1B0] =	vst v62  }
0xb2: {  	v7 =	vshrl.u32 v60, $0xF;
	[tilespmem:$0x1C0] =	vst v5  }
0xb3: {  	v61 =	vld [tilespmem:$0xD0];
	v2 =	vand.u32 $0x7FFF, v2;
	[tilespmem:$0x1F0] =	vst v7  }
0xb4: {  	v1 =	vand.u32 $0x7FFF, v56;
	[tilespmem:$0x110] =	vst v2  }
0xb5: {  	v2 =	vshrl.u32 v63, $0xF;
	[tilespmem:$0x140] =	vst v1  }
0xb6: {  	v1 =	vand.u32 $0x7FFF, v60;
	[tilespmem:$0x1E0] =	vst v2  }
0xb7: {  	v2 =	vand.u32 $0x7FFF, v55;
	[tilespmem:$0x170] =	vst v1  }
0xb8: {  	v1 =	vand.u32 $0x7FFF, v61;
	[tilespmem:$0x130] =	vst v2  }
0xb9: {  	[tilespmem:$0x150] =	vst v1;
	v1 =	vshrl.u32 v61, $0xF  }
0xba: {  	[tilespmem:$0x1D0] =	vst v1;
	v1 =	vshrl.u32 v3, $0xF  }
0xbb: {  	[tilespmem:$0x1A0] =	vst v1;
	v1 =	vand.u32 $0x7FFF, v63  }
0xbc: {  	[tilespmem:$0x160] =	vst v1  }
0xbd: {  	[spmem:s2] =	stream.indirect.scatter.add.f32 [tilespmem:s14], [sflag:$0x1], $0x1, s13, s12, $0xb8;
	[tilespmem:$0x780] =	vst v63  }
0xbe: {  	_ =	swait.ge [sflag:s11], $0x80  }
0xbf: {  	[sflag:s11] =	ssyncset.done $0x0  }
0xc0: {  	[sflag:s11] =	ssyncadd.s32 $0xFFFFFF80  }
0xc1: {  	[bflag:$0x0] =	sbarrier.arrive $0xFFFF  }
0xc2: {  	[tilespmem:s15], [sflag:$0x1] =	stream.linear.gather [spmem:s4], $0x280, $0x38;
	[tilespmem:$0x780] =	vst v63  }
0xc3: {  	s16 =	sadd.s32 $0x1, s16;
	_ =	swait.ge [sflag:s11], $0x280  }
0xc4: {  	p0 =	sne.s32 s16, s8;
	[sflag:s11] =	ssyncset.done $0x0  }
.Ltmp1:
0xc5: {  	[sflag:s11] =	ssyncadd.s32 $0xFFFFFD80;
	(pc) =	sbr.rel @p0 .LBB2_1-.Ltmp1, $4  }
0xc6: {  	[hbm4b:s7+s3] =	stream.linear.scatter [tilespmem:s15], [sflag:$0x1], $0x280, $0x38;
	[tilespmem:$0x780] =	vst v63  }
0xc7: {  	_ =	swait.ge [sflag:s11], $0x280  }
0xc8: {  	[sflag:s11] =	ssyncset.done $0x0  }
0xc9: {  	[sflag:s11] =	ssyncadd.s32 $0xFFFFFD80  }
0xca: {  	_ =	sfence.sel $0x180000  }
0xcb: {  	[bflag:$0x0] =	sbarrier.arrive $0xFFFF  }
0xcc: {  	p0 =	sne.s32 s0, $0x0;
	_ =	strace $0x90000047  }
0xcd: {  	s0 =	sadd.s32 @!p0 $0x100000, s1;
	[bflag:$0x2] =	sbarrier.arrive $0xFFFF  }
0xce: {  	[sflag:s0] =	ssyncadd.tile.s32 @!p0 $0x1;
	_ =	shalt  }
.Lfunc_end2:
_tile_overlayer_lowered:
.L_overlay_start_2:
0xcf: {  	(tag) =	ssettag $0x2  }
0xd0: {  	s0 =	rddreg [dreg:$0x0];
	s2 =	stileid.u32  }
0xd1: {  	s1 =	rddreg [dreg:$0x1];
	p0 =	sne.s32 s2, $0x0  }
0xd2: {  	s3 =	rddreg [dreg:$0x2];
	[bflag:$0x3] =	sbarrier.arrive $0xFFFF;
	s2 =	simm.s32 @!p0 $0x1C01  }
0xd3: {  	[timem:s3], [sflag:s2] =	dma.local @!p0 [hbm:s0], s1  }
0xd4: {  	s0 =	simm.s32 @!p0 $0x1  }
0xd5: {  	_ =	swait.ge @!p0 [sflag:s0], s1  }
0xd6: {  	s1 =	ssub.s32 @!p0 $0x0, s1;
	[sflag:s0] =	ssyncset.done @!p0 $0x0  }
0xd7: {  	[sflag:s0] =	ssyncadd.s32 @!p0 s1  }
0xd8: {  	[bflag:$0x3] =	sbarrier.arrive $0xFFFF  }
0xd9: {  	_ =	shalt  }

</sc_bundles>
